<compile_context>
chip_gen: v7x
topology: tpu7x:2x2x1
jax: 0.10.2.dev20260603
libtpu: 0.0.44.dev20260713+nightly
codegen_flags: <defaults>
</compile_context>

<pallas_src>
import jax
import jax.numpy as jnp
from jax import lax
from jax.experimental import pallas as pl
from jax.experimental.pallas import tpu as pltpu
from jax.experimental.pallas import tpu_sc as plsc

N = 10000
E = 320000
DF = 128
HD = 64
HEADS = 8
OC1 = 8

NC = 2
NS = 16
NW = NC * NS
EW = E // NW
B = 80
CH = 125
NP = 10240
NPT = NP // NS

f32 = jnp.float32
i32 = jnp.int32

_PREC = lax.Precision.DEFAULT


def _dense1_body(x_ref, w1_ref, as_ref, ad_ref, h_ref, asrc_ref, adst_ref):
    h = jnp.dot(x_ref[...], w1_ref[...], preferred_element_type=f32,
                precision=_PREC)
    h_ref[...] = h
    asrc_ref[...] = jnp.dot(h, as_ref[...], preferred_element_type=f32,
                            precision=_PREC)
    adst_ref[...] = jnp.dot(h, ad_ref[...], preferred_element_type=f32,
                            precision=_PREC)


def _dense1(x, w1, a_src_mat, a_dst_mat):
    return pl.pallas_call(
        _dense1_body,
        out_shape=[
            jax.ShapeDtypeStruct((N, HD), f32),
            jax.ShapeDtypeStruct((N, HEADS), f32),
            jax.ShapeDtypeStruct((N, HEADS), f32),
        ],
    )(x, w1, a_src_mat, a_dst_mat)


def _edge1_body(asrc_hbm, adst_hbm, h_hbm, src3_hbm, dst3_hbm, z64_hbm,
                z8_hbm,
                num_out, den_out,
                num_sh, den_sh, src2_v, dst2_v,
                as_v0, ad_v0, h_v0, w_v0, msg_v0,
                as_v1, ad_v1, h_v1, w_v1, msg_v1,
                sem_g0, sem_g1, sem_s0, sem_s1):
    sid = lax.axis_index("s")
    cid = lax.axis_index("c")
    wid = sid * NC + cid
    r0 = sid * NPT

    as_v = (as_v0, as_v1)
    ad_v = (ad_v0, ad_v1)
    h_v = (h_v0, h_v1)
    w_v = (w_v0, w_v1)
    msg_v = (msg_v0, msg_v1)
    sem_g = (sem_g0, sem_g1)
    sem_s = (sem_s0, sem_s1)

    pltpu.sync_copy(src3_hbm.at[wid], src2_v)
    pltpu.sync_copy(dst3_hbm.at[wid], dst2_v)

    pltpu.sync_copy(z64_hbm.at[pl.ds(r0, NPT)], num_sh.at[pl.ds(r0, NPT)])
    pltpu.sync_copy(z8_hbm.at[pl.ds(r0, NPT)], den_sh.at[pl.ds(r0, NPT)])
    plsc.subcore_barrier()

    io16 = lax.iota(i32, 16)
    half = io16 // 8
    col8 = io16 % 8

    def fire_gathers(c, s):
        pltpu.async_copy(asrc_hbm.at[src2_v.at[c]], as_v[s], sem_g[s])
        pltpu.async_copy(adst_hbm.at[dst2_v.at[c]], ad_v[s], sem_g[s])
        pltpu.async_copy(h_hbm.at[src2_v.at[c]], h_v[s], sem_g[s])

    def wait_gathers(s):
        pltpu.make_async_copy(asrc_hbm.at[src2_v.at[0]], as_v[s],
                              sem_g[s]).wait()
        pltpu.make_async_copy(adst_hbm.at[dst2_v.at[0]], ad_v[s],
                              sem_g[s]).wait()
        pltpu.make_async_copy(h_hbm.at[src2_v.at[0]], h_v[s],
                              sem_g[s]).wait()

    def fire_scatters(c, s):
        pltpu.async_copy(w_v[s], den_sh.at[dst2_v.at[c]], sem_s[s],
                         add=True)
        pltpu.async_copy(msg_v[s], num_sh.at[dst2_v.at[c]], sem_s[s],
                         add=True)

    def wait_scatters(s):
        pltpu.make_async_copy(w_v[s], den_sh.at[dst2_v.at[0]],
                              sem_s[s]).wait()
        pltpu.make_async_copy(msg_v[s], num_sh.at[dst2_v.at[0]],
                              sem_s[s]).wait()

    def compute(s):
        av, dv, hvr, wv, mv = as_v[s], ad_v[s], h_v[s], w_v[s], msg_v[s]

        def pair_body(e2, carry2):
            row = 2 * e2 + half
            x = (plsc.load_gather(av, [row, col8])
                 + plsc.load_gather(dv, [row, col8]))
            w16 = jnp.exp(jnp.maximum(x, 0.2 * x))
            plsc.store_scatter(wv, [row, col8], w16)
            for j in range(8):
                e = 2 * e2 + (j // 4)
                hvec = hvr[e, pl.ds((j % 4) * 16, 16)]
                bw = jnp.take_along_axis(w16, 2 * j + half, axis=0)
                mv[e, pl.ds((j % 4) * 16, 16)] = hvec * bw
            return carry2

        lax.fori_loop(0, B // 2, pair_body, 0, unroll=2)

    fire_gathers(0, 0)
    fire_gathers(1, 1)

    def pair_of_chunks(cc, carry):
        c0 = 2 * cc

        wait_gathers(0)

        @pl.when(cc != 0)
        def _():
            wait_scatters(0)

        compute(0)
        fire_scatters(c0, 0)
        fire_gathers(c0 + 2, 0)

        wait_gathers(1)

        @pl.when(cc != 0)
        def _():
            wait_scatters(1)

        compute(1)
        fire_scatters(c0 + 1, 1)

        @pl.when(c0 + 3 < CH)
        def _():
            fire_gathers(c0 + 3, 1)

        return carry

    lax.fori_loop(0, CH // 2, pair_of_chunks, 0)

    wait_gathers(0)
    wait_scatters(0)
    compute(0)
    fire_scatters(CH - 1, 0)
    wait_scatters(0)
    wait_scatters(1)

    plsc.subcore_barrier()

    pltpu.sync_copy(num_sh.at[pl.ds(r0, NPT)],
                    num_out.at[cid, pl.ds(r0, NPT)])
    pltpu.sync_copy(den_sh.at[pl.ds(r0, NPT)],
                    den_out.at[cid, pl.ds(r0, NPT)])


def _edge1(asrc, adst, h, src3, dst3, z64, z8):
    mesh = plsc.VectorSubcoreMesh(
        core_axis_name="c", subcore_axis_name="s",
        num_cores=NC, num_subcores=NS)
    buf = lambda: [
        pltpu.VMEM((B, HEADS), f32),
        pltpu.VMEM((B, HEADS), f32),
        pltpu.VMEM((B, HD), f32),
        pltpu.VMEM((B, HEADS), f32),
        pltpu.VMEM((B, HD), f32),
    ]
    fn = pl.kernel(
        _edge1_body,
        out_type=[
            jax.ShapeDtypeStruct((NC, NP, HD), f32),
            jax.ShapeDtypeStruct((NC, NP, HEADS), f32),
        ],
        mesh=mesh,
        compiler_params=pltpu.CompilerParams(needs_layout_passes=False, use_tc_tiling_on_sc=False),
        scratch_types=[
            pltpu.VMEM_SHARED((NP, HD), f32),
            pltpu.VMEM_SHARED((NP, HEADS), f32),
            pltpu.VMEM((CH, B), i32),
            pltpu.VMEM((CH, B), i32),
            *buf(),
            *buf(),
            pltpu.SemaphoreType.DMA,
            pltpu.SemaphoreType.DMA,
            pltpu.SemaphoreType.DMA,
            pltpu.SemaphoreType.DMA,
        ],
    )
    return fn(asrc, adst, h, src3, dst3, z64, z8)


def _combine_body(nump_ref, denp_ref, h_ref, asrc_ref, adst_ref, b1_ref,
                  k8_ref, w2_ref, sc2_ref, sd2_ref,
                  h2_ref, u_ref, v_ref):
    hmat = h_ref[...]
    al = asrc_ref[...] + adst_ref[...]
    wself = jnp.exp(jnp.maximum(al, 0.2 * al))
    den = denp_ref[0] + denp_ref[1] + wself
    wwide = jnp.dot(wself, k8_ref[...], preferred_element_type=f32,
                    precision=_PREC)
    num = nump_ref[0] + nump_ref[1] + wwide * hmat
    denw = jnp.dot(den, k8_ref[...], preferred_element_type=f32,
                   precision=_PREC) + 1e-16
    g = jnp.maximum(num / denw + b1_ref[...], 0.0)
    h2 = jnp.dot(g, w2_ref[...], preferred_element_type=f32,
                 precision=_PREC)
    h2_ref[...] = h2
    u_ref[...] = h2 * sc2_ref[...]
    v_ref[...] = h2 * sd2_ref[...]


_CR = 1000


def _combine(num_p, den_p, h, asrc, adst, b1, k8, w2, a_src2, a_dst2):
    row = lambda i: (i, 0)
    full = lambda i: (0, 0)
    return pl.pallas_call(
        _combine_body,
        grid=(N // _CR,),
        in_specs=[
            pl.BlockSpec((2, _CR, HD), lambda i: (0, i, 0)),
            pl.BlockSpec((2, _CR, HEADS), lambda i: (0, i, 0)),
            pl.BlockSpec((_CR, HD), row),
            pl.BlockSpec((_CR, HEADS), row),
            pl.BlockSpec((_CR, HEADS), row),
            pl.BlockSpec((1, HD), full),
            pl.BlockSpec((HEADS, HD), full),
            pl.BlockSpec((HD, 1), full),
            pl.BlockSpec((1, 1), full),
            pl.BlockSpec((1, 1), full),
        ],
        out_specs=[
            pl.BlockSpec((_CR, 1), row),
            pl.BlockSpec((_CR, 1), row),
            pl.BlockSpec((_CR, 1), row),
        ],
        out_shape=[
            jax.ShapeDtypeStruct((N, 1), f32),
            jax.ShapeDtypeStruct((N, 1), f32),
            jax.ShapeDtypeStruct((N, 1), f32),
        ],
    )(num_p, den_p, h, asrc, adst, b1, k8, w2, a_src2, a_dst2)


def _edge2_body(u_hbm, v_hbm, h2_hbm, src_hbm, dst_hbm,
                num2_out, den2_out,
                u_v, v_v, h2_v, src_v, dst_v, num2_v, den2_v):
    sid = lax.axis_index("s")
    cid = lax.axis_index("c")
    wid = sid * NC + cid

    pltpu.sync_copy(u_hbm, u_v)
    pltpu.sync_copy(v_hbm, v_v)
    pltpu.sync_copy(h2_hbm, h2_v)
    pltpu.sync_copy(src_hbm.at[pl.ds(wid * EW, EW)], src_v)
    pltpu.sync_copy(dst_hbm.at[pl.ds(wid * EW, EW)], dst_v)

    zero16 = jnp.zeros((16,), f32)

    def zbody(i, carry):
        num2_v[pl.ds(i * 16, 16)] = zero16
        den2_v[pl.ds(i * 16, 16)] = zero16
        return carry

    lax.fori_loop(0, N // 16, zbody, 0)

    def ebody(i, carry):
        s16 = src_v[pl.ds(i * 16, 16)]
        d16 = dst_v[pl.ds(i * 16, 16)]
        us = plsc.load_gather(u_v, [s16])
        vd = plsc.load_gather(v_v, [d16])
        hs = plsc.load_gather(h2_v, [s16])
        al = us + vd
        w = jnp.exp(jnp.maximum(al, 0.2 * al))
        plsc.addupdate_scatter(num2_v, [d16], w * hs)
        plsc.addupdate_scatter(den2_v, [d16], w)
        return carry

    lax.fori_loop(0, EW // 16, ebody, 0)

    pltpu.sync_copy(num2_v, num2_out.at[pl.ds(wid * N, N)])
    pltpu.sync_copy(den2_v, den2_out.at[pl.ds(wid * N, N)])


def _edge2(u, v, h2, src, dst):
    mesh = plsc.VectorSubcoreMesh(
        core_axis_name="c", subcore_axis_name="s",
        num_cores=NC, num_subcores=NS)
    fn = pl.kernel(
        _edge2_body,
        out_type=[
            jax.ShapeDtypeStruct((NW * N,), f32),
            jax.ShapeDtypeStruct((NW * N,), f32),
        ],
        mesh=mesh,
        compiler_params=pltpu.CompilerParams(needs_layout_passes=False, use_tc_tiling_on_sc=False),
        scratch_types=[
            pltpu.VMEM((N,), f32),
            pltpu.VMEM((N,), f32),
            pltpu.VMEM((N,), f32),
            pltpu.VMEM((EW,), i32),
            pltpu.VMEM((EW,), i32),
            pltpu.VMEM((N,), f32),
            pltpu.VMEM((N,), f32),
        ],
    )
    return fn(u, v, h2, src, dst)


def _final_body(nump_ref, denp_ref, u_ref, v_ref, h2_ref, b2_ref, out_ref):
    al = u_ref[...] + v_ref[...]
    ws = jnp.exp(jnp.maximum(al, 0.2 * al))
    nu = jnp.sum(nump_ref[...], axis=0, keepdims=True) + ws * h2_ref[...]
    de = jnp.sum(denp_ref[...], axis=0, keepdims=True) + ws + 1e-16
    r = nu / de
    out_ref[...] = jnp.sum(r, axis=1, keepdims=True) / N + b2_ref[...]


def _final(num2_p, den2_p, u_t, v_t, h2_t, b2):
    return pl.pallas_call(
        _final_body,
        out_shape=jax.ShapeDtypeStruct((1, 1), f32),
    )(num2_p, den2_p, u_t, v_t, h2_t, b2)


def kernel(x, edge_index, W1, a_src1, a_dst1, b1, W2, a_src2, a_dst2, b2):
    ei = edge_index.astype(i32)
    src = ei[0]
    dst = ei[1]

    rows = jnp.arange(HD, dtype=i32)
    a_src_mat = jnp.zeros((HD, HEADS), f32).at[rows, rows // OC1].set(
        a_src1.reshape(HD))
    a_dst_mat = jnp.zeros((HD, HEADS), f32).at[rows, rows // OC1].set(
        a_dst1.reshape(HD))
    k8 = jnp.kron(jnp.eye(HEADS, dtype=f32), jnp.ones((1, OC1), f32))

    z64 = jnp.zeros((NP, HD), f32)
    z8 = jnp.zeros((NP, HEADS), f32)

    h, asrc, adst = _dense1(x.astype(f32), W1, a_src_mat, a_dst_mat)
    num_p, den_p = _edge1(asrc, adst, h, src.reshape(NW, CH, B),
                          dst.reshape(NW, CH, B), z64, z8)
    h2, u, v = _combine(num_p, den_p, h, asrc, adst, b1.reshape(1, HD),
                        k8, W2, a_src2.reshape(1, 1), a_dst2.reshape(1, 1))
    num2_p, den2_p = _edge2(u.reshape(N), v.reshape(N), h2.reshape(N),
                            src, dst)
    out = _final(num2_p.reshape(NW, N), den2_p.reshape(NW, N),
                 u.reshape(1, N), v.reshape(1, N),
                 h2.reshape(1, N), b2.reshape(1, 1))
    return out

# --- scband reference (transcript-rebuilt; emitter-appended) ---
"""Pipeline reference for scband-model-regressor-16406775071385 (READ-ONLY COPY).

The authoritative reference and input builder live on the scoring server;
editing this copy changes nothing except your own understanding.
"""

import jax, jax.numpy as jnp
import numpy as np

N_NODES = 10000
N_EDGES = 320000
D_FEAT = 128
HDIM = 64
HEADS = 8


def gat_conv(x, edge_index, W, a_src, a_dst, bias, heads, out_ch, concat, negative_slope=0.2):
    N = x.shape[0]
    loop = jnp.arange(N, dtype=edge_index.dtype)
    ei = jnp.concatenate([edge_index, jnp.stack([loop, loop])], axis=1)
    src, dst = ei[0], ei[1]
    h = (x @ W).reshape(N, heads, out_ch)
    alpha_src = jnp.sum(h * a_src, axis=-1)
    alpha_dst = jnp.sum(h * a_dst, axis=-1)
    alpha = alpha_src[src] + alpha_dst[dst]
    alpha = jax.nn.leaky_relu(alpha, negative_slope)
    amax = jax.ops.segment_max(alpha, dst, num_segments=N)
    amax = jnp.where(jnp.isfinite(amax), amax, 0.0)
    ealpha = jnp.exp(alpha - amax[dst])
    denom = jax.ops.segment_sum(ealpha, dst, num_segments=N)
    ealpha = ealpha / (denom[dst] + 1e-16)
    msg = h[src] * ealpha[..., None]
    out = jax.ops.segment_sum(msg, dst, num_segments=N)
    if concat:
        out = out.reshape(N, heads * out_ch)
    else:
        out = out.mean(axis=1)
    return out + bias


def setup_inputs(seed: int = 0) -> dict:
    key = jax.random.key(seed)
    ks = jax.random.split(key, 12)
    x = jax.random.normal(ks[0], (N_NODES, D_FEAT), dtype=jnp.float32)
    edge_index = jax.random.randint(ks[1], (2, N_EDGES), 0, N_NODES, dtype=jnp.int64)
    oc1 = HDIM // HEADS
    W1 = jax.random.normal(ks[2], (D_FEAT, HEADS * oc1), dtype=jnp.float32) * (1.0 / np.sqrt(D_FEAT))
    a_src1 = jax.random.normal(ks[3], (HEADS, oc1), dtype=jnp.float32) * 0.1
    a_dst1 = jax.random.normal(ks[4], (HEADS, oc1), dtype=jnp.float32) * 0.1
    b1 = jnp.zeros((HEADS * oc1,), dtype=jnp.float32)
    W2 = jax.random.normal(ks[5], (HDIM, 1), dtype=jnp.float32) * (1.0 / np.sqrt(HDIM))
    a_src2 = jax.random.normal(ks[6], (1, 1), dtype=jnp.float32) * 0.1
    a_dst2 = jax.random.normal(ks[7], (1, 1), dtype=jnp.float32) * 0.1
    b2 = jnp.zeros((1,), dtype=jnp.float32)
    return {"x": x, "edge_index": edge_index, "W1": W1, "a_src1": a_src1, "a_dst1": a_dst1, "b1": b1, "W2": W2, "a_src2": a_src2, "a_dst2": a_dst2, "b2": b2}


def reference(x, edge_index, W1, a_src1, a_dst1, b1, W2, a_src2, a_dst2, b2):
    oc1 = HDIM // HEADS
    h = gat_conv(x.astype(jnp.float32), edge_index, W1, a_src1, a_dst1, b1, HEADS, oc1, True)
    h = jax.nn.relu(h)
    # dropout is identity (eval-mode reference)
    h = gat_conv(h, edge_index, W2, a_src2, a_dst2, b2, 1, 1, False)
    # global_mean_pool with batch = zeros -> single graph mean
    out = jnp.mean(h, axis=0, keepdims=True)
    return out

if __name__ == "__main__":
    import jax
    _d = setup_inputs()
    print(jax.jit(kernel)(*tuple(_d.values())))

</pallas_src>

<mosaic_0001>
#map = affine_map<(d0, d1) -> (0)>
module attributes {stable_mosaic.version = 14 : i64} {
  func.func @_edge2_body(%arg0: i32, %arg1: i32, %arg2: memref<10000xf32, #tpu.memory_space<hbm>>, %arg3: memref<10000xf32, #tpu.memory_space<hbm>>, %arg4: memref<10000xf32, #tpu.memory_space<hbm>>, %arg5: memref<320000xi32, #tpu.memory_space<hbm>>, %arg6: memref<320000xi32, #tpu.memory_space<hbm>>, %arg7: memref<320000xf32, #tpu.memory_space<hbm>>, %arg8: memref<320000xf32, #tpu.memory_space<hbm>>, %arg9: memref<10000xf32, #tpu.memory_space<vmem>>, %arg10: memref<10000xf32, #tpu.memory_space<vmem>>, %arg11: memref<10000xf32, #tpu.memory_space<vmem>>, %arg12: memref<10000xi32, #tpu.memory_space<vmem>>, %arg13: memref<10000xi32, #tpu.memory_space<vmem>>, %arg14: memref<10000xf32, #tpu.memory_space<vmem>>, %arg15: memref<10000xf32, #tpu.memory_space<vmem>>) attributes {dimension_semantics = [#tpu.dimension_semantics<core_parallel>, #tpu.dimension_semantics<subcore_parallel>], iteration_bounds = array<i64: 2, 16>, scalar_prefetch = 0 : i64, scratch_operands = 7 : i64, tpu.core_type = #tpu.core_type<sc_vector_subcore>, window_params = [{transform_indices = #map}, {transform_indices = #map}, {transform_indices = #map}, {transform_indices = #map}, {transform_indices = #map}, {transform_indices = #map}, {transform_indices = #map}]} {
    %mul3A = arith.constant 2 : i32
    %mul3A_0 = arith.muli %arg1, %mul3A : i32
    %add3A = arith.addi %mul3A_0, %arg0 : i32
    "tpu.region"() ({
      %run_scoped3A = tpu.sem_alloc : memref<!tpu.dma_semaphore, #tpu.memory_space<semaphore_mem>>
      tpu.enqueue_dma source(%arg2 : memref<10000xf32, #tpu.memory_space<hbm>>) target(%arg9 : memref<10000xf32, #tpu.memory_space<vmem>>) target_semaphore(%run_scoped3A : memref<!tpu.dma_semaphore, #tpu.memory_space<semaphore_mem>>)
      tpu.wait_dma2 semaphore(%run_scoped3A : memref<!tpu.dma_semaphore, #tpu.memory_space<semaphore_mem>>) src(%arg2 : memref<10000xf32, #tpu.memory_space<hbm>>) dst(%arg9 : memref<10000xf32, #tpu.memory_space<vmem>>)
      tpu.yield
    }) : () -> ()
    "tpu.region"() ({
      %run_scoped3A = tpu.sem_alloc : memref<!tpu.dma_semaphore, #tpu.memory_space<semaphore_mem>>
      tpu.enqueue_dma source(%arg3 : memref<10000xf32, #tpu.memory_space<hbm>>) target(%arg10 : memref<10000xf32, #tpu.memory_space<vmem>>) target_semaphore(%run_scoped3A : memref<!tpu.dma_semaphore, #tpu.memory_space<semaphore_mem>>)
      tpu.wait_dma2 semaphore(%run_scoped3A : memref<!tpu.dma_semaphore, #tpu.memory_space<semaphore_mem>>) src(%arg3 : memref<10000xf32, #tpu.memory_space<hbm>>) dst(%arg10 : memref<10000xf32, #tpu.memory_space<vmem>>)
      tpu.yield
    }) : () -> ()
    "tpu.region"() ({
      %run_scoped3A = tpu.sem_alloc : memref<!tpu.dma_semaphore, #tpu.memory_space<semaphore_mem>>
      tpu.enqueue_dma source(%arg4 : memref<10000xf32, #tpu.memory_space<hbm>>) target(%arg11 : memref<10000xf32, #tpu.memory_space<vmem>>) target_semaphore(%run_scoped3A : memref<!tpu.dma_semaphore, #tpu.memory_space<semaphore_mem>>)
      tpu.wait_dma2 semaphore(%run_scoped3A : memref<!tpu.dma_semaphore, #tpu.memory_space<semaphore_mem>>) src(%arg4 : memref<10000xf32, #tpu.memory_space<hbm>>) dst(%arg11 : memref<10000xf32, #tpu.memory_space<vmem>>)
      tpu.yield
    }) : () -> ()
    %mul3A_1 = arith.constant 10000 : i32
    %mul3A_2 = arith.muli %add3A, %mul3A_1 : i32
    "tpu.region"() ({
      %run_scoped3A = tpu.sem_alloc : memref<!tpu.dma_semaphore, #tpu.memory_space<semaphore_mem>>
      %dma_start3A = tpu.memref_slice %arg5[%mul3A_2] : memref<320000xi32, #tpu.memory_space<hbm>> -> memref<10000xi32, #tpu.memory_space<hbm>>
      %dma_start3A_21 = tpu.memref_slice %arg5[%mul3A_2] : memref<320000xi32, #tpu.memory_space<hbm>> -> memref<10000xi32, #tpu.memory_space<hbm>>
      tpu.enqueue_dma source(%dma_start3A_21 : memref<10000xi32, #tpu.memory_space<hbm>>) target(%arg12 : memref<10000xi32, #tpu.memory_space<vmem>>) target_semaphore(%run_scoped3A : memref<!tpu.dma_semaphore, #tpu.memory_space<semaphore_mem>>)
      %dma_wait3A = tpu.memref_slice %arg5[%mul3A_2] : memref<320000xi32, #tpu.memory_space<hbm>> -> memref<10000xi32, #tpu.memory_space<hbm>>
      %dma_wait3A_22 = tpu.memref_slice %arg5[%mul3A_2] : memref<320000xi32, #tpu.memory_space<hbm>> -> memref<10000xi32, #tpu.memory_space<hbm>>
      tpu.wait_dma2 semaphore(%run_scoped3A : memref<!tpu.dma_semaphore, #tpu.memory_space<semaphore_mem>>) src(%dma_wait3A_22 : memref<10000xi32, #tpu.memory_space<hbm>>) dst(%arg12 : memref<10000xi32, #tpu.memory_space<vmem>>)
      tpu.yield
    }) : () -> ()
    %mul3A_3 = arith.constant 10000 : i32
    %mul3A_4 = arith.muli %add3A, %mul3A_3 : i32
    "tpu.region"() ({
      %run_scoped3A = tpu.sem_alloc : memref<!tpu.dma_semaphore, #tpu.memory_space<semaphore_mem>>
      %dma_start3A = tpu.memref_slice %arg6[%mul3A_4] : memref<320000xi32, #tpu.memory_space<hbm>> -> memref<10000xi32, #tpu.memory_space<hbm>>
      %dma_start3A_21 = tpu.memref_slice %arg6[%mul3A_4] : memref<320000xi32, #tpu.memory_space<hbm>> -> memref<10000xi32, #tpu.memory_space<hbm>>
      tpu.enqueue_dma source(%dma_start3A_21 : memref<10000xi32, #tpu.memory_space<hbm>>) target(%arg13 : memref<10000xi32, #tpu.memory_space<vmem>>) target_semaphore(%run_scoped3A : memref<!tpu.dma_semaphore, #tpu.memory_space<semaphore_mem>>)
      %dma_wait3A = tpu.memref_slice %arg6[%mul3A_4] : memref<320000xi32, #tpu.memory_space<hbm>> -> memref<10000xi32, #tpu.memory_space<hbm>>
      %dma_wait3A_22 = tpu.memref_slice %arg6[%mul3A_4] : memref<320000xi32, #tpu.memory_space<hbm>> -> memref<10000xi32, #tpu.memory_space<hbm>>
      tpu.wait_dma2 semaphore(%run_scoped3A : memref<!tpu.dma_semaphore, #tpu.memory_space<semaphore_mem>>) src(%dma_wait3A_22 : memref<10000xi32, #tpu.memory_space<hbm>>) dst(%arg13 : memref<10000xi32, #tpu.memory_space<vmem>>)
      tpu.yield
    }) : () -> ()
    %broadcast_in_dim3A = arith.constant 0.000000e+00 : f32
    %broadcast_in_dim3A_5 = vector.broadcast %broadcast_in_dim3A : f32 to vector<16xf32>
    %scan3A = arith.constant 0 : i32
    %scan3A_6 = arith.constant 0 : i32
    %scan3A_7 = arith.constant 625 : i32
    %scan3A_8 = arith.addi %scan3A_6, %scan3A_7 : i32
    %scan3A_9 = arith.constant 1 : i32
    scf.for %scan3A_21 = %scan3A_6 to %scan3A_8 step %scan3A_9  : i32 {
      %mul3A_22 = arith.constant 16 : i32
      %mul3A_23 = arith.muli %scan3A_21, %mul3A_22 : i32
      %swap3A = arith.index_cast %mul3A_23 : i32 to index
      %swap3A_24 = tpu.vector_load %arg14[%swap3A] {strides = array<i32>} : memref<10000xf32, #tpu.memory_space<vmem>>, vector<16xf32>,
      tpu.vector_store %arg14[%swap3A], %broadcast_in_dim3A_5 {strides = array<i32>} : memref<10000xf32, #tpu.memory_space<vmem>>, vector<16xf32>,
      %mul3A_25 = arith.constant 16 : i32
      %mul3A_26 = arith.muli %scan3A_21, %mul3A_25 : i32
      %swap3A_27 = arith.index_cast %mul3A_26 : i32 to index
      %swap3A_28 = tpu.vector_load %arg15[%swap3A_27] {strides = array<i32>} : memref<10000xf32, #tpu.memory_space<vmem>>, vector<16xf32>,
      tpu.vector_store %arg15[%swap3A_27], %broadcast_in_dim3A_5 {strides = array<i32>} : memref<10000xf32, #tpu.memory_space<vmem>>, vector<16xf32>,
    }
    %scan3A_10 = arith.constant 625 : i32
    %scan3A_11 = arith.constant 0 : i32
    %scan3A_12 = arith.constant 0 : i32
    %scan3A_13 = arith.constant 625 : i32
    %scan3A_14 = arith.addi %scan3A_12, %scan3A_13 : i32
    %scan3A_15 = arith.constant 1 : i32
    scf.for %scan3A_21 = %scan3A_12 to %scan3A_14 step %scan3A_15  : i32 {
      %mul3A_22 = arith.constant 16 : i32
      %mul3A_23 = arith.muli %scan3A_21, %mul3A_22 : i32
      %get3A = arith.index_cast %mul3A_23 : i32 to index
      %get3A_24 = tpu.vector_load %arg12[%get3A] {strides = array<i32>} : memref<10000xi32, #tpu.memory_space<vmem>>, vector<16xi32>,
      %mul3A_25 = arith.constant 16 : i32
      %mul3A_26 = arith.muli %scan3A_21, %mul3A_25 : i32
      %get3A_27 = arith.index_cast %mul3A_26 : i32 to index
      %get3A_28 = tpu.vector_load %arg13[%get3A_27] {strides = array<i32>} : memref<10000xi32, #tpu.memory_space<vmem>>, vector<16xi32>,
      %gather3A = tpu.vector_load_idx %arg9[%get3A_24] : memref<10000xf32, #tpu.memory_space<vmem>>[vector<16xi32>], vector<16xf32>,
      %gather3A_29 = tpu.vector_load_idx %arg10[%get3A_28] : memref<10000xf32, #tpu.memory_space<vmem>>[vector<16xi32>], vector<16xf32>,
      %gather3A_30 = tpu.vector_load_idx %arg11[%get3A_24] : memref<10000xf32, #tpu.memory_space<vmem>>[vector<16xi32>], vector<16xf32>,
      %add3A_31 = arith.addf %gather3A, %gather3A_29 : vector<16xf32>
      %mul3A_32 = arith.constant 2.000000e-01 : f32
      %mul3A_33 = vector.broadcast %mul3A_32 : f32 to vector<16xf32>
      %mul3A_34 = arith.mulf %mul3A_33, %add3A_31 : vector<16xf32>
      %max3A = arith.maximumf %add3A_31, %mul3A_34 : vector<16xf32>
      %exp3A = math.exp %max3A : vector<16xf32>
      %mul3A_35 = arith.mulf %exp3A, %gather3A_30 : vector<16xf32>
      tpu.vector_store_idx %arg14[%get3A_28], %mul3A_35 {add = true} : memref<10000xf32, #tpu.memory_space<vmem>>[vector<16xi32>], vector<16xf32>,
      tpu.vector_store_idx %arg15[%get3A_28], %exp3A {add = true} : memref<10000xf32, #tpu.memory_space<vmem>>[vector<16xi32>], vector<16xf32>,
    }
    %scan3A_16 = arith.constant 625 : i32
    %mul3A_17 = arith.constant 10000 : i32
    %mul3A_18 = arith.muli %add3A, %mul3A_17 : i32
    "tpu.region"() ({
      %run_scoped3A = tpu.sem_alloc : memref<!tpu.dma_semaphore, #tpu.memory_space<semaphore_mem>>
      %dma_start3A = tpu.memref_slice %arg7[%mul3A_18] : memref<320000xf32, #tpu.memory_space<hbm>> -> memref<10000xf32, #tpu.memory_space<hbm>>
      %dma_start3A_21 = tpu.memref_slice %arg7[%mul3A_18] : memref<320000xf32, #tpu.memory_space<hbm>> -> memref<10000xf32, #tpu.memory_space<hbm>>
      tpu.enqueue_dma source(%arg14 : memref<10000xf32, #tpu.memory_space<vmem>>) target(%dma_start3A_21 : memref<10000xf32, #tpu.memory_space<hbm>>) target_semaphore(%run_scoped3A : memref<!tpu.dma_semaphore, #tpu.memory_space<semaphore_mem>>)
      %dma_wait3A = tpu.memref_slice %arg7[%mul3A_18] : memref<320000xf32, #tpu.memory_space<hbm>> -> memref<10000xf32, #tpu.memory_space<hbm>>
      %dma_wait3A_22 = tpu.memref_slice %arg7[%mul3A_18] : memref<320000xf32, #tpu.memory_space<hbm>> -> memref<10000xf32, #tpu.memory_space<hbm>>
      tpu.wait_dma2 semaphore(%run_scoped3A : memref<!tpu.dma_semaphore, #tpu.memory_space<semaphore_mem>>) src(%arg14 : memref<10000xf32, #tpu.memory_space<vmem>>) dst(%dma_wait3A_22 : memref<10000xf32, #tpu.memory_space<hbm>>)
      tpu.yield
    }) : () -> ()
    %mul3A_19 = arith.constant 10000 : i32
    %mul3A_20 = arith.muli %add3A, %mul3A_19 : i32
    "tpu.region"() ({
      %run_scoped3A = tpu.sem_alloc : memref<!tpu.dma_semaphore, #tpu.memory_space<semaphore_mem>>
      %dma_start3A = tpu.memref_slice %arg8[%mul3A_20] : memref<320000xf32, #tpu.memory_space<hbm>> -> memref<10000xf32, #tpu.memory_space<hbm>>
      %dma_start3A_21 = tpu.memref_slice %arg8[%mul3A_20] : memref<320000xf32, #tpu.memory_space<hbm>> -> memref<10000xf32, #tpu.memory_space<hbm>>
      tpu.enqueue_dma source(%arg15 : memref<10000xf32, #tpu.memory_space<vmem>>) target(%dma_start3A_21 : memref<10000xf32, #tpu.memory_space<hbm>>) target_semaphore(%run_scoped3A : memref<!tpu.dma_semaphore, #tpu.memory_space<semaphore_mem>>)
      %dma_wait3A = tpu.memref_slice %arg8[%mul3A_20] : memref<320000xf32, #tpu.memory_space<hbm>> -> memref<10000xf32, #tpu.memory_space<hbm>>
      %dma_wait3A_22 = tpu.memref_slice %arg8[%mul3A_20] : memref<320000xf32, #tpu.memory_space<hbm>> -> memref<10000xf32, #tpu.memory_space<hbm>>
      tpu.wait_dma2 semaphore(%run_scoped3A : memref<!tpu.dma_semaphore, #tpu.memory_space<semaphore_mem>>) src(%arg15 : memref<10000xf32, #tpu.memory_space<vmem>>) dst(%dma_wait3A_22 : memref<10000xf32, #tpu.memory_space<hbm>>)
      tpu.yield
    }) : () -> ()
    return
  }
}

#map = affine_map<(d0, d1) -> (0, 0)>
#map1 = affine_map<(d0, d1) -> (0, 0, 0)>
module attributes {stable_mosaic.version = 14 : i64} {
  func.func @_edge1_body(%arg0: i32, %arg1: i32, %arg2: memref<10000x8xf32, #tpu.memory_space<hbm>>, %arg3: memref<10000x8xf32, #tpu.memory_space<hbm>>, %arg4: memref<10000x64xf32, #tpu.memory_space<hbm>>, %arg5: memref<32x125x80xi32, #tpu.memory_space<hbm>>, %arg6: memref<32x125x80xi32, #tpu.memory_space<hbm>>, %arg7: memref<10240x64xf32, #tpu.memory_space<hbm>>, %arg8: memref<10240x8xf32, #tpu.memory_space<hbm>>, %arg9: memref<2x10240x64xf32, #tpu.memory_space<hbm>>, %arg10: memref<2x10240x8xf32, #tpu.memory_space<hbm>>, %arg11: memref<10240x64xf32, #tpu.memory_space<vmem_shared>>, %arg12: memref<10240x8xf32, #tpu.memory_space<vmem_shared>>, %arg13: memref<125x80xi32, #tpu.memory_space<vmem>>, %arg14: memref<125x80xi32, #tpu.memory_space<vmem>>, %arg15: memref<80x8xf32, #tpu.memory_space<vmem>>, %arg16: memref<80x8xf32, #tpu.memory_space<vmem>>, %arg17: memref<80x64xf32, #tpu.memory_space<vmem>>, %arg18: memref<80x8xf32, #tpu.memory_space<vmem>>, %arg19: memref<80x64xf32, #tpu.memory_space<vmem>>, %arg20: memref<80x8xf32, #tpu.memory_space<vmem>>, %arg21: memref<80x8xf32, #tpu.memory_space<vmem>>, %arg22: memref<80x64xf32, #tpu.memory_space<vmem>>, %arg23: memref<80x8xf32, #tpu.memory_space<vmem>>, %arg24: memref<80x64xf32, #tpu.memory_space<vmem>>, %arg25: memref<!tpu.dma_semaphore, #tpu.memory_space<semaphore_mem>>, %arg26: memref<!tpu.dma_semaphore, #tpu.memory_space<semaphore_mem>>, %arg27: memref<!tpu.dma_semaphore, #tpu.memory_space<semaphore_mem>>, %arg28: memref<!tpu.dma_semaphore, #tpu.memory_space<semaphore_mem>>) attributes {dimension_semantics = [#tpu.dimension_semantics<core_parallel>, #tpu.dimension_semantics<subcore_parallel>], iteration_bounds = array<i64: 2, 16>, scalar_prefetch = 0 : i64, scratch_operands = 18 : i64, tpu.core_type = #tpu.core_type<sc_vector_subcore>, window_params = [{transform_indices = #map}, {transform_indices = #map}, {transform_indices = #map}, {transform_indices = #map1}, {transform_indices = #map1}, {transform_indices = #map}, {transform_indices = #map}, {transform_indices = #map1}, {transform_indices = #map1}]} {
    %mul3A = arith.constant 2 : i32
    %mul3A_0 = arith.muli %arg1, %mul3A : i32
    %add3A = arith.addi %mul3A_0, %arg0 : i32
    %mul3A_1 = arith.constant 640 : i32
    %mul3A_2 = arith.muli %arg1, %mul3A_1 : i32
    "tpu.region"() ({
      %run_scoped3A = tpu.sem_alloc : memref<!tpu.dma_semaphore, #tpu.memory_space<semaphore_mem>>
      %dma_start3A_175 = arith.constant 0 : i32
      %dma_start3A_176 = arith.constant 0 : i32
      %dma_start3A_177 = tpu.memref_slice %arg5[%add3A, %dma_start3A_175, %dma_start3A_176] : memref<32x125x80xi32, #tpu.memory_space<hbm>> -> memref<1x125x80xi32, #tpu.memory_space<hbm>>
      %dma_start3A_178 = tpu.memref_squeeze %dma_start3A_177 : memref<1x125x80xi32, #tpu.memory_space<hbm>> -> memref<125x80xi32, #tpu.memory_space<hbm>>
      %dma_start3A_179 = arith.constant 0 : i32
      %dma_start3A_180 = arith.constant 0 : i32
      %dma_start3A_181 = tpu.memref_slice %arg5[%add3A, %dma_start3A_179, %dma_start3A_180] : memref<32x125x80xi32, #tpu.memory_space<hbm>> -> memref<1x125x80xi32, #tpu.memory_space<hbm>>
      %dma_start3A_182 = tpu.memref_squeeze %dma_start3A_181 : memref<1x125x80xi32, #tpu.memory_space<hbm>> -> memref<125x80xi32, #tpu.memory_space<hbm>>
      tpu.enqueue_dma source(%dma_start3A_182 : memref<125x80xi32, #tpu.memory_space<hbm>>) target(%arg13 : memref<125x80xi32, #tpu.memory_space<vmem>>) target_semaphore(%run_scoped3A : memref<!tpu.dma_semaphore, #tpu.memory_space<semaphore_mem>>)
      %dma_wait3A_183 = arith.constant 0 : i32
      %dma_wait3A_184 = arith.constant 0 : i32
      %dma_wait3A_185 = tpu.memref_slice %arg5[%add3A, %dma_wait3A_183, %dma_wait3A_184] : memref<32x125x80xi32, #tpu.memory_space<hbm>> -> memref<1x125x80xi32, #tpu.memory_space<hbm>>
      %dma_wait3A_186 = tpu.memref_squeeze %dma_wait3A_185 : memref<1x125x80xi32, #tpu.memory_space<hbm>> -> memref<125x80xi32, #tpu.memory_space<hbm>>
      %dma_wait3A_187 = arith.constant 0 : i32
      %dma_wait3A_188 = arith.constant 0 : i32
      %dma_wait3A_189 = tpu.memref_slice %arg5[%add3A, %dma_wait3A_187, %dma_wait3A_188] : memref<32x125x80xi32, #tpu.memory_space<hbm>> -> memref<1x125x80xi32, #tpu.memory_space<hbm>>
      %dma_wait3A_190 = tpu.memref_squeeze %dma_wait3A_189 : memref<1x125x80xi32, #tpu.memory_space<hbm>> -> memref<125x80xi32, #tpu.memory_space<hbm>>
      tpu.wait_dma2 semaphore(%run_scoped3A : memref<!tpu.dma_semaphore, #tpu.memory_space<semaphore_mem>>) src(%dma_wait3A_190 : memref<125x80xi32, #tpu.memory_space<hbm>>) dst(%arg13 : memref<125x80xi32, #tpu.memory_space<vmem>>)
      tpu.yield
    }) : () -> ()
    "tpu.region"() ({
      %run_scoped3A = tpu.sem_alloc : memref<!tpu.dma_semaphore, #tpu.memory_space<semaphore_mem>>
      %dma_start3A_175 = arith.constant 0 : i32
      %dma_start3A_176 = arith.constant 0 : i32
      %dma_start3A_177 = tpu.memref_slice %arg6[%add3A, %dma_start3A_175, %dma_start3A_176] : memref<32x125x80xi32, #tpu.memory_space<hbm>> -> memref<1x125x80xi32, #tpu.memory_space<hbm>>
      %dma_start3A_178 = tpu.memref_squeeze %dma_start3A_177 : memref<1x125x80xi32, #tpu.memory_space<hbm>> -> memref<125x80xi32, #tpu.memory_space<hbm>>
      %dma_start3A_179 = arith.constant 0 : i32
      %dma_start3A_180 = arith.constant 0 : i32
      %dma_start3A_181 = tpu.memref_slice %arg6[%add3A, %dma_start3A_179, %dma_start3A_180] : memref<32x125x80xi32, #tpu.memory_space<hbm>> -> memref<1x125x80xi32, #tpu.memory_space<hbm>>
      %dma_start3A_182 = tpu.memref_squeeze %dma_start3A_181 : memref<1x125x80xi32, #tpu.memory_space<hbm>> -> memref<125x80xi32, #tpu.memory_space<hbm>>
      tpu.enqueue_dma source(%dma_start3A_182 : memref<125x80xi32, #tpu.memory_space<hbm>>) target(%arg14 : memref<125x80xi32, #tpu.memory_space<vmem>>) target_semaphore(%run_scoped3A : memref<!tpu.dma_semaphore, #tpu.memory_space<semaphore_mem>>)
      %dma_wait3A_183 = arith.constant 0 : i32
      %dma_wait3A_184 = arith.constant 0 : i32
      %dma_wait3A_185 = tpu.memref_slice %arg6[%add3A, %dma_wait3A_183, %dma_wait3A_184] : memref<32x125x80xi32, #tpu.memory_space<hbm>> -> memref<1x125x80xi32, #tpu.memory_space<hbm>>
      %dma_wait3A_186 = tpu.memref_squeeze %dma_wait3A_185 : memref<1x125x80xi32, #tpu.memory_space<hbm>> -> memref<125x80xi32, #tpu.memory_space<hbm>>
      %dma_wait3A_187 = arith.constant 0 : i32
      %dma_wait3A_188 = arith.constant 0 : i32
      %dma_wait3A_189 = tpu.memref_slice %arg6[%add3A, %dma_wait3A_187, %dma_wait3A_188] : memref<32x125x80xi32, #tpu.memory_space<hbm>> -> memref<1x125x80xi32, #tpu.memory_space<hbm>>
      %dma_wait3A_190 = tpu.memref_squeeze %dma_wait3A_189 : memref<1x125x80xi32, #tpu.memory_space<hbm>> -> memref<125x80xi32, #tpu.memory_space<hbm>>
      tpu.wait_dma2 semaphore(%run_scoped3A : memref<!tpu.dma_semaphore, #tpu.memory_space<semaphore_mem>>) src(%dma_wait3A_190 : memref<125x80xi32, #tpu.memory_space<hbm>>) dst(%arg14 : memref<125x80xi32, #tpu.memory_space<vmem>>)
      tpu.yield
    }) : () -> ()
    "tpu.region"() ({
      %run_scoped3A = tpu.sem_alloc : memref<!tpu.dma_semaphore, #tpu.memory_space<semaphore_mem>>
      %dma_start3A_175 = arith.constant 0 : i32
      %dma_start3A_176 = tpu.memref_slice %arg11[%mul3A_2, %dma_start3A_175] : memref<10240x64xf32, #tpu.memory_space<vmem_shared>> -> memref<640x64xf32, #tpu.memory_space<vmem_shared>>
      %dma_start3A_177 = arith.constant 0 : i32
      %dma_start3A_178 = tpu.memref_slice %arg7[%mul3A_2, %dma_start3A_177] : memref<10240x64xf32, #tpu.memory_space<hbm>> -> memref<640x64xf32, #tpu.memory_space<hbm>>
      tpu.enqueue_dma source(%dma_start3A_178 : memref<640x64xf32, #tpu.memory_space<hbm>>) target(%dma_start3A_176 : memref<640x64xf32, #tpu.memory_space<vmem_shared>>) target_semaphore(%run_scoped3A : memref<!tpu.dma_semaphore, #tpu.memory_space<semaphore_mem>>)
      %dma_wait3A_179 = arith.constant 0 : i32
      %dma_wait3A_180 = tpu.memref_slice %arg11[%mul3A_2, %dma_wait3A_179] : memref<10240x64xf32, #tpu.memory_space<vmem_shared>> -> memref<640x64xf32, #tpu.memory_space<vmem_shared>>
      %dma_wait3A_181 = arith.constant 0 : i32
      %dma_wait3A_182 = tpu.memref_slice %arg7[%mul3A_2, %dma_wait3A_181] : memref<10240x64xf32, #tpu.memory_space<hbm>> -> memref<640x64xf32, #tpu.memory_space<hbm>>
      tpu.wait_dma2 semaphore(%run_scoped3A : memref<!tpu.dma_semaphore, #tpu.memory_space<semaphore_mem>>) src(%dma_wait3A_182 : memref<640x64xf32, #tpu.memory_space<hbm>>) dst(%dma_wait3A_180 : memref<640x64xf32, #tpu.memory_space<vmem_shared>>)
      tpu.yield
    }) : () -> ()
    "tpu.region"() ({
      %run_scoped3A = tpu.sem_alloc : memref<!tpu.dma_semaphore, #tpu.memory_space<semaphore_mem>>
      %dma_start3A_175 = arith.constant 0 : i32
      %dma_start3A_176 = tpu.memref_slice %arg12[%mul3A_2, %dma_start3A_175] : memref<10240x8xf32, #tpu.memory_space<vmem_shared>> -> memref<640x8xf32, #tpu.memory_space<vmem_shared>>
      %dma_start3A_177 = arith.constant 0 : i32
      %dma_start3A_178 = tpu.memref_slice %arg8[%mul3A_2, %dma_start3A_177] : memref<10240x8xf32, #tpu.memory_space<hbm>> -> memref<640x8xf32, #tpu.memory_space<hbm>>
      tpu.enqueue_dma source(%dma_start3A_178 : memref<640x8xf32, #tpu.memory_space<hbm>>) target(%dma_start3A_176 : memref<640x8xf32, #tpu.memory_space<vmem_shared>>) target_semaphore(%run_scoped3A : memref<!tpu.dma_semaphore, #tpu.memory_space<semaphore_mem>>)
      %dma_wait3A_179 = arith.constant 0 : i32
      %dma_wait3A_180 = tpu.memref_slice %arg12[%mul3A_2, %dma_wait3A_179] : memref<10240x8xf32, #tpu.memory_space<vmem_shared>> -> memref<640x8xf32, #tpu.memory_space<vmem_shared>>
      %dma_wait3A_181 = arith.constant 0 : i32
      %dma_wait3A_182 = tpu.memref_slice %arg8[%mul3A_2, %dma_wait3A_181] : memref<10240x8xf32, #tpu.memory_space<hbm>> -> memref<640x8xf32, #tpu.memory_space<hbm>>
      tpu.wait_dma2 semaphore(%run_scoped3A : memref<!tpu.dma_semaphore, #tpu.memory_space<semaphore_mem>>) src(%dma_wait3A_182 : memref<640x8xf32, #tpu.memory_space<hbm>>) dst(%dma_wait3A_180 : memref<640x8xf32, #tpu.memory_space<vmem_shared>>)
      tpu.yield
    }) : () -> ()
    %barrier3A = arith.constant 0 : index
    tpu.barrier barrier_id(%barrier3A)
    %iota3A = tpu.iota {dimensions = array<i32: 0>} : vector<16xi32>
    %jit3A = arith.constant 8 : i32
    %div3A = vector.broadcast %jit3A : i32 to vector<16xi32>
    %div3A_3 = arith.divsi %iota3A, %div3A : vector<16xi32>
    %sign3A = arith.constant 0 : i32
    %sign3A_4 = vector.broadcast %sign3A : i32 to vector<16xi32>
    %sign3A_5 = arith.cmpi sgt, %iota3A, %sign3A_4 : vector<16xi32>
    %sign3A_6 = arith.extui %sign3A_5 : vector<16xi1> to vector<16xi32>
    %sign3A_7 = arith.constant 0 : i32
    %sign3A_8 = vector.broadcast %sign3A_7 : i32 to vector<16xi32>
    %sign3A_9 = arith.cmpi slt, %iota3A, %sign3A_8 : vector<16xi32>
    %sign3A_10 = arith.extui %sign3A_9 : vector<16xi1> to vector<16xi32>
    %sign3A_11 = arith.subi %sign3A_6, %sign3A_10 : vector<16xi32>
    %sign3A_12 = arith.constant 0 : i32
    %sign3A_13 = arith.cmpi sgt, %jit3A, %sign3A_12 : i32
    %sign3A_14 = arith.extui %sign3A_13 : i1 to i32
    %sign3A_15 = arith.constant 0 : i32
    %sign3A_16 = arith.cmpi slt, %jit3A, %sign3A_15 : i32
    %sign3A_17 = arith.extui %sign3A_16 : i1 to i32
    %sign3A_18 = arith.subi %sign3A_14, %sign3A_17 : i32
    %ne3A = vector.broadcast %sign3A_18 : i32 to vector<16xi32>
    %ne3A_19 = arith.cmpi ne, %sign3A_11, %ne3A : vector<16xi32>
    %rem3A = vector.broadcast %jit3A : i32 to vector<16xi32>
    %rem3A_20 = arith.remsi %iota3A, %rem3A : vector<16xi32>
    %ne3A_21 = arith.constant 0 : i32
    %ne3A_22 = vector.broadcast %ne3A_21 : i32 to vector<16xi32>
    %ne3A_23 = arith.cmpi ne, %rem3A_20, %ne3A_22 : vector<16xi32>
    %and3A = arith.andi %ne3A_19, %ne3A_23 : vector<16xi1>
    %sub3A = arith.constant 1 : i32
    %sub3A_24 = vector.broadcast %sub3A : i32 to vector<16xi32>
    %sub3A_25 = arith.subi %div3A_3, %sub3A_24 : vector<16xi32>
    %select_n3A = arith.select %and3A, %sub3A_25, %div3A_3 : vector<16xi1>, vector<16xi32>
    %jit3A_26 = arith.constant 8 : i32
    %eq3A = arith.constant 0 : i32
    %eq3A_27 = arith.cmpi eq, %jit3A_26, %eq3A : i32
    %jit3A_28 = arith.constant 1 : i32
    %select_n3A_29 = arith.select %eq3A_27, %jit3A_28, %jit3A_26 : i32
    %rem3A_30 = vector.broadcast %select_n3A_29 : i32 to vector<16xi32>
    %rem3A_31 = arith.remsi %iota3A, %rem3A_30 : vector<16xi32>
    %ne3A_32 = arith.constant 0 : i32
    %ne3A_33 = vector.broadcast %ne3A_32 : i32 to vector<16xi32>
    %ne3A_34 = arith.cmpi ne, %rem3A_31, %ne3A_33 : vector<16xi32>
    %lt3A = arith.constant 0 : i32
    %lt3A_35 = vector.broadcast %lt3A : i32 to vector<16xi32>
    %lt3A_36 = arith.cmpi slt, %rem3A_31, %lt3A_35 : vector<16xi32>
    %lt3A_37 = arith.constant 0 : i32
    %lt3A_38 = arith.cmpi slt, %select_n3A_29, %lt3A_37 : i32
    %ne3A_39 = vector.broadcast %lt3A_38 : i1 to vector<16xi1>
    %ne3A_40 = vector.broadcast %ne3A_39 : vector<16xi1> to vector<16xi1>
    %ne3A_41 = arith.xori %lt3A_36, %ne3A_40 : vector<16xi1>
    %and3A_42 = arith.andi %ne3A_41, %ne3A_34 : vector<16xi1>
    %add3A_43 = vector.broadcast %select_n3A_29 : i32 to vector<16xi32>
    %add3A_44 = arith.addi %rem3A_31, %add3A_43 : vector<16xi32>
    %select_n3A_45 = arith.select %and3A_42, %add3A_44, %rem3A_31 : vector<16xi1>, vector<16xi32>
    %dma_start3A = arith.constant 0 : i32
    %dma_start3A_46 = arith.constant 0 : i32
    %dma_start3A_47 = tpu.memref_slice %arg13[%dma_start3A, %dma_start3A_46] : memref<125x80xi32, #tpu.memory_space<vmem>> -> memref<1x80xi32, #tpu.memory_space<vmem>>
    %dma_start3A_48 = tpu.memref_squeeze %dma_start3A_47 : memref<1x80xi32, #tpu.memory_space<vmem>> -> memref<80xi32, #tpu.memory_space<vmem>>
    %dma_start3A_49 = arith.constant 0 : i32
    %dma_start3A_50 = arith.constant 0 : i32
    %dma_start3A_51 = tpu.memref_slice %arg2[%dma_start3A_49, %dma_start3A_50] : memref<10000x8xf32, #tpu.memory_space<hbm>> -> memref<10000x8xf32, #tpu.memory_space<hbm>>
    tpu.enqueue_indirect_dma source(%dma_start3A_51 : memref<10000x8xf32, #tpu.memory_space<hbm>>) target(%arg15 : memref<80x8xf32, #tpu.memory_space<vmem>>) offsets(%dma_start3A_48 : memref<80xi32, #tpu.memory_space<vmem>>) semaphore(%arg25 : memref<!tpu.dma_semaphore, #tpu.memory_space<semaphore_mem>>)
    %dma_start3A_52 = arith.constant 0 : i32
    %dma_start3A_53 = arith.constant 0 : i32
    %dma_start3A_54 = tpu.memref_slice %arg14[%dma_start3A_52, %dma_start3A_53] : memref<125x80xi32, #tpu.memory_space<vmem>> -> memref<1x80xi32, #tpu.memory_space<vmem>>
    %dma_start3A_55 = tpu.memref_squeeze %dma_start3A_54 : memref<1x80xi32, #tpu.memory_space<vmem>> -> memref<80xi32, #tpu.memory_space<vmem>>
    %dma_start3A_56 = arith.constant 0 : i32
    %dma_start3A_57 = arith.constant 0 : i32
    %dma_start3A_58 = tpu.memref_slice %arg3[%dma_start3A_56, %dma_start3A_57] : memref<10000x8xf32, #tpu.memory_space<hbm>> -> memref<10000x8xf32, #tpu.memory_space<hbm>>
    tpu.enqueue_indirect_dma source(%dma_start3A_58 : memref<10000x8xf32, #tpu.memory_space<hbm>>) target(%arg16 : memref<80x8xf32, #tpu.memory_space<vmem>>) offsets(%dma_start3A_55 : memref<80xi32, #tpu.memory_space<vmem>>) semaphore(%arg25 : memref<!tpu.dma_semaphore, #tpu.memory_space<semaphore_mem>>)
    %dma_start3A_59 = arith.constant 0 : i32
    %dma_start3A_60 = arith.constant 0 : i32
    %dma_start3A_61 = tpu.memref_slice %arg13[%dma_start3A_59, %dma_start3A_60] : memref<125x80xi32, #tpu.memory_space<vmem>> -> memref<1x80xi32, #tpu.memory_space<vmem>>
    %dma_start3A_62 = tpu.memref_squeeze %dma_start3A_61 : memref<1x80xi32, #tpu.memory_space<vmem>> -> memref<80xi32, #tpu.memory_space<vmem>>
    %dma_start3A_63 = arith.constant 0 : i32
    %dma_start3A_64 = arith.constant 0 : i32
    %dma_start3A_65 = tpu.memref_slice %arg4[%dma_start3A_63, %dma_start3A_64] : memref<10000x64xf32, #tpu.memory_space<hbm>> -> memref<10000x64xf32, #tpu.memory_space<hbm>>
    tpu.enqueue_indirect_dma source(%dma_start3A_65 : memref<10000x64xf32, #tpu.memory_space<hbm>>) target(%arg17 : memref<80x64xf32, #tpu.memory_space<vmem>>) offsets(%dma_start3A_62 : memref<80xi32, #tpu.memory_space<vmem>>) semaphore(%arg25 : memref<!tpu.dma_semaphore, #tpu.memory_space<semaphore_mem>>)
    %dma_start3A_66 = arith.constant 1 : i32
    %dma_start3A_67 = arith.constant 0 : i32
    %dma_start3A_68 = tpu.memref_slice %arg13[%dma_start3A_66, %dma_start3A_67] : memref<125x80xi32, #tpu.memory_space<vmem>> -> memref<1x80xi32, #tpu.memory_space<vmem>>
    %dma_start3A_69 = tpu.memref_squeeze %dma_start3A_68 : memref<1x80xi32, #tpu.memory_space<vmem>> -> memref<80xi32, #tpu.memory_space<vmem>>
    %dma_start3A_70 = arith.constant 0 : i32
    %dma_start3A_71 = arith.constant 0 : i32
    %dma_start3A_72 = tpu.memref_slice %arg2[%dma_start3A_70, %dma_start3A_71] : memref<10000x8xf32, #tpu.memory_space<hbm>> -> memref<10000x8xf32, #tpu.memory_space<hbm>>
    tpu.enqueue_indirect_dma source(%dma_start3A_72 : memref<10000x8xf32, #tpu.memory_space<hbm>>) target(%arg20 : memref<80x8xf32, #tpu.memory_space<vmem>>) offsets(%dma_start3A_69 : memref<80xi32, #tpu.memory_space<vmem>>) semaphore(%arg26 : memref<!tpu.dma_semaphore, #tpu.memory_space<semaphore_mem>>)
    %dma_start3A_73 = arith.constant 1 : i32
    %dma_start3A_74 = arith.constant 0 : i32
    %dma_start3A_75 = tpu.memref_slice %arg14[%dma_start3A_73, %dma_start3A_74] : memref<125x80xi32, #tpu.memory_space<vmem>> -> memref<1x80xi32, #tpu.memory_space<vmem>>
    %dma_start3A_76 = tpu.memref_squeeze %dma_start3A_75 : memref<1x80xi32, #tpu.memory_space<vmem>> -> memref<80xi32, #tpu.memory_space<vmem>>
    %dma_start3A_77 = arith.constant 0 : i32
    %dma_start3A_78 = arith.constant 0 : i32
    %dma_start3A_79 = tpu.memref_slice %arg3[%dma_start3A_77, %dma_start3A_78] : memref<10000x8xf32, #tpu.memory_space<hbm>> -> memref<10000x8xf32, #tpu.memory_space<hbm>>
    tpu.enqueue_indirect_dma source(%dma_start3A_79 : memref<10000x8xf32, #tpu.memory_space<hbm>>) target(%arg21 : memref<80x8xf32, #tpu.memory_space<vmem>>) offsets(%dma_start3A_76 : memref<80xi32, #tpu.memory_space<vmem>>) semaphore(%arg26 : memref<!tpu.dma_semaphore, #tpu.memory_space<semaphore_mem>>)
    %dma_start3A_80 = arith.constant 1 : i32
    %dma_start3A_81 = arith.constant 0 : i32
    %dma_start3A_82 = tpu.memref_slice %arg13[%dma_start3A_80, %dma_start3A_81] : memref<125x80xi32, #tpu.memory_space<vmem>> -> memref<1x80xi32, #tpu.memory_space<vmem>>
    %dma_start3A_83 = tpu.memref_squeeze %dma_start3A_82 : memref<1x80xi32, #tpu.memory_space<vmem>> -> memref<80xi32, #tpu.memory_space<vmem>>
    %dma_start3A_84 = arith.constant 0 : i32
    %dma_start3A_85 = arith.constant 0 : i32
    %dma_start3A_86 = tpu.memref_slice %arg4[%dma_start3A_84, %dma_start3A_85] : memref<10000x64xf32, #tpu.memory_space<hbm>> -> memref<10000x64xf32, #tpu.memory_space<hbm>>
    tpu.enqueue_indirect_dma source(%dma_start3A_86 : memref<10000x64xf32, #tpu.memory_space<hbm>>) target(%arg22 : memref<80x64xf32, #tpu.memory_space<vmem>>) offsets(%dma_start3A_83 : memref<80xi32, #tpu.memory_space<vmem>>) semaphore(%arg26 : memref<!tpu.dma_semaphore, #tpu.memory_space<semaphore_mem>>)
    %scan3A = arith.constant 0 : i32
    %scan3A_87 = arith.constant 0 : i32
    %scan3A_88 = arith.constant 62 : i32
    %scan3A_89 = arith.addi %scan3A_87, %scan3A_88 : i32
    %scan3A_90 = arith.constant 1 : i32
    scf.for %scan3A_175 = %scan3A_87 to %scan3A_89 step %scan3A_90  : i32 {
      %mul3A_176 = arith.constant 2 : i32
      %mul3A_177 = arith.muli %mul3A_176, %scan3A_175 : i32
      %dma_wait3A_178 = arith.constant 0 : i32
      %dma_wait3A_179 = arith.constant 0 : i32
      %dma_wait3A_180 = tpu.memref_slice %arg13[%dma_wait3A_178, %dma_wait3A_179] : memref<125x80xi32, #tpu.memory_space<vmem>> -> memref<1x80xi32, #tpu.memory_space<vmem>>
      %dma_wait3A_181 = tpu.memref_squeeze %dma_wait3A_180 : memref<1x80xi32, #tpu.memory_space<vmem>> -> memref<80xi32, #tpu.memory_space<vmem>>
      %dma_wait3A_182 = arith.constant 0 : i32
      %dma_wait3A_183 = arith.constant 0 : i32
      %dma_wait3A_184 = tpu.memref_slice %arg2[%dma_wait3A_182, %dma_wait3A_183] : memref<10000x8xf32, #tpu.memory_space<hbm>> -> memref<10000x8xf32, #tpu.memory_space<hbm>>
      tpu.wait_indirect_dma semaphore(%arg25 : memref<!tpu.dma_semaphore, #tpu.memory_space<semaphore_mem>>) src(%dma_wait3A_184 : memref<10000x8xf32, #tpu.memory_space<hbm>>) dst(%arg15 : memref<80x8xf32, #tpu.memory_space<vmem>>)
      %dma_wait3A_185 = arith.constant 0 : i32
      %dma_wait3A_186 = arith.constant 0 : i32
      %dma_wait3A_187 = tpu.memref_slice %arg14[%dma_wait3A_185, %dma_wait3A_186] : memref<125x80xi32, #tpu.memory_space<vmem>> -> memref<1x80xi32, #tpu.memory_space<vmem>>
      %dma_wait3A_188 = tpu.memref_squeeze %dma_wait3A_187 : memref<1x80xi32, #tpu.memory_space<vmem>> -> memref<80xi32, #tpu.memory_space<vmem>>
      %dma_wait3A_189 = arith.constant 0 : i32
      %dma_wait3A_190 = arith.constant 0 : i32
      %dma_wait3A_191 = tpu.memref_slice %arg3[%dma_wait3A_189, %dma_wait3A_190] : memref<10000x8xf32, #tpu.memory_space<hbm>> -> memref<10000x8xf32, #tpu.memory_space<hbm>>
      tpu.wait_indirect_dma semaphore(%arg25 : memref<!tpu.dma_semaphore, #tpu.memory_space<semaphore_mem>>) src(%dma_wait3A_191 : memref<10000x8xf32, #tpu.memory_space<hbm>>) dst(%arg16 : memref<80x8xf32, #tpu.memory_space<vmem>>)
      %dma_wait3A_192 = arith.constant 0 : i32
      %dma_wait3A_193 = arith.constant 0 : i32
      %dma_wait3A_194 = tpu.memref_slice %arg13[%dma_wait3A_192, %dma_wait3A_193] : memref<125x80xi32, #tpu.memory_space<vmem>> -> memref<1x80xi32, #tpu.memory_space<vmem>>
      %dma_wait3A_195 = tpu.memref_squeeze %dma_wait3A_194 : memref<1x80xi32, #tpu.memory_space<vmem>> -> memref<80xi32, #tpu.memory_space<vmem>>
      %dma_wait3A_196 = arith.constant 0 : i32
      %dma_wait3A_197 = arith.constant 0 : i32
      %dma_wait3A_198 = tpu.memref_slice %arg4[%dma_wait3A_196, %dma_wait3A_197] : memref<10000x64xf32, #tpu.memory_space<hbm>> -> memref<10000x64xf32, #tpu.memory_space<hbm>>
      tpu.wait_indirect_dma semaphore(%arg25 : memref<!tpu.dma_semaphore, #tpu.memory_space<semaphore_mem>>) src(%dma_wait3A_198 : memref<10000x64xf32, #tpu.memory_space<hbm>>) dst(%arg17 : memref<80x64xf32, #tpu.memory_space<vmem>>)
      %ne3A_199 = arith.constant 0 : i32
      %ne3A_200 = arith.cmpi ne, %scan3A_175, %ne3A_199 : i32
      %convert_element_type3A = arith.extui %ne3A_200 : i1 to i32
      %cond3A = arith.constant 0 : i32
      %cond3A_201 = arith.cmpi ne, %convert_element_type3A, %cond3A : i32
      scf.if %cond3A_201 {
        %dma_wait3A_293 = arith.constant 0 : i32
        %dma_wait3A_294 = arith.constant 0 : i32
        %dma_wait3A_295 = tpu.memref_slice %arg14[%dma_wait3A_293, %dma_wait3A_294] : memref<125x80xi32, #tpu.memory_space<vmem>> -> memref<1x80xi32, #tpu.memory_space<vmem>>
        %dma_wait3A_296 = tpu.memref_squeeze %dma_wait3A_295 : memref<1x80xi32, #tpu.memory_space<vmem>> -> memref<80xi32, #tpu.memory_space<vmem>>
        %dma_wait3A_297 = arith.constant 0 : i32
        %dma_wait3A_298 = arith.constant 0 : i32
        %dma_wait3A_299 = tpu.memref_slice %arg12[%dma_wait3A_297, %dma_wait3A_298] : memref<10240x8xf32, #tpu.memory_space<vmem_shared>> -> memref<10240x8xf32, #tpu.memory_space<vmem_shared>>
        tpu.wait_indirect_dma semaphore(%arg27 : memref<!tpu.dma_semaphore, #tpu.memory_space<semaphore_mem>>) src(%arg18 : memref<80x8xf32, #tpu.memory_space<vmem>>) dst(%dma_wait3A_299 : memref<10240x8xf32, #tpu.memory_space<vmem_shared>>)
        %dma_wait3A_300 = arith.constant 0 : i32
        %dma_wait3A_301 = arith.constant 0 : i32
        %dma_wait3A_302 = tpu.memref_slice %arg14[%dma_wait3A_300, %dma_wait3A_301] : memref<125x80xi32, #tpu.memory_space<vmem>> -> memref<1x80xi32, #tpu.memory_space<vmem>>
        %dma_wait3A_303 = tpu.memref_squeeze %dma_wait3A_302 : memref<1x80xi32, #tpu.memory_space<vmem>> -> memref<80xi32, #tpu.memory_space<vmem>>
        %dma_wait3A_304 = arith.constant 0 : i32
        %dma_wait3A_305 = arith.constant 0 : i32
        %dma_wait3A_306 = tpu.memref_slice %arg11[%dma_wait3A_304, %dma_wait3A_305] : memref<10240x64xf32, #tpu.memory_space<vmem_shared>> -> memref<10240x64xf32, #tpu.memory_space<vmem_shared>>
        tpu.wait_indirect_dma semaphore(%arg27 : memref<!tpu.dma_semaphore, #tpu.memory_space<semaphore_mem>>) src(%arg19 : memref<80x64xf32, #tpu.memory_space<vmem>>) dst(%dma_wait3A_306 : memref<10240x64xf32, #tpu.memory_space<vmem_shared>>)
      } else {
      }
      %scan3A_202 = arith.constant 0 : i32
      %scan3A_203 = arith.constant 0 : i32
      %scan3A_204 = arith.constant 40 : i32
      %scan3A_205 = arith.addi %scan3A_203, %scan3A_204 : i32
      %scan3A_206 = arith.constant 2 : i32
      scf.for %scan3A_293 = %scan3A_203 to %scan3A_205 step %scan3A_206  : i32 {
        %mul3A_294 = arith.constant 2 : i32
        %mul3A_295 = arith.muli %mul3A_294, %scan3A_293 : i32
        %add3A_296 = vector.broadcast %mul3A_295 : i32 to vector<16xi32>
        %add3A_297 = arith.addi %add3A_296, %select_n3A : vector<16xi32>
        %gather3A = tpu.vector_load_idx %arg15[%add3A_297, %select_n3A_45] : memref<80x8xf32, #tpu.memory_space<vmem>>[vector<16xi32>, vector<16xi32>], vector<16xf32>,
        %gather3A_298 = tpu.vector_load_idx %arg16[%add3A_297, %select_n3A_45] : memref<80x8xf32, #tpu.memory_space<vmem>>[vector<16xi32>, vector<16xi32>], vector<16xf32>,
        %add3A_299 = arith.addf %gather3A, %gather3A_298 : vector<16xf32>
        %mul3A_300 = arith.constant 2.000000e-01 : f32
        %mul3A_301 = vector.broadcast %mul3A_300 : f32 to vector<16xf32>
        %mul3A_302 = arith.mulf %mul3A_301, %add3A_299 : vector<16xf32>
        %max3A = arith.maximumf %add3A_299, %mul3A_302 : vector<16xf32>
        %exp3A = math.exp %max3A : vector<16xf32>
        tpu.vector_store_idx %arg18[%add3A_297, %select_n3A_45], %exp3A : memref<80x8xf32, #tpu.memory_space<vmem>>[vector<16xi32>, vector<16xi32>], vector<16xf32>,
        %mul3A_303 = arith.constant 2 : i32
        %mul3A_304 = arith.muli %mul3A_303, %scan3A_293 : i32
        %add3A_305 = arith.constant 0 : i32
        %add3A_306 = arith.addi %mul3A_304, %add3A_305 : i32
        %get3A = arith.index_cast %add3A_306 : i32 to index
        %get3A_307 = arith.constant 0 : index
        %get3A_308 = tpu.vector_load %arg17[%get3A, %get3A_307] {strides = array<i32>} : memref<80x64xf32, #tpu.memory_space<vmem>>, vector<16xf32>,
        %add3A_309 = arith.constant 0 : i32
        %add3A_310 = vector.broadcast %add3A_309 : i32 to vector<16xi32>
        %add3A_311 = arith.addi %add3A_310, %select_n3A : vector<16xi32>
        %lt3A_312 = arith.constant 0 : i32
        %lt3A_313 = vector.broadcast %lt3A_312 : i32 to vector<16xi32>
        %lt3A_314 = arith.cmpi slt, %add3A_311, %lt3A_313 : vector<16xi32>
        %add3A_315 = arith.constant 16 : i32
        %add3A_316 = vector.broadcast %add3A_315 : i32 to vector<16xi32>
        %add3A_317 = arith.addi %add3A_311, %add3A_316 : vector<16xi32>
        %select_n3A_318 = arith.select %lt3A_314, %add3A_317, %add3A_311 : vector<16xi1>, vector<16xi32>
        %reshape3A = vector.shape_cast %select_n3A_318 : vector<16xi32> to vector<16x1xi32>
        %gather3A_319 = vector.shape_cast %reshape3A : vector<16x1xi32> to vector<16xi32>
        %gather3A_320 = tpu.dynamic_gather %exp3A[%gather3A_319] in [0] : vector<16xf32>, vector<16xi32> -> vector<16xf32>
        %mul3A_321 = arith.mulf %get3A_308, %gather3A_320 : vector<16xf32>
        %swap3A = arith.index_cast %add3A_306 : i32 to index
        %swap3A_322 = arith.constant 0 : index
        %swap3A_323 = tpu.vector_load %arg19[%swap3A, %swap3A_322] {strides = array<i32>} : memref<80x64xf32, #tpu.memory_space<vmem>>, vector<16xf32>,
        tpu.vector_store %arg19[%swap3A, %swap3A_322], %mul3A_321 {strides = array<i32>} : memref<80x64xf32, #tpu.memory_space<vmem>>, vector<16xf32>,
        %mul3A_324 = arith.constant 2 : i32
        %mul3A_325 = arith.muli %mul3A_324, %scan3A_293 : i32
        %add3A_326 = arith.constant 0 : i32
        %add3A_327 = arith.addi %mul3A_325, %add3A_326 : i32
        %get3A_328 = arith.index_cast %add3A_327 : i32 to index
        %get3A_329 = arith.constant 16 : index
        %get3A_330 = tpu.vector_load %arg17[%get3A_328, %get3A_329] {strides = array<i32>} : memref<80x64xf32, #tpu.memory_space<vmem>>, vector<16xf32>,
        %add3A_331 = arith.constant 2 : i32
        %add3A_332 = vector.broadcast %add3A_331 : i32 to vector<16xi32>
        %add3A_333 = arith.addi %add3A_332, %select_n3A : vector<16xi32>
        %lt3A_334 = arith.constant 0 : i32
        %lt3A_335 = vector.broadcast %lt3A_334 : i32 to vector<16xi32>
        %lt3A_336 = arith.cmpi slt, %add3A_333, %lt3A_335 : vector<16xi32>
        %add3A_337 = arith.constant 16 : i32
        %add3A_338 = vector.broadcast %add3A_337 : i32 to vector<16xi32>
        %add3A_339 = arith.addi %add3A_333, %add3A_338 : vector<16xi32>
        %select_n3A_340 = arith.select %lt3A_336, %add3A_339, %add3A_333 : vector<16xi1>, vector<16xi32>
        %reshape3A_341 = vector.shape_cast %select_n3A_340 : vector<16xi32> to vector<16x1xi32>
        %gather3A_342 = vector.shape_cast %reshape3A_341 : vector<16x1xi32> to vector<16xi32>
        %gather3A_343 = tpu.dynamic_gather %exp3A[%gather3A_342] in [0] : vector<16xf32>, vector<16xi32> -> vector<16xf32>
        %mul3A_344 = arith.mulf %get3A_330, %gather3A_343 : vector<16xf32>
        %swap3A_345 = arith.index_cast %add3A_327 : i32 to index
        %swap3A_346 = arith.constant 16 : index
        %swap3A_347 = tpu.vector_load %arg19[%swap3A_345, %swap3A_346] {strides = array<i32>} : memref<80x64xf32, #tpu.memory_space<vmem>>, vector<16xf32>,
        tpu.vector_store %arg19[%swap3A_345, %swap3A_346], %mul3A_344 {strides = array<i32>} : memref<80x64xf32, #tpu.memory_space<vmem>>, vector<16xf32>,
        %mul3A_348 = arith.constant 2 : i32
        %mul3A_349 = arith.muli %mul3A_348, %scan3A_293 : i32
        %add3A_350 = arith.constant 0 : i32
        %add3A_351 = arith.addi %mul3A_349, %add3A_350 : i32
        %get3A_352 = arith.index_cast %add3A_351 : i32 to index
        %get3A_353 = arith.constant 32 : index
        %get3A_354 = tpu.vector_load %arg17[%get3A_352, %get3A_353] {strides = array<i32>} : memref<80x64xf32, #tpu.memory_space<vmem>>, vector<16xf32>,
        %add3A_355 = arith.constant 4 : i32
        %add3A_356 = vector.broadcast %add3A_355 : i32 to vector<16xi32>
        %add3A_357 = arith.addi %add3A_356, %select_n3A : vector<16xi32>
        %lt3A_358 = arith.constant 0 : i32
        %lt3A_359 = vector.broadcast %lt3A_358 : i32 to vector<16xi32>
        %lt3A_360 = arith.cmpi slt, %add3A_357, %lt3A_359 : vector<16xi32>
        %add3A_361 = arith.constant 16 : i32
        %add3A_362 = vector.broadcast %add3A_361 : i32 to vector<16xi32>
        %add3A_363 = arith.addi %add3A_357, %add3A_362 : vector<16xi32>
        %select_n3A_364 = arith.select %lt3A_360, %add3A_363, %add3A_357 : vector<16xi1>, vector<16xi32>
        %reshape3A_365 = vector.shape_cast %select_n3A_364 : vector<16xi32> to vector<16x1xi32>
        %gather3A_366 = vector.shape_cast %reshape3A_365 : vector<16x1xi32> to vector<16xi32>
        %gather3A_367 = tpu.dynamic_gather %exp3A[%gather3A_366] in [0] : vector<16xf32>, vector<16xi32> -> vector<16xf32>
        %mul3A_368 = arith.mulf %get3A_354, %gather3A_367 : vector<16xf32>
        %swap3A_369 = arith.index_cast %add3A_351 : i32 to index
        %swap3A_370 = arith.constant 32 : index
        %swap3A_371 = tpu.vector_load %arg19[%swap3A_369, %swap3A_370] {strides = array<i32>} : memref<80x64xf32, #tpu.memory_space<vmem>>, vector<16xf32>,
        tpu.vector_store %arg19[%swap3A_369, %swap3A_370], %mul3A_368 {strides = array<i32>} : memref<80x64xf32, #tpu.memory_space<vmem>>, vector<16xf32>,
        %mul3A_372 = arith.constant 2 : i32
        %mul3A_373 = arith.muli %mul3A_372, %scan3A_293 : i32
        %add3A_374 = arith.constant 0 : i32
        %add3A_375 = arith.addi %mul3A_373, %add3A_374 : i32
        %get3A_376 = arith.index_cast %add3A_375 : i32 to index
        %get3A_377 = arith.constant 48 : index
        %get3A_378 = tpu.vector_load %arg17[%get3A_376, %get3A_377] {strides = array<i32>} : memref<80x64xf32, #tpu.memory_space<vmem>>, vector<16xf32>,
        %add3A_379 = arith.constant 6 : i32
        %add3A_380 = vector.broadcast %add3A_379 : i32 to vector<16xi32>
        %add3A_381 = arith.addi %add3A_380, %select_n3A : vector<16xi32>
        %lt3A_382 = arith.constant 0 : i32
        %lt3A_383 = vector.broadcast %lt3A_382 : i32 to vector<16xi32>
        %lt3A_384 = arith.cmpi slt, %add3A_381, %lt3A_383 : vector<16xi32>
        %add3A_385 = arith.constant 16 : i32
        %add3A_386 = vector.broadcast %add3A_385 : i32 to vector<16xi32>
        %add3A_387 = arith.addi %add3A_381, %add3A_386 : vector<16xi32>
        %select_n3A_388 = arith.select %lt3A_384, %add3A_387, %add3A_381 : vector<16xi1>, vector<16xi32>
        %reshape3A_389 = vector.shape_cast %select_n3A_388 : vector<16xi32> to vector<16x1xi32>
        %gather3A_390 = vector.shape_cast %reshape3A_389 : vector<16x1xi32> to vector<16xi32>
        %gather3A_391 = tpu.dynamic_gather %exp3A[%gather3A_390] in [0] : vector<16xf32>, vector<16xi32> -> vector<16xf32>
        %mul3A_392 = arith.mulf %get3A_378, %gather3A_391 : vector<16xf32>
        %swap3A_393 = arith.index_cast %add3A_375 : i32 to index
        %swap3A_394 = arith.constant 48 : index
        %swap3A_395 = tpu.vector_load %arg19[%swap3A_393, %swap3A_394] {strides = array<i32>} : memref<80x64xf32, #tpu.memory_space<vmem>>, vector<16xf32>,
        tpu.vector_store %arg19[%swap3A_393, %swap3A_394], %mul3A_392 {strides = array<i32>} : memref<80x64xf32, #tpu.memory_space<vmem>>, vector<16xf32>,
        %mul3A_396 = arith.constant 2 : i32
        %mul3A_397 = arith.muli %mul3A_396, %scan3A_293 : i32
        %add3A_398 = arith.constant 1 : i32
        %add3A_399 = arith.addi %mul3A_397, %add3A_398 : i32
        %get3A_400 = arith.index_cast %add3A_399 : i32 to index
        %get3A_401 = arith.constant 0 : index
        %get3A_402 = tpu.vector_load %arg17[%get3A_400, %get3A_401] {strides = array<i32>} : memref<80x64xf32, #tpu.memory_space<vmem>>, vector<16xf32>,
        %add3A_403 = arith.constant 8 : i32
        %add3A_404 = vector.broadcast %add3A_403 : i32 to vector<16xi32>
        %add3A_405 = arith.addi %add3A_404, %select_n3A : vector<16xi32>
        %lt3A_406 = arith.constant 0 : i32
        %lt3A_407 = vector.broadcast %lt3A_406 : i32 to vector<16xi32>
        %lt3A_408 = arith.cmpi slt, %add3A_405, %lt3A_407 : vector<16xi32>
        %add3A_409 = arith.constant 16 : i32
        %add3A_410 = vector.broadcast %add3A_409 : i32 to vector<16xi32>
        %add3A_411 = arith.addi %add3A_405, %add3A_410 : vector<16xi32>
        %select_n3A_412 = arith.select %lt3A_408, %add3A_411, %add3A_405 : vector<16xi1>, vector<16xi32>
        %reshape3A_413 = vector.shape_cast %select_n3A_412 : vector<16xi32> to vector<16x1xi32>
        %gather3A_414 = vector.shape_cast %reshape3A_413 : vector<16x1xi32> to vector<16xi32>
        %gather3A_415 = tpu.dynamic_gather %exp3A[%gather3A_414] in [0] : vector<16xf32>, vector<16xi32> -> vector<16xf32>
        %mul3A_416 = arith.mulf %get3A_402, %gather3A_415 : vector<16xf32>
        %swap3A_417 = arith.index_cast %add3A_399 : i32 to index
        %swap3A_418 = arith.constant 0 : index
        %swap3A_419 = tpu.vector_load %arg19[%swap3A_417, %swap3A_418] {strides = array<i32>} : memref<80x64xf32, #tpu.memory_space<vmem>>, vector<16xf32>,
        tpu.vector_store %arg19[%swap3A_417, %swap3A_418], %mul3A_416 {strides = array<i32>} : memref<80x64xf32, #tpu.memory_space<vmem>>, vector<16xf32>,
        %mul3A_420 = arith.constant 2 : i32
        %mul3A_421 = arith.muli %mul3A_420, %scan3A_293 : i32
        %add3A_422 = arith.constant 1 : i32
        %add3A_423 = arith.addi %mul3A_421, %add3A_422 : i32
        %get3A_424 = arith.index_cast %add3A_423 : i32 to index
        %get3A_425 = arith.constant 16 : index
        %get3A_426 = tpu.vector_load %arg17[%get3A_424, %get3A_425] {strides = array<i32>} : memref<80x64xf32, #tpu.memory_space<vmem>>, vector<16xf32>,
        %add3A_427 = arith.constant 10 : i32
        %add3A_428 = vector.broadcast %add3A_427 : i32 to vector<16xi32>
        %add3A_429 = arith.addi %add3A_428, %select_n3A : vector<16xi32>
        %lt3A_430 = arith.constant 0 : i32
        %lt3A_431 = vector.broadcast %lt3A_430 : i32 to vector<16xi32>
        %lt3A_432 = arith.cmpi slt, %add3A_429, %lt3A_431 : vector<16xi32>
        %add3A_433 = arith.constant 16 : i32
        %add3A_434 = vector.broadcast %add3A_433 : i32 to vector<16xi32>
        %add3A_435 = arith.addi %add3A_429, %add3A_434 : vector<16xi32>
        %select_n3A_436 = arith.select %lt3A_432, %add3A_435, %add3A_429 : vector<16xi1>, vector<16xi32>
        %reshape3A_437 = vector.shape_cast %select_n3A_436 : vector<16xi32> to vector<16x1xi32>
        %gather3A_438 = vector.shape_cast %reshape3A_437 : vector<16x1xi32> to vector<16xi32>
        %gather3A_439 = tpu.dynamic_gather %exp3A[%gather3A_438] in [0] : vector<16xf32>, vector<16xi32> -> vector<16xf32>
        %mul3A_440 = arith.mulf %get3A_426, %gather3A_439 : vector<16xf32>
        %swap3A_441 = arith.index_cast %add3A_423 : i32 to index
        %swap3A_442 = arith.constant 16 : index
        %swap3A_443 = tpu.vector_load %arg19[%swap3A_441, %swap3A_442] {strides = array<i32>} : memref<80x64xf32, #tpu.memory_space<vmem>>, vector<16xf32>,
        tpu.vector_store %arg19[%swap3A_441, %swap3A_442], %mul3A_440 {strides = array<i32>} : memref<80x64xf32, #tpu.memory_space<vmem>>, vector<16xf32>,
        %mul3A_444 = arith.constant 2 : i32
        %mul3A_445 = arith.muli %mul3A_444, %scan3A_293 : i32
        %add3A_446 = arith.constant 1 : i32
        %add3A_447 = arith.addi %mul3A_445, %add3A_446 : i32
        %get3A_448 = arith.index_cast %add3A_447 : i32 to index
        %get3A_449 = arith.constant 32 : index
        %get3A_450 = tpu.vector_load %arg17[%get3A_448, %get3A_449] {strides = array<i32>} : memref<80x64xf32, #tpu.memory_space<vmem>>, vector<16xf32>,
        %add3A_451 = arith.constant 12 : i32
        %add3A_452 = vector.broadcast %add3A_451 : i32 to vector<16xi32>
        %add3A_453 = arith.addi %add3A_452, %select_n3A : vector<16xi32>
        %lt3A_454 = arith.constant 0 : i32
        %lt3A_455 = vector.broadcast %lt3A_454 : i32 to vector<16xi32>
        %lt3A_456 = arith.cmpi slt, %add3A_453, %lt3A_455 : vector<16xi32>
        %add3A_457 = arith.constant 16 : i32
        %add3A_458 = vector.broadcast %add3A_457 : i32 to vector<16xi32>
        %add3A_459 = arith.addi %add3A_453, %add3A_458 : vector<16xi32>
        %select_n3A_460 = arith.select %lt3A_456, %add3A_459, %add3A_453 : vector<16xi1>, vector<16xi32>
        %reshape3A_461 = vector.shape_cast %select_n3A_460 : vector<16xi32> to vector<16x1xi32>
        %gather3A_462 = vector.shape_cast %reshape3A_461 : vector<16x1xi32> to vector<16xi32>
        %gather3A_463 = tpu.dynamic_gather %exp3A[%gather3A_462] in [0] : vector<16xf32>, vector<16xi32> -> vector<16xf32>
        %mul3A_464 = arith.mulf %get3A_450, %gather3A_463 : vector<16xf32>
        %swap3A_465 = arith.index_cast %add3A_447 : i32 to index
        %swap3A_466 = arith.constant 32 : index
        %swap3A_467 = tpu.vector_load %arg19[%swap3A_465, %swap3A_466] {strides = array<i32>} : memref<80x64xf32, #tpu.memory_space<vmem>>, vector<16xf32>,
        tpu.vector_store %arg19[%swap3A_465, %swap3A_466], %mul3A_464 {strides = array<i32>} : memref<80x64xf32, #tpu.memory_space<vmem>>, vector<16xf32>,
        %mul3A_468 = arith.constant 2 : i32
        %mul3A_469 = arith.muli %mul3A_468, %scan3A_293 : i32
        %add3A_470 = arith.constant 1 : i32
        %add3A_471 = arith.addi %mul3A_469, %add3A_470 : i32
        %get3A_472 = arith.index_cast %add3A_471 : i32 to index
        %get3A_473 = arith.constant 48 : index
        %get3A_474 = tpu.vector_load %arg17[%get3A_472, %get3A_473] {strides = array<i32>} : memref<80x64xf32, #tpu.memory_space<vmem>>, vector<16xf32>,
        %add3A_475 = arith.constant 14 : i32
        %add3A_476 = vector.broadcast %add3A_475 : i32 to vector<16xi32>
        %add3A_477 = arith.addi %add3A_476, %select_n3A : vector<16xi32>
        %lt3A_478 = arith.constant 0 : i32
        %lt3A_479 = vector.broadcast %lt3A_478 : i32 to vector<16xi32>
        %lt3A_480 = arith.cmpi slt, %add3A_477, %lt3A_479 : vector<16xi32>
        %add3A_481 = arith.constant 16 : i32
        %add3A_482 = vector.broadcast %add3A_481 : i32 to vector<16xi32>
        %add3A_483 = arith.addi %add3A_477, %add3A_482 : vector<16xi32>
        %select_n3A_484 = arith.select %lt3A_480, %add3A_483, %add3A_477 : vector<16xi1>, vector<16xi32>
        %reshape3A_485 = vector.shape_cast %select_n3A_484 : vector<16xi32> to vector<16x1xi32>
        %gather3A_486 = vector.shape_cast %reshape3A_485 : vector<16x1xi32> to vector<16xi32>
        %gather3A_487 = tpu.dynamic_gather %exp3A[%gather3A_486] in [0] : vector<16xf32>, vector<16xi32> -> vector<16xf32>
        %mul3A_488 = arith.mulf %get3A_474, %gather3A_487 : vector<16xf32>
        %swap3A_489 = arith.index_cast %add3A_471 : i32 to index
        %swap3A_490 = arith.constant 48 : index
        %swap3A_491 = tpu.vector_load %arg19[%swap3A_489, %swap3A_490] {strides = array<i32>} : memref<80x64xf32, #tpu.memory_space<vmem>>, vector<16xf32>,
        tpu.vector_store %arg19[%swap3A_489, %swap3A_490], %mul3A_488 {strides = array<i32>} : memref<80x64xf32, #tpu.memory_space<vmem>>, vector<16xf32>,
        %scan3A_492 = arith.constant 1 : i32
        %scan3A_493 = arith.addi %scan3A_293, %scan3A_492 : i32
        %mul3A_494 = arith.constant 2 : i32
        %mul3A_495 = arith.muli %mul3A_494, %scan3A_493 : i32
        %add3A_496 = vector.broadcast %mul3A_495 : i32 to vector<16xi32>
        %add3A_497 = arith.addi %add3A_496, %select_n3A : vector<16xi32>
        %gather3A_498 = tpu.vector_load_idx %arg15[%add3A_497, %select_n3A_45] : memref<80x8xf32, #tpu.memory_space<vmem>>[vector<16xi32>, vector<16xi32>], vector<16xf32>,
        %gather3A_499 = tpu.vector_load_idx %arg16[%add3A_497, %select_n3A_45] : memref<80x8xf32, #tpu.memory_space<vmem>>[vector<16xi32>, vector<16xi32>], vector<16xf32>,
        %add3A_500 = arith.addf %gather3A_498, %gather3A_499 : vector<16xf32>
        %mul3A_501 = arith.constant 2.000000e-01 : f32
        %mul3A_502 = vector.broadcast %mul3A_501 : f32 to vector<16xf32>
        %mul3A_503 = arith.mulf %mul3A_502, %add3A_500 : vector<16xf32>
        %max3A_504 = arith.maximumf %add3A_500, %mul3A_503 : vector<16xf32>
        %exp3A_505 = math.exp %max3A_504 : vector<16xf32>
        tpu.vector_store_idx %arg18[%add3A_497, %select_n3A_45], %exp3A_505 : memref<80x8xf32, #tpu.memory_space<vmem>>[vector<16xi32>, vector<16xi32>], vector<16xf32>,
        %mul3A_506 = arith.constant 2 : i32
        %mul3A_507 = arith.muli %mul3A_506, %scan3A_493 : i32
        %add3A_508 = arith.constant 0 : i32
        %add3A_509 = arith.addi %mul3A_507, %add3A_508 : i32
        %get3A_510 = arith.index_cast %add3A_509 : i32 to index
        %get3A_511 = arith.constant 0 : index
        %get3A_512 = tpu.vector_load %arg17[%get3A_510, %get3A_511] {strides = array<i32>} : memref<80x64xf32, #tpu.memory_space<vmem>>, vector<16xf32>,
        %add3A_513 = arith.constant 0 : i32
        %add3A_514 = vector.broadcast %add3A_513 : i32 to vector<16xi32>
        %add3A_515 = arith.addi %add3A_514, %select_n3A : vector<16xi32>
        %lt3A_516 = arith.constant 0 : i32
        %lt3A_517 = vector.broadcast %lt3A_516 : i32 to vector<16xi32>
        %lt3A_518 = arith.cmpi slt, %add3A_515, %lt3A_517 : vector<16xi32>
        %add3A_519 = arith.constant 16 : i32
        %add3A_520 = vector.broadcast %add3A_519 : i32 to vector<16xi32>
        %add3A_521 = arith.addi %add3A_515, %add3A_520 : vector<16xi32>
        %select_n3A_522 = arith.select %lt3A_518, %add3A_521, %add3A_515 : vector<16xi1>, vector<16xi32>
        %reshape3A_523 = vector.shape_cast %select_n3A_522 : vector<16xi32> to vector<16x1xi32>
        %gather3A_524 = vector.shape_cast %reshape3A_523 : vector<16x1xi32> to vector<16xi32>
        %gather3A_525 = tpu.dynamic_gather %exp3A_505[%gather3A_524] in [0] : vector<16xf32>, vector<16xi32> -> vector<16xf32>
        %mul3A_526 = arith.mulf %get3A_512, %gather3A_525 : vector<16xf32>
        %swap3A_527 = arith.index_cast %add3A_509 : i32 to index
        %swap3A_528 = arith.constant 0 : index
        %swap3A_529 = tpu.vector_load %arg19[%swap3A_527, %swap3A_528] {strides = array<i32>} : memref<80x64xf32, #tpu.memory_space<vmem>>, vector<16xf32>,
        tpu.vector_store %arg19[%swap3A_527, %swap3A_528], %mul3A_526 {strides = array<i32>} : memref<80x64xf32, #tpu.memory_space<vmem>>, vector<16xf32>,
        %mul3A_530 = arith.constant 2 : i32
        %mul3A_531 = arith.muli %mul3A_530, %scan3A_493 : i32
        %add3A_532 = arith.constant 0 : i32
        %add3A_533 = arith.addi %mul3A_531, %add3A_532 : i32
        %get3A_534 = arith.index_cast %add3A_533 : i32 to index
        %get3A_535 = arith.constant 16 : index
        %get3A_536 = tpu.vector_load %arg17[%get3A_534, %get3A_535] {strides = array<i32>} : memref<80x64xf32, #tpu.memory_space<vmem>>, vector<16xf32>,
        %add3A_537 = arith.constant 2 : i32
        %add3A_538 = vector.broadcast %add3A_537 : i32 to vector<16xi32>
        %add3A_539 = arith.addi %add3A_538, %select_n3A : vector<16xi32>
        %lt3A_540 = arith.constant 0 : i32
        %lt3A_541 = vector.broadcast %lt3A_540 : i32 to vector<16xi32>
        %lt3A_542 = arith.cmpi slt, %add3A_539, %lt3A_541 : vector<16xi32>
        %add3A_543 = arith.constant 16 : i32
        %add3A_544 = vector.broadcast %add3A_543 : i32 to vector<16xi32>
        %add3A_545 = arith.addi %add3A_539, %add3A_544 : vector<16xi32>
        %select_n3A_546 = arith.select %lt3A_542, %add3A_545, %add3A_539 : vector<16xi1>, vector<16xi32>
        %reshape3A_547 = vector.shape_cast %select_n3A_546 : vector<16xi32> to vector<16x1xi32>
        %gather3A_548 = vector.shape_cast %reshape3A_547 : vector<16x1xi32> to vector<16xi32>
        %gather3A_549 = tpu.dynamic_gather %exp3A_505[%gather3A_548] in [0] : vector<16xf32>, vector<16xi32> -> vector<16xf32>
        %mul3A_550 = arith.mulf %get3A_536, %gather3A_549 : vector<16xf32>
        %swap3A_551 = arith.index_cast %add3A_533 : i32 to index
        %swap3A_552 = arith.constant 16 : index
        %swap3A_553 = tpu.vector_load %arg19[%swap3A_551, %swap3A_552] {strides = array<i32>} : memref<80x64xf32, #tpu.memory_space<vmem>>, vector<16xf32>,
        tpu.vector_store %arg19[%swap3A_551, %swap3A_552], %mul3A_550 {strides = array<i32>} : memref<80x64xf32, #tpu.memory_space<vmem>>, vector<16xf32>,
        %mul3A_554 = arith.constant 2 : i32
        %mul3A_555 = arith.muli %mul3A_554, %scan3A_493 : i32
        %add3A_556 = arith.constant 0 : i32
        %add3A_557 = arith.addi %mul3A_555, %add3A_556 : i32
        %get3A_558 = arith.index_cast %add3A_557 : i32 to index
        %get3A_559 = arith.constant 32 : index
        %get3A_560 = tpu.vector_load %arg17[%get3A_558, %get3A_559] {strides = array<i32>} : memref<80x64xf32, #tpu.memory_space<vmem>>, vector<16xf32>,
        %add3A_561 = arith.constant 4 : i32
        %add3A_562 = vector.broadcast %add3A_561 : i32 to vector<16xi32>
        %add3A_563 = arith.addi %add3A_562, %select_n3A : vector<16xi32>
        %lt3A_564 = arith.constant 0 : i32
        %lt3A_565 = vector.broadcast %lt3A_564 : i32 to vector<16xi32>
        %lt3A_566 = arith.cmpi slt, %add3A_563, %lt3A_565 : vector<16xi32>
        %add3A_567 = arith.constant 16 : i32
        %add3A_568 = vector.broadcast %add3A_567 : i32 to vector<16xi32>
        %add3A_569 = arith.addi %add3A_563, %add3A_568 : vector<16xi32>
        %select_n3A_570 = arith.select %lt3A_566, %add3A_569, %add3A_563 : vector<16xi1>, vector<16xi32>
        %reshape3A_571 = vector.shape_cast %select_n3A_570 : vector<16xi32> to vector<16x1xi32>
        %gather3A_572 = vector.shape_cast %reshape3A_571 : vector<16x1xi32> to vector<16xi32>
        %gather3A_573 = tpu.dynamic_gather %exp3A_505[%gather3A_572] in [0] : vector<16xf32>, vector<16xi32> -> vector<16xf32>
        %mul3A_574 = arith.mulf %get3A_560, %gather3A_573 : vector<16xf32>
        %swap3A_575 = arith.index_cast %add3A_557 : i32 to index
        %swap3A_576 = arith.constant 32 : index
        %swap3A_577 = tpu.vector_load %arg19[%swap3A_575, %swap3A_576] {strides = array<i32>} : memref<80x64xf32, #tpu.memory_space<vmem>>, vector<16xf32>,
        tpu.vector_store %arg19[%swap3A_575, %swap3A_576], %mul3A_574 {strides = array<i32>} : memref<80x64xf32, #tpu.memory_space<vmem>>, vector<16xf32>,
        %mul3A_578 = arith.constant 2 : i32
        %mul3A_579 = arith.muli %mul3A_578, %scan3A_493 : i32
        %add3A_580 = arith.constant 0 : i32
        %add3A_581 = arith.addi %mul3A_579, %add3A_580 : i32
        %get3A_582 = arith.index_cast %add3A_581 : i32 to index
        %get3A_583 = arith.constant 48 : index
        %get3A_584 = tpu.vector_load %arg17[%get3A_582, %get3A_583] {strides = array<i32>} : memref<80x64xf32, #tpu.memory_space<vmem>>, vector<16xf32>,
        %add3A_585 = arith.constant 6 : i32
        %add3A_586 = vector.broadcast %add3A_585 : i32 to vector<16xi32>
        %add3A_587 = arith.addi %add3A_586, %select_n3A : vector<16xi32>
        %lt3A_588 = arith.constant 0 : i32
        %lt3A_589 = vector.broadcast %lt3A_588 : i32 to vector<16xi32>
        %lt3A_590 = arith.cmpi slt, %add3A_587, %lt3A_589 : vector<16xi32>
        %add3A_591 = arith.constant 16 : i32
        %add3A_592 = vector.broadcast %add3A_591 : i32 to vector<16xi32>
        %add3A_593 = arith.addi %add3A_587, %add3A_592 : vector<16xi32>
        %select_n3A_594 = arith.select %lt3A_590, %add3A_593, %add3A_587 : vector<16xi1>, vector<16xi32>
        %reshape3A_595 = vector.shape_cast %select_n3A_594 : vector<16xi32> to vector<16x1xi32>
        %gather3A_596 = vector.shape_cast %reshape3A_595 : vector<16x1xi32> to vector<16xi32>
        %gather3A_597 = tpu.dynamic_gather %exp3A_505[%gather3A_596] in [0] : vector<16xf32>, vector<16xi32> -> vector<16xf32>
        %mul3A_598 = arith.mulf %get3A_584, %gather3A_597 : vector<16xf32>
        %swap3A_599 = arith.index_cast %add3A_581 : i32 to index
        %swap3A_600 = arith.constant 48 : index
        %swap3A_601 = tpu.vector_load %arg19[%swap3A_599, %swap3A_600] {strides = array<i32>} : memref<80x64xf32, #tpu.memory_space<vmem>>, vector<16xf32>,
        tpu.vector_store %arg19[%swap3A_599, %swap3A_600], %mul3A_598 {strides = array<i32>} : memref<80x64xf32, #tpu.memory_space<vmem>>, vector<16xf32>,
        %mul3A_602 = arith.constant 2 : i32
        %mul3A_603 = arith.muli %mul3A_602, %scan3A_493 : i32
        %add3A_604 = arith.constant 1 : i32
        %add3A_605 = arith.addi %mul3A_603, %add3A_604 : i32
        %get3A_606 = arith.index_cast %add3A_605 : i32 to index
        %get3A_607 = arith.constant 0 : index
        %get3A_608 = tpu.vector_load %arg17[%get3A_606, %get3A_607] {strides = array<i32>} : memref<80x64xf32, #tpu.memory_space<vmem>>, vector<16xf32>,
        %add3A_609 = arith.constant 8 : i32
        %add3A_610 = vector.broadcast %add3A_609 : i32 to vector<16xi32>
        %add3A_611 = arith.addi %add3A_610, %select_n3A : vector<16xi32>
        %lt3A_612 = arith.constant 0 : i32
        %lt3A_613 = vector.broadcast %lt3A_612 : i32 to vector<16xi32>
        %lt3A_614 = arith.cmpi slt, %add3A_611, %lt3A_613 : vector<16xi32>
        %add3A_615 = arith.constant 16 : i32
        %add3A_616 = vector.broadcast %add3A_615 : i32 to vector<16xi32>
        %add3A_617 = arith.addi %add3A_611, %add3A_616 : vector<16xi32>
        %select_n3A_618 = arith.select %lt3A_614, %add3A_617, %add3A_611 : vector<16xi1>, vector<16xi32>
        %reshape3A_619 = vector.shape_cast %select_n3A_618 : vector<16xi32> to vector<16x1xi32>
        %gather3A_620 = vector.shape_cast %reshape3A_619 : vector<16x1xi32> to vector<16xi32>
        %gather3A_621 = tpu.dynamic_gather %exp3A_505[%gather3A_620] in [0] : vector<16xf32>, vector<16xi32> -> vector<16xf32>
        %mul3A_622 = arith.mulf %get3A_608, %gather3A_621 : vector<16xf32>
        %swap3A_623 = arith.index_cast %add3A_605 : i32 to index
        %swap3A_624 = arith.constant 0 : index
        %swap3A_625 = tpu.vector_load %arg19[%swap3A_623, %swap3A_624] {strides = array<i32>} : memref<80x64xf32, #tpu.memory_space<vmem>>, vector<16xf32>,
        tpu.vector_store %arg19[%swap3A_623, %swap3A_624], %mul3A_622 {strides = array<i32>} : memref<80x64xf32, #tpu.memory_space<vmem>>, vector<16xf32>,
        %mul3A_626 = arith.constant 2 : i32
        %mul3A_627 = arith.muli %mul3A_626, %scan3A_493 : i32
        %add3A_628 = arith.constant 1 : i32
        %add3A_629 = arith.addi %mul3A_627, %add3A_628 : i32
        %get3A_630 = arith.index_cast %add3A_629 : i32 to index
        %get3A_631 = arith.constant 16 : index
        %get3A_632 = tpu.vector_load %arg17[%get3A_630, %get3A_631] {strides = array<i32>} : memref<80x64xf32, #tpu.memory_space<vmem>>, vector<16xf32>,
        %add3A_633 = arith.constant 10 : i32
        %add3A_634 = vector.broadcast %add3A_633 : i32 to vector<16xi32>
        %add3A_635 = arith.addi %add3A_634, %select_n3A : vector<16xi32>
        %lt3A_636 = arith.constant 0 : i32
        %lt3A_637 = vector.broadcast %lt3A_636 : i32 to vector<16xi32>
        %lt3A_638 = arith.cmpi slt, %add3A_635, %lt3A_637 : vector<16xi32>
        %add3A_639 = arith.constant 16 : i32
        %add3A_640 = vector.broadcast %add3A_639 : i32 to vector<16xi32>
        %add3A_641 = arith.addi %add3A_635, %add3A_640 : vector<16xi32>
        %select_n3A_642 = arith.select %lt3A_638, %add3A_641, %add3A_635 : vector<16xi1>, vector<16xi32>
        %reshape3A_643 = vector.shape_cast %select_n3A_642 : vector<16xi32> to vector<16x1xi32>
        %gather3A_644 = vector.shape_cast %reshape3A_643 : vector<16x1xi32> to vector<16xi32>
        %gather3A_645 = tpu.dynamic_gather %exp3A_505[%gather3A_644] in [0] : vector<16xf32>, vector<16xi32> -> vector<16xf32>
        %mul3A_646 = arith.mulf %get3A_632, %gather3A_645 : vector<16xf32>
        %swap3A_647 = arith.index_cast %add3A_629 : i32 to index
        %swap3A_648 = arith.constant 16 : index
        %swap3A_649 = tpu.vector_load %arg19[%swap3A_647, %swap3A_648] {strides = array<i32>} : memref<80x64xf32, #tpu.memory_space<vmem>>, vector<16xf32>,
        tpu.vector_store %arg19[%swap3A_647, %swap3A_648], %mul3A_646 {strides = array<i32>} : memref<80x64xf32, #tpu.memory_space<vmem>>, vector<16xf32>,
        %mul3A_650 = arith.constant 2 : i32
        %mul3A_651 = arith.muli %mul3A_650, %scan3A_493 : i32
        %add3A_652 = arith.constant 1 : i32
        %add3A_653 = arith.addi %mul3A_651, %add3A_652 : i32
        %get3A_654 = arith.index_cast %add3A_653 : i32 to index
        %get3A_655 = arith.constant 32 : index
        %get3A_656 = tpu.vector_load %arg17[%get3A_654, %get3A_655] {strides = array<i32>} : memref<80x64xf32, #tpu.memory_space<vmem>>, vector<16xf32>,
        %add3A_657 = arith.constant 12 : i32
        %add3A_658 = vector.broadcast %add3A_657 : i32 to vector<16xi32>
        %add3A_659 = arith.addi %add3A_658, %select_n3A : vector<16xi32>
        %lt3A_660 = arith.constant 0 : i32
        %lt3A_661 = vector.broadcast %lt3A_660 : i32 to vector<16xi32>
        %lt3A_662 = arith.cmpi slt, %add3A_659, %lt3A_661 : vector<16xi32>
        %add3A_663 = arith.constant 16 : i32
        %add3A_664 = vector.broadcast %add3A_663 : i32 to vector<16xi32>
        %add3A_665 = arith.addi %add3A_659, %add3A_664 : vector<16xi32>
        %select_n3A_666 = arith.select %lt3A_662, %add3A_665, %add3A_659 : vector<16xi1>, vector<16xi32>
        %reshape3A_667 = vector.shape_cast %select_n3A_666 : vector<16xi32> to vector<16x1xi32>
        %gather3A_668 = vector.shape_cast %reshape3A_667 : vector<16x1xi32> to vector<16xi32>
        %gather3A_669 = tpu.dynamic_gather %exp3A_505[%gather3A_668] in [0] : vector<16xf32>, vector<16xi32> -> vector<16xf32>
        %mul3A_670 = arith.mulf %get3A_656, %gather3A_669 : vector<16xf32>
        %swap3A_671 = arith.index_cast %add3A_653 : i32 to index
        %swap3A_672 = arith.constant 32 : index
        %swap3A_673 = tpu.vector_load %arg19[%swap3A_671, %swap3A_672] {strides = array<i32>} : memref<80x64xf32, #tpu.memory_space<vmem>>, vector<16xf32>,
        tpu.vector_store %arg19[%swap3A_671, %swap3A_672], %mul3A_670 {strides = array<i32>} : memref<80x64xf32, #tpu.memory_space<vmem>>, vector<16xf32>,
        %mul3A_674 = arith.constant 2 : i32
        %mul3A_675 = arith.muli %mul3A_674, %scan3A_493 : i32
        %add3A_676 = arith.constant 1 : i32
        %add3A_677 = arith.addi %mul3A_675, %add3A_676 : i32
        %get3A_678 = arith.index_cast %add3A_677 : i32 to index
        %get3A_679 = arith.constant 48 : index
        %get3A_680 = tpu.vector_load %arg17[%get3A_678, %get3A_679] {strides = array<i32>} : memref<80x64xf32, #tpu.memory_space<vmem>>, vector<16xf32>,
        %add3A_681 = arith.constant 14 : i32
        %add3A_682 = vector.broadcast %add3A_681 : i32 to vector<16xi32>
        %add3A_683 = arith.addi %add3A_682, %select_n3A : vector<16xi32>
        %lt3A_684 = arith.constant 0 : i32
        %lt3A_685 = vector.broadcast %lt3A_684 : i32 to vector<16xi32>
        %lt3A_686 = arith.cmpi slt, %add3A_683, %lt3A_685 : vector<16xi32>
        %add3A_687 = arith.constant 16 : i32
        %add3A_688 = vector.broadcast %add3A_687 : i32 to vector<16xi32>
        %add3A_689 = arith.addi %add3A_683, %add3A_688 : vector<16xi32>
        %select_n3A_690 = arith.select %lt3A_686, %add3A_689, %add3A_683 : vector<16xi1>, vector<16xi32>
        %reshape3A_691 = vector.shape_cast %select_n3A_690 : vector<16xi32> to vector<16x1xi32>
        %gather3A_692 = vector.shape_cast %reshape3A_691 : vector<16x1xi32> to vector<16xi32>
        %gather3A_693 = tpu.dynamic_gather %exp3A_505[%gather3A_692] in [0] : vector<16xf32>, vector<16xi32> -> vector<16xf32>
        %mul3A_694 = arith.mulf %get3A_680, %gather3A_693 : vector<16xf32>
        %swap3A_695 = arith.index_cast %add3A_677 : i32 to index
        %swap3A_696 = arith.constant 48 : index
        %swap3A_697 = tpu.vector_load %arg19[%swap3A_695, %swap3A_696] {strides = array<i32>} : memref<80x64xf32, #tpu.memory_space<vmem>>, vector<16xf32>,
        tpu.vector_store %arg19[%swap3A_695, %swap3A_696], %mul3A_694 {strides = array<i32>} : memref<80x64xf32, #tpu.memory_space<vmem>>, vector<16xf32>,
      }
      %scan3A_207 = arith.constant 40 : i32
      %dma_start3A_208 = arith.constant 0 : i32
      %dma_start3A_209 = tpu.memref_slice %arg14[%mul3A_177, %dma_start3A_208] : memref<125x80xi32, #tpu.memory_space<vmem>> -> memref<1x80xi32, #tpu.memory_space<vmem>>
      %dma_start3A_210 = tpu.memref_squeeze %dma_start3A_209 : memref<1x80xi32, #tpu.memory_space<vmem>> -> memref<80xi32, #tpu.memory_space<vmem>>
      %dma_start3A_211 = arith.constant 0 : i32
      %dma_start3A_212 = arith.constant 0 : i32
      %dma_start3A_213 = tpu.memref_slice %arg12[%dma_start3A_211, %dma_start3A_212] : memref<10240x8xf32, #tpu.memory_space<vmem_shared>> -> memref<10240x8xf32, #tpu.memory_space<vmem_shared>>
      tpu.enqueue_indirect_dma source(%arg18 : memref<80x8xf32, #tpu.memory_space<vmem>>) target(%dma_start3A_213 : memref<10240x8xf32, #tpu.memory_space<vmem_shared>>) offsets(%dma_start3A_210 : memref<80xi32, #tpu.memory_space<vmem>>) semaphore(%arg27 : memref<!tpu.dma_semaphore, #tpu.memory_space<semaphore_mem>>) {add = true}
      %dma_start3A_214 = arith.constant 0 : i32
      %dma_start3A_215 = tpu.memref_slice %arg14[%mul3A_177, %dma_start3A_214] : memref<125x80xi32, #tpu.memory_space<vmem>> -> memref<1x80xi32, #tpu.memory_space<vmem>>
      %dma_start3A_216 = tpu.memref_squeeze %dma_start3A_215 : memref<1x80xi32, #tpu.memory_space<vmem>> -> memref<80xi32, #tpu.memory_space<vmem>>
      %dma_start3A_217 = arith.constant 0 : i32
      %dma_start3A_218 = arith.constant 0 : i32
      %dma_start3A_219 = tpu.memref_slice %arg11[%dma_start3A_217, %dma_start3A_218] : memref<10240x64xf32, #tpu.memory_space<vmem_shared>> -> memref<10240x64xf32, #tpu.memory_space<vmem_shared>>
      tpu.enqueue_indirect_dma source(%arg19 : memref<80x64xf32, #tpu.memory_space<vmem>>) target(%dma_start3A_219 : memref<10240x64xf32, #tpu.memory_space<vmem_shared>>) offsets(%dma_start3A_216 : memref<80xi32, #tpu.memory_space<vmem>>) semaphore(%arg27 : memref<!tpu.dma_semaphore, #tpu.memory_space<semaphore_mem>>) {add = true}
      %add3A_220 = arith.constant 2 : i32
      %add3A_221 = arith.addi %mul3A_177, %add3A_220 : i32
      %dma_start3A_222 = arith.constant 0 : i32
      %dma_start3A_223 = tpu.memref_slice %arg13[%add3A_221, %dma_start3A_222] : memref<125x80xi32, #tpu.memory_space<vmem>> -> memref<1x80xi32, #tpu.memory_space<vmem>>
      %dma_start3A_224 = tpu.memref_squeeze %dma_start3A_223 : memref<1x80xi32, #tpu.memory_space<vmem>> -> memref<80xi32, #tpu.memory_space<vmem>>
      %dma_start3A_225 = arith.constant 0 : i32
      %dma_start3A_226 = arith.constant 0 : i32
      %dma_start3A_227 = tpu.memref_slice %arg2[%dma_start3A_225, %dma_start3A_226] : memref<10000x8xf32, #tpu.memory_space<hbm>> -> memref<10000x8xf32, #tpu.memory_space<hbm>>
      tpu.enqueue_indirect_dma source(%dma_start3A_227 : memref<10000x8xf32, #tpu.memory_space<hbm>>) target(%arg15 : memref<80x8xf32, #tpu.memory_space<vmem>>) offsets(%dma_start3A_224 : memref<80xi32, #tpu.memory_space<vmem>>) semaphore(%arg25 : memref<!tpu.dma_semaphore, #tpu.memory_space<semaphore_mem>>)
      %dma_start3A_228 = arith.constant 0 : i32
      %dma_start3A_229 = tpu.memref_slice %arg14[%add3A_221, %dma_start3A_228] : memref<125x80xi32, #tpu.memory_space<vmem>> -> memref<1x80xi32, #tpu.memory_space<vmem>>
      %dma_start3A_230 = tpu.memref_squeeze %dma_start3A_229 : memref<1x80xi32, #tpu.memory_space<vmem>> -> memref<80xi32, #tpu.memory_space<vmem>>
      %dma_start3A_231 = arith.constant 0 : i32
      %dma_start3A_232 = arith.constant 0 : i32
      %dma_start3A_233 = tpu.memref_slice %arg3[%dma_start3A_231, %dma_start3A_232] : memref<10000x8xf32, #tpu.memory_space<hbm>> -> memref<10000x8xf32, #tpu.memory_space<hbm>>
      tpu.enqueue_indirect_dma source(%dma_start3A_233 : memref<10000x8xf32, #tpu.memory_space<hbm>>) target(%arg16 : memref<80x8xf32, #tpu.memory_space<vmem>>) offsets(%dma_start3A_230 : memref<80xi32, #tpu.memory_space<vmem>>) semaphore(%arg25 : memref<!tpu.dma_semaphore, #tpu.memory_space<semaphore_mem>>)
      %dma_start3A_234 = arith.constant 0 : i32
      %dma_start3A_235 = tpu.memref_slice %arg13[%add3A_221, %dma_start3A_234] : memref<125x80xi32, #tpu.memory_space<vmem>> -> memref<1x80xi32, #tpu.memory_space<vmem>>
      %dma_start3A_236 = tpu.memref_squeeze %dma_start3A_235 : memref<1x80xi32, #tpu.memory_space<vmem>> -> memref<80xi32, #tpu.memory_space<vmem>>
      %dma_start3A_237 = arith.constant 0 : i32
      %dma_start3A_238 = arith.constant 0 : i32
      %dma_start3A_239 = tpu.memref_slice %arg4[%dma_start3A_237, %dma_start3A_238] : memref<10000x64xf32, #tpu.memory_space<hbm>> -> memref<10000x64xf32, #tpu.memory_space<hbm>>
      tpu.enqueue_indirect_dma source(%dma_start3A_239 : memref<10000x64xf32, #tpu.memory_space<hbm>>) target(%arg17 : memref<80x64xf32, #tpu.memory_space<vmem>>) offsets(%dma_start3A_236 : memref<80xi32, #tpu.memory_space<vmem>>) semaphore(%arg25 : memref<!tpu.dma_semaphore, #tpu.memory_space<semaphore_mem>>)
      %dma_wait3A_240 = arith.constant 0 : i32
      %dma_wait3A_241 = arith.constant 0 : i32
      %dma_wait3A_242 = tpu.memref_slice %arg13[%dma_wait3A_240, %dma_wait3A_241] : memref<125x80xi32, #tpu.memory_space<vmem>> -> memref<1x80xi32, #tpu.memory_space<vmem>>
      %dma_wait3A_243 = tpu.memref_squeeze %dma_wait3A_242 : memref<1x80xi32, #tpu.memory_space<vmem>> -> memref<80xi32, #tpu.memory_space<vmem>>
      %dma_wait3A_244 = arith.constant 0 : i32
      %dma_wait3A_245 = arith.constant 0 : i32
      %dma_wait3A_246 = tpu.memref_slice %arg2[%dma_wait3A_244, %dma_wait3A_245] : memref<10000x8xf32, #tpu.memory_space<hbm>> -> memref<10000x8xf32, #tpu.memory_space<hbm>>
      tpu.wait_indirect_dma semaphore(%arg26 : memref<!tpu.dma_semaphore, #tpu.memory_space<semaphore_mem>>) src(%dma_wait3A_246 : memref<10000x8xf32, #tpu.memory_space<hbm>>) dst(%arg20 : memref<80x8xf32, #tpu.memory_space<vmem>>)
      %dma_wait3A_247 = arith.constant 0 : i32
      %dma_wait3A_248 = arith.constant 0 : i32
      %dma_wait3A_249 = tpu.memref_slice %arg14[%dma_wait3A_247, %dma_wait3A_248] : memref<125x80xi32, #tpu.memory_space<vmem>> -> memref<1x80xi32, #tpu.memory_space<vmem>>
      %dma_wait3A_250 = tpu.memref_squeeze %dma_wait3A_249 : memref<1x80xi32, #tpu.memory_space<vmem>> -> memref<80xi32, #tpu.memory_space<vmem>>
      %dma_wait3A_251 = arith.constant 0 : i32
      %dma_wait3A_252 = arith.constant 0 : i32
      %dma_wait3A_253 = tpu.memref_slice %arg3[%dma_wait3A_251, %dma_wait3A_252] : memref<10000x8xf32, #tpu.memory_space<hbm>> -> memref<10000x8xf32, #tpu.memory_space<hbm>>
      tpu.wait_indirect_dma semaphore(%arg26 : memref<!tpu.dma_semaphore, #tpu.memory_space<semaphore_mem>>) src(%dma_wait3A_253 : memref<10000x8xf32, #tpu.memory_space<hbm>>) dst(%arg21 : memref<80x8xf32, #tpu.memory_space<vmem>>)
      %dma_wait3A_254 = arith.constant 0 : i32
      %dma_wait3A_255 = arith.constant 0 : i32
      %dma_wait3A_256 = tpu.memref_slice %arg13[%dma_wait3A_254, %dma_wait3A_255] : memref<125x80xi32, #tpu.memory_space<vmem>> -> memref<1x80xi32, #tpu.memory_space<vmem>>
      %dma_wait3A_257 = tpu.memref_squeeze %dma_wait3A_256 : memref<1x80xi32, #tpu.memory_space<vmem>> -> memref<80xi32, #tpu.memory_space<vmem>>
      %dma_wait3A_258 = arith.constant 0 : i32
      %dma_wait3A_259 = arith.constant 0 : i32
      %dma_wait3A_260 = tpu.memref_slice %arg4[%dma_wait3A_258, %dma_wait3A_259] : memref<10000x64xf32, #tpu.memory_space<hbm>> -> memref<10000x64xf32, #tpu.memory_space<hbm>>
      tpu.wait_indirect_dma semaphore(%arg26 : memref<!tpu.dma_semaphore, #tpu.memory_space<semaphore_mem>>) src(%dma_wait3A_260 : memref<10000x64xf32, #tpu.memory_space<hbm>>) dst(%arg22 : memref<80x64xf32, #tpu.memory_space<vmem>>)
      %ne3A_261 = arith.constant 0 : i32
      %ne3A_262 = arith.cmpi ne, %scan3A_175, %ne3A_261 : i32
      %convert_element_type3A_263 = arith.extui %ne3A_262 : i1 to i32
      %cond3A_264 = arith.constant 0 : i32
      %cond3A_265 = arith.cmpi ne, %convert_element_type3A_263, %cond3A_264 : i32
      scf.if %cond3A_265 {
        %dma_wait3A_293 = arith.constant 0 : i32
        %dma_wait3A_294 = arith.constant 0 : i32
        %dma_wait3A_295 = tpu.memref_slice %arg14[%dma_wait3A_293, %dma_wait3A_294] : memref<125x80xi32, #tpu.memory_space<vmem>> -> memref<1x80xi32, #tpu.memory_space<vmem>>
        %dma_wait3A_296 = tpu.memref_squeeze %dma_wait3A_295 : memref<1x80xi32, #tpu.memory_space<vmem>> -> memref<80xi32, #tpu.memory_space<vmem>>
        %dma_wait3A_297 = arith.constant 0 : i32
        %dma_wait3A_298 = arith.constant 0 : i32
        %dma_wait3A_299 = tpu.memref_slice %arg12[%dma_wait3A_297, %dma_wait3A_298] : memref<10240x8xf32, #tpu.memory_space<vmem_shared>> -> memref<10240x8xf32, #tpu.memory_space<vmem_shared>>
        tpu.wait_indirect_dma semaphore(%arg28 : memref<!tpu.dma_semaphore, #tpu.memory_space<semaphore_mem>>) src(%arg23 : memref<80x8xf32, #tpu.memory_space<vmem>>) dst(%dma_wait3A_299 : memref<10240x8xf32, #tpu.memory_space<vmem_shared>>)
        %dma_wait3A_300 = arith.constant 0 : i32
        %dma_wait3A_301 = arith.constant 0 : i32
        %dma_wait3A_302 = tpu.memref_slice %arg14[%dma_wait3A_300, %dma_wait3A_301] : memref<125x80xi32, #tpu.memory_space<vmem>> -> memref<1x80xi32, #tpu.memory_space<vmem>>
        %dma_wait3A_303 = tpu.memref_squeeze %dma_wait3A_302 : memref<1x80xi32, #tpu.memory_space<vmem>> -> memref<80xi32, #tpu.memory_space<vmem>>
        %dma_wait3A_304 = arith.constant 0 : i32
        %dma_wait3A_305 = arith.constant 0 : i32
        %dma_wait3A_306 = tpu.memref_slice %arg11[%dma_wait3A_304, %dma_wait3A_305] : memref<10240x64xf32, #tpu.memory_space<vmem_shared>> -> memref<10240x64xf32, #tpu.memory_space<vmem_shared>>
        tpu.wait_indirect_dma semaphore(%arg28 : memref<!tpu.dma_semaphore, #tpu.memory_space<semaphore_mem>>) src(%arg24 : memref<80x64xf32, #tpu.memory_space<vmem>>) dst(%dma_wait3A_306 : memref<10240x64xf32, #tpu.memory_space<vmem_shared>>)
      } else {
      }
      %scan3A_266 = arith.constant 0 : i32
      %scan3A_267 = arith.constant 0 : i32
      %scan3A_268 = arith.constant 40 : i32
      %scan3A_269 = arith.addi %scan3A_267, %scan3A_268 : i32
      %scan3A_270 = arith.constant 2 : i32
      scf.for %scan3A_293 = %scan3A_267 to %scan3A_269 step %scan3A_270  : i32 {
        %mul3A_294 = arith.constant 2 : i32
        %mul3A_295 = arith.muli %mul3A_294, %scan3A_293 : i32
        %add3A_296 = vector.broadcast %mul3A_295 : i32 to vector<16xi32>
        %add3A_297 = arith.addi %add3A_296, %select_n3A : vector<16xi32>
        %gather3A = tpu.vector_load_idx %arg20[%add3A_297, %select_n3A_45] : memref<80x8xf32, #tpu.memory_space<vmem>>[vector<16xi32>, vector<16xi32>], vector<16xf32>,
        %gather3A_298 = tpu.vector_load_idx %arg21[%add3A_297, %select_n3A_45] : memref<80x8xf32, #tpu.memory_space<vmem>>[vector<16xi32>, vector<16xi32>], vector<16xf32>,
        %add3A_299 = arith.addf %gather3A, %gather3A_298 : vector<16xf32>
        %mul3A_300 = arith.constant 2.000000e-01 : f32
        %mul3A_301 = vector.broadcast %mul3A_300 : f32 to vector<16xf32>
        %mul3A_302 = arith.mulf %mul3A_301, %add3A_299 : vector<16xf32>
        %max3A = arith.maximumf %add3A_299, %mul3A_302 : vector<16xf32>
        %exp3A = math.exp %max3A : vector<16xf32>
        tpu.vector_store_idx %arg23[%add3A_297, %select_n3A_45], %exp3A : memref<80x8xf32, #tpu.memory_space<vmem>>[vector<16xi32>, vector<16xi32>], vector<16xf32>,
        %mul3A_303 = arith.constant 2 : i32
        %mul3A_304 = arith.muli %mul3A_303, %scan3A_293 : i32
        %add3A_305 = arith.constant 0 : i32
        %add3A_306 = arith.addi %mul3A_304, %add3A_305 : i32
        %get3A = arith.index_cast %add3A_306 : i32 to index
        %get3A_307 = arith.constant 0 : index
        %get3A_308 = tpu.vector_load %arg22[%get3A, %get3A_307] {strides = array<i32>} : memref<80x64xf32, #tpu.memory_space<vmem>>, vector<16xf32>,
        %add3A_309 = arith.constant 0 : i32
        %add3A_310 = vector.broadcast %add3A_309 : i32 to vector<16xi32>
        %add3A_311 = arith.addi %add3A_310, %select_n3A : vector<16xi32>
        %lt3A_312 = arith.constant 0 : i32
        %lt3A_313 = vector.broadcast %lt3A_312 : i32 to vector<16xi32>
        %lt3A_314 = arith.cmpi slt, %add3A_311, %lt3A_313 : vector<16xi32>
        %add3A_315 = arith.constant 16 : i32
        %add3A_316 = vector.broadcast %add3A_315 : i32 to vector<16xi32>
        %add3A_317 = arith.addi %add3A_311, %add3A_316 : vector<16xi32>
        %select_n3A_318 = arith.select %lt3A_314, %add3A_317, %add3A_311 : vector<16xi1>, vector<16xi32>
        %reshape3A = vector.shape_cast %select_n3A_318 : vector<16xi32> to vector<16x1xi32>
        %gather3A_319 = vector.shape_cast %reshape3A : vector<16x1xi32> to vector<16xi32>
        %gather3A_320 = tpu.dynamic_gather %exp3A[%gather3A_319] in [0] : vector<16xf32>, vector<16xi32> -> vector<16xf32>
        %mul3A_321 = arith.mulf %get3A_308, %gather3A_320 : vector<16xf32>
        %swap3A = arith.index_cast %add3A_306 : i32 to index
        %swap3A_322 = arith.constant 0 : index
        %swap3A_323 = tpu.vector_load %arg24[%swap3A, %swap3A_322] {strides = array<i32>} : memref<80x64xf32, #tpu.memory_space<vmem>>, vector<16xf32>,
        tpu.vector_store %arg24[%swap3A, %swap3A_322], %mul3A_321 {strides = array<i32>} : memref<80x64xf32, #tpu.memory_space<vmem>>, vector<16xf32>,
        %mul3A_324 = arith.constant 2 : i32
        %mul3A_325 = arith.muli %mul3A_324, %scan3A_293 : i32
        %add3A_326 = arith.constant 0 : i32
        %add3A_327 = arith.addi %mul3A_325, %add3A_326 : i32
        %get3A_328 = arith.index_cast %add3A_327 : i32 to index
        %get3A_329 = arith.constant 16 : index
        %get3A_330 = tpu.vector_load %arg22[%get3A_328, %get3A_329] {strides = array<i32>} : memref<80x64xf32, #tpu.memory_space<vmem>>, vector<16xf32>,
        %add3A_331 = arith.constant 2 : i32
        %add3A_332 = vector.broadcast %add3A_331 : i32 to vector<16xi32>
        %add3A_333 = arith.addi %add3A_332, %select_n3A : vector<16xi32>
        %lt3A_334 = arith.constant 0 : i32
        %lt3A_335 = vector.broadcast %lt3A_334 : i32 to vector<16xi32>
        %lt3A_336 = arith.cmpi slt, %add3A_333, %lt3A_335 : vector<16xi32>
        %add3A_337 = arith.constant 16 : i32
        %add3A_338 = vector.broadcast %add3A_337 : i32 to vector<16xi32>
        %add3A_339 = arith.addi %add3A_333, %add3A_338 : vector<16xi32>
        %select_n3A_340 = arith.select %lt3A_336, %add3A_339, %add3A_333 : vector<16xi1>, vector<16xi32>
        %reshape3A_341 = vector.shape_cast %select_n3A_340 : vector<16xi32> to vector<16x1xi32>
        %gather3A_342 = vector.shape_cast %reshape3A_341 : vector<16x1xi32> to vector<16xi32>
        %gather3A_343 = tpu.dynamic_gather %exp3A[%gather3A_342] in [0] : vector<16xf32>, vector<16xi32> -> vector<16xf32>
        %mul3A_344 = arith.mulf %get3A_330, %gather3A_343 : vector<16xf32>
        %swap3A_345 = arith.index_cast %add3A_327 : i32 to index
        %swap3A_346 = arith.constant 16 : index
        %swap3A_347 = tpu.vector_load %arg24[%swap3A_345, %swap3A_346] {strides = array<i32>} : memref<80x64xf32, #tpu.memory_space<vmem>>, vector<16xf32>,
        tpu.vector_store %arg24[%swap3A_345, %swap3A_346], %mul3A_344 {strides = array<i32>} : memref<80x64xf32, #tpu.memory_space<vmem>>, vector<16xf32>,
        %mul3A_348 = arith.constant 2 : i32
        %mul3A_349 = arith.muli %mul3A_348, %scan3A_293 : i32
        %add3A_350 = arith.constant 0 : i32
        %add3A_351 = arith.addi %mul3A_349, %add3A_350 : i32
        %get3A_352 = arith.index_cast %add3A_351 : i32 to index
        %get3A_353 = arith.constant 32 : index
        %get3A_354 = tpu.vector_load %arg22[%get3A_352, %get3A_353] {strides = array<i32>} : memref<80x64xf32, #tpu.memory_space<vmem>>, vector<16xf32>,
        %add3A_355 = arith.constant 4 : i32
        %add3A_356 = vector.broadcast %add3A_355 : i32 to vector<16xi32>
        %add3A_357 = arith.addi %add3A_356, %select_n3A : vector<16xi32>
        %lt3A_358 = arith.constant 0 : i32
        %lt3A_359 = vector.broadcast %lt3A_358 : i32 to vector<16xi32>
        %lt3A_360 = arith.cmpi slt, %add3A_357, %lt3A_359 : vector<16xi32>
        %add3A_361 = arith.constant 16 : i32
        %add3A_362 = vector.broadcast %add3A_361 : i32 to vector<16xi32>
        %add3A_363 = arith.addi %add3A_357, %add3A_362 : vector<16xi32>
        %select_n3A_364 = arith.select %lt3A_360, %add3A_363, %add3A_357 : vector<16xi1>, vector<16xi32>
        %reshape3A_365 = vector.shape_cast %select_n3A_364 : vector<16xi32> to vector<16x1xi32>
        %gather3A_366 = vector.shape_cast %reshape3A_365 : vector<16x1xi32> to vector<16xi32>
        %gather3A_367 = tpu.dynamic_gather %exp3A[%gather3A_366] in [0] : vector<16xf32>, vector<16xi32> -> vector<16xf32>
        %mul3A_368 = arith.mulf %get3A_354, %gather3A_367 : vector<16xf32>
        %swap3A_369 = arith.index_cast %add3A_351 : i32 to index
        %swap3A_370 = arith.constant 32 : index
        %swap3A_371 = tpu.vector_load %arg24[%swap3A_369, %swap3A_370] {strides = array<i32>} : memref<80x64xf32, #tpu.memory_space<vmem>>, vector<16xf32>,
        tpu.vector_store %arg24[%swap3A_369, %swap3A_370], %mul3A_368 {strides = array<i32>} : memref<80x64xf32, #tpu.memory_space<vmem>>, vector<16xf32>,
        %mul3A_372 = arith.constant 2 : i32
        %mul3A_373 = arith.muli %mul3A_372, %scan3A_293 : i32
        %add3A_374 = arith.constant 0 : i32
        %add3A_375 = arith.addi %mul3A_373, %add3A_374 : i32
        %get3A_376 = arith.index_cast %add3A_375 : i32 to index
        %get3A_377 = arith.constant 48 : index
        %get3A_378 = tpu.vector_load %arg22[%get3A_376, %get3A_377] {strides = array<i32>} : memref<80x64xf32, #tpu.memory_space<vmem>>, vector<16xf32>,
        %add3A_379 = arith.constant 6 : i32
        %add3A_380 = vector.broadcast %add3A_379 : i32 to vector<16xi32>
        %add3A_381 = arith.addi %add3A_380, %select_n3A : vector<16xi32>
        %lt3A_382 = arith.constant 0 : i32
        %lt3A_383 = vector.broadcast %lt3A_382 : i32 to vector<16xi32>
        %lt3A_384 = arith.cmpi slt, %add3A_381, %lt3A_383 : vector<16xi32>
        %add3A_385 = arith.constant 16 : i32
        %add3A_386 = vector.broadcast %add3A_385 : i32 to vector<16xi32>
        %add3A_387 = arith.addi %add3A_381, %add3A_386 : vector<16xi32>
        %select_n3A_388 = arith.select %lt3A_384, %add3A_387, %add3A_381 : vector<16xi1>, vector<16xi32>
        %reshape3A_389 = vector.shape_cast %select_n3A_388 : vector<16xi32> to vector<16x1xi32>
        %gather3A_390 = vector.shape_cast %reshape3A_389 : vector<16x1xi32> to vector<16xi32>
        %gather3A_391 = tpu.dynamic_gather %exp3A[%gather3A_390] in [0] : vector<16xf32>, vector<16xi32> -> vector<16xf32>
        %mul3A_392 = arith.mulf %get3A_378, %gather3A_391 : vector<16xf32>
        %swap3A_393 = arith.index_cast %add3A_375 : i32 to index
        %swap3A_394 = arith.constant 48 : index
        %swap3A_395 = tpu.vector_load %arg24[%swap3A_393, %swap3A_394] {strides = array<i32>} : memref<80x64xf32, #tpu.memory_space<vmem>>, vector<16xf32>,
        tpu.vector_store %arg24[%swap3A_393, %swap3A_394], %mul3A_392 {strides = array<i32>} : memref<80x64xf32, #tpu.memory_space<vmem>>, vector<16xf32>,
        %mul3A_396 = arith.constant 2 : i32
        %mul3A_397 = arith.muli %mul3A_396, %scan3A_293 : i32
        %add3A_398 = arith.constant 1 : i32
        %add3A_399 = arith.addi %mul3A_397, %add3A_398 : i32
        %get3A_400 = arith.index_cast %add3A_399 : i32 to index
        %get3A_401 = arith.constant 0 : index
        %get3A_402 = tpu.vector_load %arg22[%get3A_400, %get3A_401] {strides = array<i32>} : memref<80x64xf32, #tpu.memory_space<vmem>>, vector<16xf32>,
        %add3A_403 = arith.constant 8 : i32
        %add3A_404 = vector.broadcast %add3A_403 : i32 to vector<16xi32>
        %add3A_405 = arith.addi %add3A_404, %select_n3A : vector<16xi32>
        %lt3A_406 = arith.constant 0 : i32
        %lt3A_407 = vector.broadcast %lt3A_406 : i32 to vector<16xi32>
        %lt3A_408 = arith.cmpi slt, %add3A_405, %lt3A_407 : vector<16xi32>
        %add3A_409 = arith.constant 16 : i32
        %add3A_410 = vector.broadcast %add3A_409 : i32 to vector<16xi32>
        %add3A_411 = arith.addi %add3A_405, %add3A_410 : vector<16xi32>
        %select_n3A_412 = arith.select %lt3A_408, %add3A_411, %add3A_405 : vector<16xi1>, vector<16xi32>
        %reshape3A_413 = vector.shape_cast %select_n3A_412 : vector<16xi32> to vector<16x1xi32>
        %gather3A_414 = vector.shape_cast %reshape3A_413 : vector<16x1xi32> to vector<16xi32>
        %gather3A_415 = tpu.dynamic_gather %exp3A[%gather3A_414] in [0] : vector<16xf32>, vector<16xi32> -> vector<16xf32>
        %mul3A_416 = arith.mulf %get3A_402, %gather3A_415 : vector<16xf32>
        %swap3A_417 = arith.index_cast %add3A_399 : i32 to index
        %swap3A_418 = arith.constant 0 : index
        %swap3A_419 = tpu.vector_load %arg24[%swap3A_417, %swap3A_418] {strides = array<i32>} : memref<80x64xf32, #tpu.memory_space<vmem>>, vector<16xf32>,
        tpu.vector_store %arg24[%swap3A_417, %swap3A_418], %mul3A_416 {strides = array<i32>} : memref<80x64xf32, #tpu.memory_space<vmem>>, vector<16xf32>,
        %mul3A_420 = arith.constant 2 : i32
        %mul3A_421 = arith.muli %mul3A_420, %scan3A_293 : i32
        %add3A_422 = arith.constant 1 : i32
        %add3A_423 = arith.addi %mul3A_421, %add3A_422 : i32
        %get3A_424 = arith.index_cast %add3A_423 : i32 to index
        %get3A_425 = arith.constant 16 : index
        %get3A_426 = tpu.vector_load %arg22[%get3A_424, %get3A_425] {strides = array<i32>} : memref<80x64xf32, #tpu.memory_space<vmem>>, vector<16xf32>,
        %add3A_427 = arith.constant 10 : i32
        %add3A_428 = vector.broadcast %add3A_427 : i32 to vector<16xi32>
        %add3A_429 = arith.addi %add3A_428, %select_n3A : vector<16xi32>
        %lt3A_430 = arith.constant 0 : i32
        %lt3A_431 = vector.broadcast %lt3A_430 : i32 to vector<16xi32>
        %lt3A_432 = arith.cmpi slt, %add3A_429, %lt3A_431 : vector<16xi32>
        %add3A_433 = arith.constant 16 : i32
        %add3A_434 = vector.broadcast %add3A_433 : i32 to vector<16xi32>
        %add3A_435 = arith.addi %add3A_429, %add3A_434 : vector<16xi32>
        %select_n3A_436 = arith.select %lt3A_432, %add3A_435, %add3A_429 : vector<16xi1>, vector<16xi32>
        %reshape3A_437 = vector.shape_cast %select_n3A_436 : vector<16xi32> to vector<16x1xi32>
        %gather3A_438 = vector.shape_cast %reshape3A_437 : vector<16x1xi32> to vector<16xi32>
        %gather3A_439 = tpu.dynamic_gather %exp3A[%gather3A_438] in [0] : vector<16xf32>, vector<16xi32> -> vector<16xf32>
        %mul3A_440 = arith.mulf %get3A_426, %gather3A_439 : vector<16xf32>
        %swap3A_441 = arith.index_cast %add3A_423 : i32 to index
        %swap3A_442 = arith.constant 16 : index
        %swap3A_443 = tpu.vector_load %arg24[%swap3A_441, %swap3A_442] {strides = array<i32>} : memref<80x64xf32, #tpu.memory_space<vmem>>, vector<16xf32>,
        tpu.vector_store %arg24[%swap3A_441, %swap3A_442], %mul3A_440 {strides = array<i32>} : memref<80x64xf32, #tpu.memory_space<vmem>>, vector<16xf32>,
        %mul3A_444 = arith.constant 2 : i32
        %mul3A_445 = arith.muli %mul3A_444, %scan3A_293 : i32
        %add3A_446 = arith.constant 1 : i32
        %add3A_447 = arith.addi %mul3A_445, %add3A_446 : i32
        %get3A_448 = arith.index_cast %add3A_447 : i32 to index
        %get3A_449 = arith.constant 32 : index
        %get3A_450 = tpu.vector_load %arg22[%get3A_448, %get3A_449] {strides = array<i32>} : memref<80x64xf32, #tpu.memory_space<vmem>>, vector<16xf32>,
        %add3A_451 = arith.constant 12 : i32
        %add3A_452 = vector.broadcast %add3A_451 : i32 to vector<16xi32>
        %add3A_453 = arith.addi %add3A_452, %select_n3A : vector<16xi32>
        %lt3A_454 = arith.constant 0 : i32
        %lt3A_455 = vector.broadcast %lt3A_454 : i32 to vector<16xi32>
        %lt3A_456 = arith.cmpi slt, %add3A_453, %lt3A_455 : vector<16xi32>
        %add3A_457 = arith.constant 16 : i32
        %add3A_458 = vector.broadcast %add3A_457 : i32 to vector<16xi32>
        %add3A_459 = arith.addi %add3A_453, %add3A_458 : vector<16xi32>
        %select_n3A_460 = arith.select %lt3A_456, %add3A_459, %add3A_453 : vector<16xi1>, vector<16xi32>
        %reshape3A_461 = vector.shape_cast %select_n3A_460 : vector<16xi32> to vector<16x1xi32>
        %gather3A_462 = vector.shape_cast %reshape3A_461 : vector<16x1xi32> to vector<16xi32>
        %gather3A_463 = tpu.dynamic_gather %exp3A[%gather3A_462] in [0] : vector<16xf32>, vector<16xi32> -> vector<16xf32>
        %mul3A_464 = arith.mulf %get3A_450, %gather3A_463 : vector<16xf32>
        %swap3A_465 = arith.index_cast %add3A_447 : i32 to index
        %swap3A_466 = arith.constant 32 : index
        %swap3A_467 = tpu.vector_load %arg24[%swap3A_465, %swap3A_466] {strides = array<i32>} : memref<80x64xf32, #tpu.memory_space<vmem>>, vector<16xf32>,
        tpu.vector_store %arg24[%swap3A_465, %swap3A_466], %mul3A_464 {strides = array<i32>} : memref<80x64xf32, #tpu.memory_space<vmem>>, vector<16xf32>,
        %mul3A_468 = arith.constant 2 : i32
        %mul3A_469 = arith.muli %mul3A_468, %scan3A_293 : i32
        %add3A_470 = arith.constant 1 : i32
        %add3A_471 = arith.addi %mul3A_469, %add3A_470 : i32
        %get3A_472 = arith.index_cast %add3A_471 : i32 to index
        %get3A_473 = arith.constant 48 : index
        %get3A_474 = tpu.vector_load %arg22[%get3A_472, %get3A_473] {strides = array<i32>} : memref<80x64xf32, #tpu.memory_space<vmem>>, vector<16xf32>,
        %add3A_475 = arith.constant 14 : i32
        %add3A_476 = vector.broadcast %add3A_475 : i32 to vector<16xi32>
        %add3A_477 = arith.addi %add3A_476, %select_n3A : vector<16xi32>
        %lt3A_478 = arith.constant 0 : i32
        %lt3A_479 = vector.broadcast %lt3A_478 : i32 to vector<16xi32>
        %lt3A_480 = arith.cmpi slt, %add3A_477, %lt3A_479 : vector<16xi32>
        %add3A_481 = arith.constant 16 : i32
        %add3A_482 = vector.broadcast %add3A_481 : i32 to vector<16xi32>
        %add3A_483 = arith.addi %add3A_477, %add3A_482 : vector<16xi32>
        %select_n3A_484 = arith.select %lt3A_480, %add3A_483, %add3A_477 : vector<16xi1>, vector<16xi32>
        %reshape3A_485 = vector.shape_cast %select_n3A_484 : vector<16xi32> to vector<16x1xi32>
        %gather3A_486 = vector.shape_cast %reshape3A_485 : vector<16x1xi32> to vector<16xi32>
        %gather3A_487 = tpu.dynamic_gather %exp3A[%gather3A_486] in [0] : vector<16xf32>, vector<16xi32> -> vector<16xf32>
        %mul3A_488 = arith.mulf %get3A_474, %gather3A_487 : vector<16xf32>
        %swap3A_489 = arith.index_cast %add3A_471 : i32 to index
        %swap3A_490 = arith.constant 48 : index
        %swap3A_491 = tpu.vector_load %arg24[%swap3A_489, %swap3A_490] {strides = array<i32>} : memref<80x64xf32, #tpu.memory_space<vmem>>, vector<16xf32>,
        tpu.vector_store %arg24[%swap3A_489, %swap3A_490], %mul3A_488 {strides = array<i32>} : memref<80x64xf32, #tpu.memory_space<vmem>>, vector<16xf32>,
        %scan3A_492 = arith.constant 1 : i32
        %scan3A_493 = arith.addi %scan3A_293, %scan3A_492 : i32
        %mul3A_494 = arith.constant 2 : i32
        %mul3A_495 = arith.muli %mul3A_494, %scan3A_493 : i32
        %add3A_496 = vector.broadcast %mul3A_495 : i32 to vector<16xi32>
        %add3A_497 = arith.addi %add3A_496, %select_n3A : vector<16xi32>
        %gather3A_498 = tpu.vector_load_idx %arg20[%add3A_497, %select_n3A_45] : memref<80x8xf32, #tpu.memory_space<vmem>>[vector<16xi32>, vector<16xi32>], vector<16xf32>,
        %gather3A_499 = tpu.vector_load_idx %arg21[%add3A_497, %select_n3A_45] : memref<80x8xf32, #tpu.memory_space<vmem>>[vector<16xi32>, vector<16xi32>], vector<16xf32>,
        %add3A_500 = arith.addf %gather3A_498, %gather3A_499 : vector<16xf32>
        %mul3A_501 = arith.constant 2.000000e-01 : f32
        %mul3A_502 = vector.broadcast %mul3A_501 : f32 to vector<16xf32>
        %mul3A_503 = arith.mulf %mul3A_502, %add3A_500 : vector<16xf32>
        %max3A_504 = arith.maximumf %add3A_500, %mul3A_503 : vector<16xf32>
        %exp3A_505 = math.exp %max3A_504 : vector<16xf32>
        tpu.vector_store_idx %arg23[%add3A_497, %select_n3A_45], %exp3A_505 : memref<80x8xf32, #tpu.memory_space<vmem>>[vector<16xi32>, vector<16xi32>], vector<16xf32>,
        %mul3A_506 = arith.constant 2 : i32
        %mul3A_507 = arith.muli %mul3A_506, %scan3A_493 : i32
        %add3A_508 = arith.constant 0 : i32
        %add3A_509 = arith.addi %mul3A_507, %add3A_508 : i32
        %get3A_510 = arith.index_cast %add3A_509 : i32 to index
        %get3A_511 = arith.constant 0 : index
        %get3A_512 = tpu.vector_load %arg22[%get3A_510, %get3A_511] {strides = array<i32>} : memref<80x64xf32, #tpu.memory_space<vmem>>, vector<16xf32>,
        %add3A_513 = arith.constant 0 : i32
        %add3A_514 = vector.broadcast %add3A_513 : i32 to vector<16xi32>
        %add3A_515 = arith.addi %add3A_514, %select_n3A : vector<16xi32>
        %lt3A_516 = arith.constant 0 : i32
        %lt3A_517 = vector.broadcast %lt3A_516 : i32 to vector<16xi32>
        %lt3A_518 = arith.cmpi slt, %add3A_515, %lt3A_517 : vector<16xi32>
        %add3A_519 = arith.constant 16 : i32
        %add3A_520 = vector.broadcast %add3A_519 : i32 to vector<16xi32>
        %add3A_521 = arith.addi %add3A_515, %add3A_520 : vector<16xi32>
        %select_n3A_522 = arith.select %lt3A_518, %add3A_521, %add3A_515 : vector<16xi1>, vector<16xi32>
        %reshape3A_523 = vector.shape_cast %select_n3A_522 : vector<16xi32> to vector<16x1xi32>
        %gather3A_524 = vector.shape_cast %reshape3A_523 : vector<16x1xi32> to vector<16xi32>
        %gather3A_525 = tpu.dynamic_gather %exp3A_505[%gather3A_524] in [0] : vector<16xf32>, vector<16xi32> -> vector<16xf32>
        %mul3A_526 = arith.mulf %get3A_512, %gather3A_525 : vector<16xf32>
        %swap3A_527 = arith.index_cast %add3A_509 : i32 to index
        %swap3A_528 = arith.constant 0 : index
        %swap3A_529 = tpu.vector_load %arg24[%swap3A_527, %swap3A_528] {strides = array<i32>} : memref<80x64xf32, #tpu.memory_space<vmem>>, vector<16xf32>,
        tpu.vector_store %arg24[%swap3A_527, %swap3A_528], %mul3A_526 {strides = array<i32>} : memref<80x64xf32, #tpu.memory_space<vmem>>, vector<16xf32>,
        %mul3A_530 = arith.constant 2 : i32
        %mul3A_531 = arith.muli %mul3A_530, %scan3A_493 : i32
        %add3A_532 = arith.constant 0 : i32
        %add3A_533 = arith.addi %mul3A_531, %add3A_532 : i32
        %get3A_534 = arith.index_cast %add3A_533 : i32 to index
        %get3A_535 = arith.constant 16 : index
        %get3A_536 = tpu.vector_load %arg22[%get3A_534, %get3A_535] {strides = array<i32>} : memref<80x64xf32, #tpu.memory_space<vmem>>, vector<16xf32>,
        %add3A_537 = arith.constant 2 : i32
        %add3A_538 = vector.broadcast %add3A_537 : i32 to vector<16xi32>
        %add3A_539 = arith.addi %add3A_538, %select_n3A : vector<16xi32>
        %lt3A_540 = arith.constant 0 : i32
        %lt3A_541 = vector.broadcast %lt3A_540 : i32 to vector<16xi32>
        %lt3A_542 = arith.cmpi slt, %add3A_539, %lt3A_541 : vector<16xi32>
        %add3A_543 = arith.constant 16 : i32
        %add3A_544 = vector.broadcast %add3A_543 : i32 to vector<16xi32>
        %add3A_545 = arith.addi %add3A_539, %add3A_544 : vector<16xi32>
        %select_n3A_546 = arith.select %lt3A_542, %add3A_545, %add3A_539 : vector<16xi1>, vector<16xi32>
        %reshape3A_547 = vector.shape_cast %select_n3A_546 : vector<16xi32> to vector<16x1xi32>
        %gather3A_548 = vector.shape_cast %reshape3A_547 : vector<16x1xi32> to vector<16xi32>
        %gather3A_549 = tpu.dynamic_gather %exp3A_505[%gather3A_548] in [0] : vector<16xf32>, vector<16xi32> -> vector<16xf32>
        %mul3A_550 = arith.mulf %get3A_536, %gather3A_549 : vector<16xf32>
        %swap3A_551 = arith.index_cast %add3A_533 : i32 to index
        %swap3A_552 = arith.constant 16 : index
        %swap3A_553 = tpu.vector_load %arg24[%swap3A_551, %swap3A_552] {strides = array<i32>} : memref<80x64xf32, #tpu.memory_space<vmem>>, vector<16xf32>,
        tpu.vector_store %arg24[%swap3A_551, %swap3A_552], %mul3A_550 {strides = array<i32>} : memref<80x64xf32, #tpu.memory_space<vmem>>, vector<16xf32>,
        %mul3A_554 = arith.constant 2 : i32
        %mul3A_555 = arith.muli %mul3A_554, %scan3A_493 : i32
        %add3A_556 = arith.constant 0 : i32
        %add3A_557 = arith.addi %mul3A_555, %add3A_556 : i32
        %get3A_558 = arith.index_cast %add3A_557 : i32 to index
        %get3A_559 = arith.constant 32 : index
        %get3A_560 = tpu.vector_load %arg22[%get3A_558, %get3A_559] {strides = array<i32>} : memref<80x64xf32, #tpu.memory_space<vmem>>, vector<16xf32>,
        %add3A_561 = arith.constant 4 : i32
        %add3A_562 = vector.broadcast %add3A_561 : i32 to vector<16xi32>
        %add3A_563 = arith.addi %add3A_562, %select_n3A : vector<16xi32>
        %lt3A_564 = arith.constant 0 : i32
        %lt3A_565 = vector.broadcast %lt3A_564 : i32 to vector<16xi32>
        %lt3A_566 = arith.cmpi slt, %add3A_563, %lt3A_565 : vector<16xi32>
        %add3A_567 = arith.constant 16 : i32
        %add3A_568 = vector.broadcast %add3A_567 : i32 to vector<16xi32>
        %add3A_569 = arith.addi %add3A_563, %add3A_568 : vector<16xi32>
        %select_n3A_570 = arith.select %lt3A_566, %add3A_569, %add3A_563 : vector<16xi1>, vector<16xi32>
        %reshape3A_571 = vector.shape_cast %select_n3A_570 : vector<16xi32> to vector<16x1xi32>
        %gather3A_572 = vector.shape_cast %reshape3A_571 : vector<16x1xi32> to vector<16xi32>
        %gather3A_573 = tpu.dynamic_gather %exp3A_505[%gather3A_572] in [0] : vector<16xf32>, vector<16xi32> -> vector<16xf32>
        %mul3A_574 = arith.mulf %get3A_560, %gather3A_573 : vector<16xf32>
        %swap3A_575 = arith.index_cast %add3A_557 : i32 to index
        %swap3A_576 = arith.constant 32 : index
        %swap3A_577 = tpu.vector_load %arg24[%swap3A_575, %swap3A_576] {strides = array<i32>} : memref<80x64xf32, #tpu.memory_space<vmem>>, vector<16xf32>,
        tpu.vector_store %arg24[%swap3A_575, %swap3A_576], %mul3A_574 {strides = array<i32>} : memref<80x64xf32, #tpu.memory_space<vmem>>, vector<16xf32>,
        %mul3A_578 = arith.constant 2 : i32
        %mul3A_579 = arith.muli %mul3A_578, %scan3A_493 : i32
        %add3A_580 = arith.constant 0 : i32
        %add3A_581 = arith.addi %mul3A_579, %add3A_580 : i32
        %get3A_582 = arith.index_cast %add3A_581 : i32 to index
        %get3A_583 = arith.constant 48 : index
        %get3A_584 = tpu.vector_load %arg22[%get3A_582, %get3A_583] {strides = array<i32>} : memref<80x64xf32, #tpu.memory_space<vmem>>, vector<16xf32>,
        %add3A_585 = arith.constant 6 : i32
        %add3A_586 = vector.broadcast %add3A_585 : i32 to vector<16xi32>
        %add3A_587 = arith.addi %add3A_586, %select_n3A : vector<16xi32>
        %lt3A_588 = arith.constant 0 : i32
        %lt3A_589 = vector.broadcast %lt3A_588 : i32 to vector<16xi32>
        %lt3A_590 = arith.cmpi slt, %add3A_587, %lt3A_589 : vector<16xi32>
        %add3A_591 = arith.constant 16 : i32
        %add3A_592 = vector.broadcast %add3A_591 : i32 to vector<16xi32>
        %add3A_593 = arith.addi %add3A_587, %add3A_592 : vector<16xi32>
        %select_n3A_594 = arith.select %lt3A_590, %add3A_593, %add3A_587 : vector<16xi1>, vector<16xi32>
        %reshape3A_595 = vector.shape_cast %select_n3A_594 : vector<16xi32> to vector<16x1xi32>
        %gather3A_596 = vector.shape_cast %reshape3A_595 : vector<16x1xi32> to vector<16xi32>
        %gather3A_597 = tpu.dynamic_gather %exp3A_505[%gather3A_596] in [0] : vector<16xf32>, vector<16xi32> -> vector<16xf32>
        %mul3A_598 = arith.mulf %get3A_584, %gather3A_597 : vector<16xf32>
        %swap3A_599 = arith.index_cast %add3A_581 : i32 to index
        %swap3A_600 = arith.constant 48 : index
        %swap3A_601 = tpu.vector_load %arg24[%swap3A_599, %swap3A_600] {strides = array<i32>} : memref<80x64xf32, #tpu.memory_space<vmem>>, vector<16xf32>,
        tpu.vector_store %arg24[%swap3A_599, %swap3A_600], %mul3A_598 {strides = array<i32>} : memref<80x64xf32, #tpu.memory_space<vmem>>, vector<16xf32>,
        %mul3A_602 = arith.constant 2 : i32
        %mul3A_603 = arith.muli %mul3A_602, %scan3A_493 : i32
        %add3A_604 = arith.constant 1 : i32
        %add3A_605 = arith.addi %mul3A_603, %add3A_604 : i32
        %get3A_606 = arith.index_cast %add3A_605 : i32 to index
        %get3A_607 = arith.constant 0 : index
        %get3A_608 = tpu.vector_load %arg22[%get3A_606, %get3A_607] {strides = array<i32>} : memref<80x64xf32, #tpu.memory_space<vmem>>, vector<16xf32>,
        %add3A_609 = arith.constant 8 : i32
        %add3A_610 = vector.broadcast %add3A_609 : i32 to vector<16xi32>
        %add3A_611 = arith.addi %add3A_610, %select_n3A : vector<16xi32>
        %lt3A_612 = arith.constant 0 : i32
        %lt3A_613 = vector.broadcast %lt3A_612 : i32 to vector<16xi32>
        %lt3A_614 = arith.cmpi slt, %add3A_611, %lt3A_613 : vector<16xi32>
        %add3A_615 = arith.constant 16 : i32
        %add3A_616 = vector.broadcast %add3A_615 : i32 to vector<16xi32>
        %add3A_617 = arith.addi %add3A_611, %add3A_616 : vector<16xi32>
        %select_n3A_618 = arith.select %lt3A_614, %add3A_617, %add3A_611 : vector<16xi1>, vector<16xi32>
        %reshape3A_619 = vector.shape_cast %select_n3A_618 : vector<16xi32> to vector<16x1xi32>
        %gather3A_620 = vector.shape_cast %reshape3A_619 : vector<16x1xi32> to vector<16xi32>
        %gather3A_621 = tpu.dynamic_gather %exp3A_505[%gather3A_620] in [0] : vector<16xf32>, vector<16xi32> -> vector<16xf32>
        %mul3A_622 = arith.mulf %get3A_608, %gather3A_621 : vector<16xf32>
        %swap3A_623 = arith.index_cast %add3A_605 : i32 to index
        %swap3A_624 = arith.constant 0 : index
        %swap3A_625 = tpu.vector_load %arg24[%swap3A_623, %swap3A_624] {strides = array<i32>} : memref<80x64xf32, #tpu.memory_space<vmem>>, vector<16xf32>,
        tpu.vector_store %arg24[%swap3A_623, %swap3A_624], %mul3A_622 {strides = array<i32>} : memref<80x64xf32, #tpu.memory_space<vmem>>, vector<16xf32>,
        %mul3A_626 = arith.constant 2 : i32
        %mul3A_627 = arith.muli %mul3A_626, %scan3A_493 : i32
        %add3A_628 = arith.constant 1 : i32
        %add3A_629 = arith.addi %mul3A_627, %add3A_628 : i32
        %get3A_630 = arith.index_cast %add3A_629 : i32 to index
        %get3A_631 = arith.constant 16 : index
        %get3A_632 = tpu.vector_load %arg22[%get3A_630, %get3A_631] {strides = array<i32>} : memref<80x64xf32, #tpu.memory_space<vmem>>, vector<16xf32>,
        %add3A_633 = arith.constant 10 : i32
        %add3A_634 = vector.broadcast %add3A_633 : i32 to vector<16xi32>
        %add3A_635 = arith.addi %add3A_634, %select_n3A : vector<16xi32>
        %lt3A_636 = arith.constant 0 : i32
        %lt3A_637 = vector.broadcast %lt3A_636 : i32 to vector<16xi32>
        %lt3A_638 = arith.cmpi slt, %add3A_635, %lt3A_637 : vector<16xi32>
        %add3A_639 = arith.constant 16 : i32
        %add3A_640 = vector.broadcast %add3A_639 : i32 to vector<16xi32>
        %add3A_641 = arith.addi %add3A_635, %add3A_640 : vector<16xi32>
        %select_n3A_642 = arith.select %lt3A_638, %add3A_641, %add3A_635 : vector<16xi1>, vector<16xi32>
        %reshape3A_643 = vector.shape_cast %select_n3A_642 : vector<16xi32> to vector<16x1xi32>
        %gather3A_644 = vector.shape_cast %reshape3A_643 : vector<16x1xi32> to vector<16xi32>
        %gather3A_645 = tpu.dynamic_gather %exp3A_505[%gather3A_644] in [0] : vector<16xf32>, vector<16xi32> -> vector<16xf32>
        %mul3A_646 = arith.mulf %get3A_632, %gather3A_645 : vector<16xf32>
        %swap3A_647 = arith.index_cast %add3A_629 : i32 to index
        %swap3A_648 = arith.constant 16 : index
        %swap3A_649 = tpu.vector_load %arg24[%swap3A_647, %swap3A_648] {strides = array<i32>} : memref<80x64xf32, #tpu.memory_space<vmem>>, vector<16xf32>,
        tpu.vector_store %arg24[%swap3A_647, %swap3A_648], %mul3A_646 {strides = array<i32>} : memref<80x64xf32, #tpu.memory_space<vmem>>, vector<16xf32>,
        %mul3A_650 = arith.constant 2 : i32
        %mul3A_651 = arith.muli %mul3A_650, %scan3A_493 : i32
        %add3A_652 = arith.constant 1 : i32
        %add3A_653 = arith.addi %mul3A_651, %add3A_652 : i32
        %get3A_654 = arith.index_cast %add3A_653 : i32 to index
        %get3A_655 = arith.constant 32 : index
        %get3A_656 = tpu.vector_load %arg22[%get3A_654, %get3A_655] {strides = array<i32>} : memref<80x64xf32, #tpu.memory_space<vmem>>, vector<16xf32>,
        %add3A_657 = arith.constant 12 : i32
        %add3A_658 = vector.broadcast %add3A_657 : i32 to vector<16xi32>
        %add3A_659 = arith.addi %add3A_658, %select_n3A : vector<16xi32>
        %lt3A_660 = arith.constant 0 : i32
        %lt3A_661 = vector.broadcast %lt3A_660 : i32 to vector<16xi32>
        %lt3A_662 = arith.cmpi slt, %add3A_659, %lt3A_661 : vector<16xi32>
        %add3A_663 = arith.constant 16 : i32
        %add3A_664 = vector.broadcast %add3A_663 : i32 to vector<16xi32>
        %add3A_665 = arith.addi %add3A_659, %add3A_664 : vector<16xi32>
        %select_n3A_666 = arith.select %lt3A_662, %add3A_665, %add3A_659 : vector<16xi1>, vector<16xi32>
        %reshape3A_667 = vector.shape_cast %select_n3A_666 : vector<16xi32> to vector<16x1xi32>
        %gather3A_668 = vector.shape_cast %reshape3A_667 : vector<16x1xi32> to vector<16xi32>
        %gather3A_669 = tpu.dynamic_gather %exp3A_505[%gather3A_668] in [0] : vector<16xf32>, vector<16xi32> -> vector<16xf32>
        %mul3A_670 = arith.mulf %get3A_656, %gather3A_669 : vector<16xf32>
        %swap3A_671 = arith.index_cast %add3A_653 : i32 to index
        %swap3A_672 = arith.constant 32 : index
        %swap3A_673 = tpu.vector_load %arg24[%swap3A_671, %swap3A_672] {strides = array<i32>} : memref<80x64xf32, #tpu.memory_space<vmem>>, vector<16xf32>,
        tpu.vector_store %arg24[%swap3A_671, %swap3A_672], %mul3A_670 {strides = array<i32>} : memref<80x64xf32, #tpu.memory_space<vmem>>, vector<16xf32>,
        %mul3A_674 = arith.constant 2 : i32
        %mul3A_675 = arith.muli %mul3A_674, %scan3A_493 : i32
        %add3A_676 = arith.constant 1 : i32
        %add3A_677 = arith.addi %mul3A_675, %add3A_676 : i32
        %get3A_678 = arith.index_cast %add3A_677 : i32 to index
        %get3A_679 = arith.constant 48 : index
        %get3A_680 = tpu.vector_load %arg22[%get3A_678, %get3A_679] {strides = array<i32>} : memref<80x64xf32, #tpu.memory_space<vmem>>, vector<16xf32>,
        %add3A_681 = arith.constant 14 : i32
        %add3A_682 = vector.broadcast %add3A_681 : i32 to vector<16xi32>
        %add3A_683 = arith.addi %add3A_682, %select_n3A : vector<16xi32>
        %lt3A_684 = arith.constant 0 : i32
        %lt3A_685 = vector.broadcast %lt3A_684 : i32 to vector<16xi32>
        %lt3A_686 = arith.cmpi slt, %add3A_683, %lt3A_685 : vector<16xi32>
        %add3A_687 = arith.constant 16 : i32
        %add3A_688 = vector.broadcast %add3A_687 : i32 to vector<16xi32>
        %add3A_689 = arith.addi %add3A_683, %add3A_688 : vector<16xi32>
        %select_n3A_690 = arith.select %lt3A_686, %add3A_689, %add3A_683 : vector<16xi1>, vector<16xi32>
        %reshape3A_691 = vector.shape_cast %select_n3A_690 : vector<16xi32> to vector<16x1xi32>
        %gather3A_692 = vector.shape_cast %reshape3A_691 : vector<16x1xi32> to vector<16xi32>
        %gather3A_693 = tpu.dynamic_gather %exp3A_505[%gather3A_692] in [0] : vector<16xf32>, vector<16xi32> -> vector<16xf32>
        %mul3A_694 = arith.mulf %get3A_680, %gather3A_693 : vector<16xf32>
        %swap3A_695 = arith.index_cast %add3A_677 : i32 to index
        %swap3A_696 = arith.constant 48 : index
        %swap3A_697 = tpu.vector_load %arg24[%swap3A_695, %swap3A_696] {strides = array<i32>} : memref<80x64xf32, #tpu.memory_space<vmem>>, vector<16xf32>,
        tpu.vector_store %arg24[%swap3A_695, %swap3A_696], %mul3A_694 {strides = array<i32>} : memref<80x64xf32, #tpu.memory_space<vmem>>, vector<16xf32>,
      }
      %scan3A_271 = arith.constant 40 : i32
      %add3A_272 = arith.constant 1 : i32
      %add3A_273 = arith.addi %mul3A_177, %add3A_272 : i32
      %dma_start3A_274 = arith.constant 0 : i32
      %dma_start3A_275 = tpu.memref_slice %arg14[%add3A_273, %dma_start3A_274] : memref<125x80xi32, #tpu.memory_space<vmem>> -> memref<1x80xi32, #tpu.memory_space<vmem>>
      %dma_start3A_276 = tpu.memref_squeeze %dma_start3A_275 : memref<1x80xi32, #tpu.memory_space<vmem>> -> memref<80xi32, #tpu.memory_space<vmem>>
      %dma_start3A_277 = arith.constant 0 : i32
      %dma_start3A_278 = arith.constant 0 : i32
      %dma_start3A_279 = tpu.memref_slice %arg12[%dma_start3A_277, %dma_start3A_278] : memref<10240x8xf32, #tpu.memory_space<vmem_shared>> -> memref<10240x8xf32, #tpu.memory_space<vmem_shared>>
      tpu.enqueue_indirect_dma source(%arg23 : memref<80x8xf32, #tpu.memory_space<vmem>>) target(%dma_start3A_279 : memref<10240x8xf32, #tpu.memory_space<vmem_shared>>) offsets(%dma_start3A_276 : memref<80xi32, #tpu.memory_space<vmem>>) semaphore(%arg28 : memref<!tpu.dma_semaphore, #tpu.memory_space<semaphore_mem>>) {add = true}
      %dma_start3A_280 = arith.constant 0 : i32
      %dma_start3A_281 = tpu.memref_slice %arg14[%add3A_273, %dma_start3A_280] : memref<125x80xi32, #tpu.memory_space<vmem>> -> memref<1x80xi32, #tpu.memory_space<vmem>>
      %dma_start3A_282 = tpu.memref_squeeze %dma_start3A_281 : memref<1x80xi32, #tpu.memory_space<vmem>> -> memref<80xi32, #tpu.memory_space<vmem>>
      %dma_start3A_283 = arith.constant 0 : i32
      %dma_start3A_284 = arith.constant 0 : i32
      %dma_start3A_285 = tpu.memref_slice %arg11[%dma_start3A_283, %dma_start3A_284] : memref<10240x64xf32, #tpu.memory_space<vmem_shared>> -> memref<10240x64xf32, #tpu.memory_space<vmem_shared>>
      tpu.enqueue_indirect_dma source(%arg24 : memref<80x64xf32, #tpu.memory_space<vmem>>) target(%dma_start3A_285 : memref<10240x64xf32, #tpu.memory_space<vmem_shared>>) offsets(%dma_start3A_282 : memref<80xi32, #tpu.memory_space<vmem>>) semaphore(%arg28 : memref<!tpu.dma_semaphore, #tpu.memory_space<semaphore_mem>>) {add = true}
      %add3A_286 = arith.constant 3 : i32
      %add3A_287 = arith.addi %mul3A_177, %add3A_286 : i32
      %lt3A_288 = arith.constant 125 : i32
      %lt3A_289 = arith.cmpi slt, %add3A_287, %lt3A_288 : i32
      %convert_element_type3A_290 = arith.extui %lt3A_289 : i1 to i32
      %cond3A_291 = arith.constant 0 : i32
      %cond3A_292 = arith.cmpi ne, %convert_element_type3A_290, %cond3A_291 : i32
      scf.if %cond3A_292 {
        %add3A_293 = arith.constant 3 : i32
        %add3A_294 = arith.addi %mul3A_177, %add3A_293 : i32
        %dma_start3A_295 = arith.constant 0 : i32
        %dma_start3A_296 = tpu.memref_slice %arg13[%add3A_294, %dma_start3A_295] : memref<125x80xi32, #tpu.memory_space<vmem>> -> memref<1x80xi32, #tpu.memory_space<vmem>>
        %dma_start3A_297 = tpu.memref_squeeze %dma_start3A_296 : memref<1x80xi32, #tpu.memory_space<vmem>> -> memref<80xi32, #tpu.memory_space<vmem>>
        %dma_start3A_298 = arith.constant 0 : i32
        %dma_start3A_299 = arith.constant 0 : i32
        %dma_start3A_300 = tpu.memref_slice %arg2[%dma_start3A_298, %dma_start3A_299] : memref<10000x8xf32, #tpu.memory_space<hbm>> -> memref<10000x8xf32, #tpu.memory_space<hbm>>
        tpu.enqueue_indirect_dma source(%dma_start3A_300 : memref<10000x8xf32, #tpu.memory_space<hbm>>) target(%arg20 : memref<80x8xf32, #tpu.memory_space<vmem>>) offsets(%dma_start3A_297 : memref<80xi32, #tpu.memory_space<vmem>>) semaphore(%arg26 : memref<!tpu.dma_semaphore, #tpu.memory_space<semaphore_mem>>)
        %dma_start3A_301 = arith.constant 0 : i32
        %dma_start3A_302 = tpu.memref_slice %arg14[%add3A_294, %dma_start3A_301] : memref<125x80xi32, #tpu.memory_space<vmem>> -> memref<1x80xi32, #tpu.memory_space<vmem>>
        %dma_start3A_303 = tpu.memref_squeeze %dma_start3A_302 : memref<1x80xi32, #tpu.memory_space<vmem>> -> memref<80xi32, #tpu.memory_space<vmem>>
        %dma_start3A_304 = arith.constant 0 : i32
        %dma_start3A_305 = arith.constant 0 : i32
        %dma_start3A_306 = tpu.memref_slice %arg3[%dma_start3A_304, %dma_start3A_305] : memref<10000x8xf32, #tpu.memory_space<hbm>> -> memref<10000x8xf32, #tpu.memory_space<hbm>>
        tpu.enqueue_indirect_dma source(%dma_start3A_306 : memref<10000x8xf32, #tpu.memory_space<hbm>>) target(%arg21 : memref<80x8xf32, #tpu.memory_space<vmem>>) offsets(%dma_start3A_303 : memref<80xi32, #tpu.memory_space<vmem>>) semaphore(%arg26 : memref<!tpu.dma_semaphore, #tpu.memory_space<semaphore_mem>>)
        %dma_start3A_307 = arith.constant 0 : i32
        %dma_start3A_308 = tpu.memref_slice %arg13[%add3A_294, %dma_start3A_307] : memref<125x80xi32, #tpu.memory_space<vmem>> -> memref<1x80xi32, #tpu.memory_space<vmem>>
        %dma_start3A_309 = tpu.memref_squeeze %dma_start3A_308 : memref<1x80xi32, #tpu.memory_space<vmem>> -> memref<80xi32, #tpu.memory_space<vmem>>
        %dma_start3A_310 = arith.constant 0 : i32
        %dma_start3A_311 = arith.constant 0 : i32
        %dma_start3A_312 = tpu.memref_slice %arg4[%dma_start3A_310, %dma_start3A_311] : memref<10000x64xf32, #tpu.memory_space<hbm>> -> memref<10000x64xf32, #tpu.memory_space<hbm>>
        tpu.enqueue_indirect_dma source(%dma_start3A_312 : memref<10000x64xf32, #tpu.memory_space<hbm>>) target(%arg22 : memref<80x64xf32, #tpu.memory_space<vmem>>) offsets(%dma_start3A_309 : memref<80xi32, #tpu.memory_space<vmem>>) semaphore(%arg26 : memref<!tpu.dma_semaphore, #tpu.memory_space<semaphore_mem>>)
      } else {
      }
    }
    %scan3A_91 = arith.constant 62 : i32
    %dma_wait3A = arith.constant 0 : i32
    %dma_wait3A_92 = arith.constant 0 : i32
    %dma_wait3A_93 = tpu.memref_slice %arg13[%dma_wait3A, %dma_wait3A_92] : memref<125x80xi32, #tpu.memory_space<vmem>> -> memref<1x80xi32, #tpu.memory_space<vmem>>
    %dma_wait3A_94 = tpu.memref_squeeze %dma_wait3A_93 : memref<1x80xi32, #tpu.memory_space<vmem>> -> memref<80xi32, #tpu.memory_space<vmem>>
    %dma_wait3A_95 = arith.constant 0 : i32
    %dma_wait3A_96 = arith.constant 0 : i32
    %dma_wait3A_97 = tpu.memref_slice %arg2[%dma_wait3A_95, %dma_wait3A_96] : memref<10000x8xf32, #tpu.memory_space<hbm>> -> memref<10000x8xf32, #tpu.memory_space<hbm>>
    tpu.wait_indirect_dma semaphore(%arg25 : memref<!tpu.dma_semaphore, #tpu.memory_space<semaphore_mem>>) src(%dma_wait3A_97 : memref<10000x8xf32, #tpu.memory_space<hbm>>) dst(%arg15 : memref<80x8xf32, #tpu.memory_space<vmem>>)
    %dma_wait3A_98 = arith.constant 0 : i32
    %dma_wait3A_99 = arith.constant 0 : i32
    %dma_wait3A_100 = tpu.memref_slice %arg14[%dma_wait3A_98, %dma_wait3A_99] : memref<125x80xi32, #tpu.memory_space<vmem>> -> memref<1x80xi32, #tpu.memory_space<vmem>>
    %dma_wait3A_101 = tpu.memref_squeeze %dma_wait3A_100 : memref<1x80xi32, #tpu.memory_space<vmem>> -> memref<80xi32, #tpu.memory_space<vmem>>
    %dma_wait3A_102 = arith.constant 0 : i32
    %dma_wait3A_103 = arith.constant 0 : i32
    %dma_wait3A_104 = tpu.memref_slice %arg3[%dma_wait3A_102, %dma_wait3A_103] : memref<10000x8xf32, #tpu.memory_space<hbm>> -> memref<10000x8xf32, #tpu.memory_space<hbm>>
    tpu.wait_indirect_dma semaphore(%arg25 : memref<!tpu.dma_semaphore, #tpu.memory_space<semaphore_mem>>) src(%dma_wait3A_104 : memref<10000x8xf32, #tpu.memory_space<hbm>>) dst(%arg16 : memref<80x8xf32, #tpu.memory_space<vmem>>)
    %dma_wait3A_105 = arith.constant 0 : i32
    %dma_wait3A_106 = arith.constant 0 : i32
    %dma_wait3A_107 = tpu.memref_slice %arg13[%dma_wait3A_105, %dma_wait3A_106] : memref<125x80xi32, #tpu.memory_space<vmem>> -> memref<1x80xi32, #tpu.memory_space<vmem>>
    %dma_wait3A_108 = tpu.memref_squeeze %dma_wait3A_107 : memref<1x80xi32, #tpu.memory_space<vmem>> -> memref<80xi32, #tpu.memory_space<vmem>>
    %dma_wait3A_109 = arith.constant 0 : i32
    %dma_wait3A_110 = arith.constant 0 : i32
    %dma_wait3A_111 = tpu.memref_slice %arg4[%dma_wait3A_109, %dma_wait3A_110] : memref<10000x64xf32, #tpu.memory_space<hbm>> -> memref<10000x64xf32, #tpu.memory_space<hbm>>
    tpu.wait_indirect_dma semaphore(%arg25 : memref<!tpu.dma_semaphore, #tpu.memory_space<semaphore_mem>>) src(%dma_wait3A_111 : memref<10000x64xf32, #tpu.memory_space<hbm>>) dst(%arg17 : memref<80x64xf32, #tpu.memory_space<vmem>>)
    %dma_wait3A_112 = arith.constant 0 : i32
    %dma_wait3A_113 = arith.constant 0 : i32
    %dma_wait3A_114 = tpu.memref_slice %arg14[%dma_wait3A_112, %dma_wait3A_113] : memref<125x80xi32, #tpu.memory_space<vmem>> -> memref<1x80xi32, #tpu.memory_space<vmem>>
    %dma_wait3A_115 = tpu.memref_squeeze %dma_wait3A_114 : memref<1x80xi32, #tpu.memory_space<vmem>> -> memref<80xi32, #tpu.memory_space<vmem>>
    %dma_wait3A_116 = arith.constant 0 : i32
    %dma_wait3A_117 = arith.constant 0 : i32
    %dma_wait3A_118 = tpu.memref_slice %arg12[%dma_wait3A_116, %dma_wait3A_117] : memref<10240x8xf32, #tpu.memory_space<vmem_shared>> -> memref<10240x8xf32, #tpu.memory_space<vmem_shared>>
    tpu.wait_indirect_dma semaphore(%arg27 : memref<!tpu.dma_semaphore, #tpu.memory_space<semaphore_mem>>) src(%arg18 : memref<80x8xf32, #tpu.memory_space<vmem>>) dst(%dma_wait3A_118 : memref<10240x8xf32, #tpu.memory_space<vmem_shared>>)
    %dma_wait3A_119 = arith.constant 0 : i32
    %dma_wait3A_120 = arith.constant 0 : i32
    %dma_wait3A_121 = tpu.memref_slice %arg14[%dma_wait3A_119, %dma_wait3A_120] : memref<125x80xi32, #tpu.memory_space<vmem>> -> memref<1x80xi32, #tpu.memory_space<vmem>>
    %dma_wait3A_122 = tpu.memref_squeeze %dma_wait3A_121 : memref<1x80xi32, #tpu.memory_space<vmem>> -> memref<80xi32, #tpu.memory_space<vmem>>
    %dma_wait3A_123 = arith.constant 0 : i32
    %dma_wait3A_124 = arith.constant 0 : i32
    %dma_wait3A_125 = tpu.memref_slice %arg11[%dma_wait3A_123, %dma_wait3A_124] : memref<10240x64xf32, #tpu.memory_space<vmem_shared>> -> memref<10240x64xf32, #tpu.memory_space<vmem_shared>>
    tpu.wait_indirect_dma semaphore(%arg27 : memref<!tpu.dma_semaphore, #tpu.memory_space<semaphore_mem>>) src(%arg19 : memref<80x64xf32, #tpu.memory_space<vmem>>) dst(%dma_wait3A_125 : memref<10240x64xf32, #tpu.memory_space<vmem_shared>>)
    %scan3A_126 = arith.constant 0 : i32
    %scan3A_127 = arith.constant 0 : i32
    %scan3A_128 = arith.constant 40 : i32
    %scan3A_129 = arith.addi %scan3A_127, %scan3A_128 : i32
    %scan3A_130 = arith.constant 2 : i32
    scf.for %scan3A_175 = %scan3A_127 to %scan3A_129 step %scan3A_130  : i32 {
      %mul3A_176 = arith.constant 2 : i32
      %mul3A_177 = arith.muli %mul3A_176, %scan3A_175 : i32
      %add3A_178 = vector.broadcast %mul3A_177 : i32 to vector<16xi32>
      %add3A_179 = arith.addi %add3A_178, %select_n3A : vector<16xi32>
      %gather3A = tpu.vector_load_idx %arg15[%add3A_179, %select_n3A_45] : memref<80x8xf32, #tpu.memory_space<vmem>>[vector<16xi32>, vector<16xi32>], vector<16xf32>,
      %gather3A_180 = tpu.vector_load_idx %arg16[%add3A_179, %select_n3A_45] : memref<80x8xf32, #tpu.memory_space<vmem>>[vector<16xi32>, vector<16xi32>], vector<16xf32>,
      %add3A_181 = arith.addf %gather3A, %gather3A_180 : vector<16xf32>
      %mul3A_182 = arith.constant 2.000000e-01 : f32
      %mul3A_183 = vector.broadcast %mul3A_182 : f32 to vector<16xf32>
      %mul3A_184 = arith.mulf %mul3A_183, %add3A_181 : vector<16xf32>
      %max3A = arith.maximumf %add3A_181, %mul3A_184 : vector<16xf32>
      %exp3A = math.exp %max3A : vector<16xf32>
      tpu.vector_store_idx %arg18[%add3A_179, %select_n3A_45], %exp3A : memref<80x8xf32, #tpu.memory_space<vmem>>[vector<16xi32>, vector<16xi32>], vector<16xf32>,
      %mul3A_185 = arith.constant 2 : i32
      %mul3A_186 = arith.muli %mul3A_185, %scan3A_175 : i32
      %add3A_187 = arith.constant 0 : i32
      %add3A_188 = arith.addi %mul3A_186, %add3A_187 : i32
      %get3A = arith.index_cast %add3A_188 : i32 to index
      %get3A_189 = arith.constant 0 : index
      %get3A_190 = tpu.vector_load %arg17[%get3A, %get3A_189] {strides = array<i32>} : memref<80x64xf32, #tpu.memory_space<vmem>>, vector<16xf32>,
      %add3A_191 = arith.constant 0 : i32
      %add3A_192 = vector.broadcast %add3A_191 : i32 to vector<16xi32>
      %add3A_193 = arith.addi %add3A_192, %select_n3A : vector<16xi32>
      %lt3A_194 = arith.constant 0 : i32
      %lt3A_195 = vector.broadcast %lt3A_194 : i32 to vector<16xi32>
      %lt3A_196 = arith.cmpi slt, %add3A_193, %lt3A_195 : vector<16xi32>
      %add3A_197 = arith.constant 16 : i32
      %add3A_198 = vector.broadcast %add3A_197 : i32 to vector<16xi32>
      %add3A_199 = arith.addi %add3A_193, %add3A_198 : vector<16xi32>
      %select_n3A_200 = arith.select %lt3A_196, %add3A_199, %add3A_193 : vector<16xi1>, vector<16xi32>
      %reshape3A = vector.shape_cast %select_n3A_200 : vector<16xi32> to vector<16x1xi32>
      %gather3A_201 = vector.shape_cast %reshape3A : vector<16x1xi32> to vector<16xi32>
      %gather3A_202 = tpu.dynamic_gather %exp3A[%gather3A_201] in [0] : vector<16xf32>, vector<16xi32> -> vector<16xf32>
      %mul3A_203 = arith.mulf %get3A_190, %gather3A_202 : vector<16xf32>
      %swap3A = arith.index_cast %add3A_188 : i32 to index
      %swap3A_204 = arith.constant 0 : index
      %swap3A_205 = tpu.vector_load %arg19[%swap3A, %swap3A_204] {strides = array<i32>} : memref<80x64xf32, #tpu.memory_space<vmem>>, vector<16xf32>,
      tpu.vector_store %arg19[%swap3A, %swap3A_204], %mul3A_203 {strides = array<i32>} : memref<80x64xf32, #tpu.memory_space<vmem>>, vector<16xf32>,
      %mul3A_206 = arith.constant 2 : i32
      %mul3A_207 = arith.muli %mul3A_206, %scan3A_175 : i32
      %add3A_208 = arith.constant 0 : i32
      %add3A_209 = arith.addi %mul3A_207, %add3A_208 : i32
      %get3A_210 = arith.index_cast %add3A_209 : i32 to index
      %get3A_211 = arith.constant 16 : index
      %get3A_212 = tpu.vector_load %arg17[%get3A_210, %get3A_211] {strides = array<i32>} : memref<80x64xf32, #tpu.memory_space<vmem>>, vector<16xf32>,
      %add3A_213 = arith.constant 2 : i32
      %add3A_214 = vector.broadcast %add3A_213 : i32 to vector<16xi32>
      %add3A_215 = arith.addi %add3A_214, %select_n3A : vector<16xi32>
      %lt3A_216 = arith.constant 0 : i32
      %lt3A_217 = vector.broadcast %lt3A_216 : i32 to vector<16xi32>
      %lt3A_218 = arith.cmpi slt, %add3A_215, %lt3A_217 : vector<16xi32>
      %add3A_219 = arith.constant 16 : i32
      %add3A_220 = vector.broadcast %add3A_219 : i32 to vector<16xi32>
      %add3A_221 = arith.addi %add3A_215, %add3A_220 : vector<16xi32>
      %select_n3A_222 = arith.select %lt3A_218, %add3A_221, %add3A_215 : vector<16xi1>, vector<16xi32>
      %reshape3A_223 = vector.shape_cast %select_n3A_222 : vector<16xi32> to vector<16x1xi32>
      %gather3A_224 = vector.shape_cast %reshape3A_223 : vector<16x1xi32> to vector<16xi32>
      %gather3A_225 = tpu.dynamic_gather %exp3A[%gather3A_224] in [0] : vector<16xf32>, vector<16xi32> -> vector<16xf32>
      %mul3A_226 = arith.mulf %get3A_212, %gather3A_225 : vector<16xf32>
      %swap3A_227 = arith.index_cast %add3A_209 : i32 to index
      %swap3A_228 = arith.constant 16 : index
      %swap3A_229 = tpu.vector_load %arg19[%swap3A_227, %swap3A_228] {strides = array<i32>} : memref<80x64xf32, #tpu.memory_space<vmem>>, vector<16xf32>,
      tpu.vector_store %arg19[%swap3A_227, %swap3A_228], %mul3A_226 {strides = array<i32>} : memref<80x64xf32, #tpu.memory_space<vmem>>, vector<16xf32>,
      %mul3A_230 = arith.constant 2 : i32
      %mul3A_231 = arith.muli %mul3A_230, %scan3A_175 : i32
      %add3A_232 = arith.constant 0 : i32
      %add3A_233 = arith.addi %mul3A_231, %add3A_232 : i32
      %get3A_234 = arith.index_cast %add3A_233 : i32 to index
      %get3A_235 = arith.constant 32 : index
      %get3A_236 = tpu.vector_load %arg17[%get3A_234, %get3A_235] {strides = array<i32>} : memref<80x64xf32, #tpu.memory_space<vmem>>, vector<16xf32>,
      %add3A_237 = arith.constant 4 : i32
      %add3A_238 = vector.broadcast %add3A_237 : i32 to vector<16xi32>
      %add3A_239 = arith.addi %add3A_238, %select_n3A : vector<16xi32>
      %lt3A_240 = arith.constant 0 : i32
      %lt3A_241 = vector.broadcast %lt3A_240 : i32 to vector<16xi32>
      %lt3A_242 = arith.cmpi slt, %add3A_239, %lt3A_241 : vector<16xi32>
      %add3A_243 = arith.constant 16 : i32
      %add3A_244 = vector.broadcast %add3A_243 : i32 to vector<16xi32>
      %add3A_245 = arith.addi %add3A_239, %add3A_244 : vector<16xi32>
      %select_n3A_246 = arith.select %lt3A_242, %add3A_245, %add3A_239 : vector<16xi1>, vector<16xi32>
      %reshape3A_247 = vector.shape_cast %select_n3A_246 : vector<16xi32> to vector<16x1xi32>
      %gather3A_248 = vector.shape_cast %reshape3A_247 : vector<16x1xi32> to vector<16xi32>
      %gather3A_249 = tpu.dynamic_gather %exp3A[%gather3A_248] in [0] : vector<16xf32>, vector<16xi32> -> vector<16xf32>
      %mul3A_250 = arith.mulf %get3A_236, %gather3A_249 : vector<16xf32>
      %swap3A_251 = arith.index_cast %add3A_233 : i32 to index
      %swap3A_252 = arith.constant 32 : index
      %swap3A_253 = tpu.vector_load %arg19[%swap3A_251, %swap3A_252] {strides = array<i32>} : memref<80x64xf32, #tpu.memory_space<vmem>>, vector<16xf32>,
      tpu.vector_store %arg19[%swap3A_251, %swap3A_252], %mul3A_250 {strides = array<i32>} : memref<80x64xf32, #tpu.memory_space<vmem>>, vector<16xf32>,
      %mul3A_254 = arith.constant 2 : i32
      %mul3A_255 = arith.muli %mul3A_254, %scan3A_175 : i32
      %add3A_256 = arith.constant 0 : i32
      %add3A_257 = arith.addi %mul3A_255, %add3A_256 : i32
      %get3A_258 = arith.index_cast %add3A_257 : i32 to index
      %get3A_259 = arith.constant 48 : index
      %get3A_260 = tpu.vector_load %arg17[%get3A_258, %get3A_259] {strides = array<i32>} : memref<80x64xf32, #tpu.memory_space<vmem>>, vector<16xf32>,
      %add3A_261 = arith.constant 6 : i32
      %add3A_262 = vector.broadcast %add3A_261 : i32 to vector<16xi32>
      %add3A_263 = arith.addi %add3A_262, %select_n3A : vector<16xi32>
      %lt3A_264 = arith.constant 0 : i32
      %lt3A_265 = vector.broadcast %lt3A_264 : i32 to vector<16xi32>
      %lt3A_266 = arith.cmpi slt, %add3A_263, %lt3A_265 : vector<16xi32>
      %add3A_267 = arith.constant 16 : i32
      %add3A_268 = vector.broadcast %add3A_267 : i32 to vector<16xi32>
      %add3A_269 = arith.addi %add3A_263, %add3A_268 : vector<16xi32>
      %select_n3A_270 = arith.select %lt3A_266, %add3A_269, %add3A_263 : vector<16xi1>, vector<16xi32>
      %reshape3A_271 = vector.shape_cast %select_n3A_270 : vector<16xi32> to vector<16x1xi32>
      %gather3A_272 = vector.shape_cast %reshape3A_271 : vector<16x1xi32> to vector<16xi32>
      %gather3A_273 = tpu.dynamic_gather %exp3A[%gather3A_272] in [0] : vector<16xf32>, vector<16xi32> -> vector<16xf32>
      %mul3A_274 = arith.mulf %get3A_260, %gather3A_273 : vector<16xf32>
      %swap3A_275 = arith.index_cast %add3A_257 : i32 to index
      %swap3A_276 = arith.constant 48 : index
      %swap3A_277 = tpu.vector_load %arg19[%swap3A_275, %swap3A_276] {strides = array<i32>} : memref<80x64xf32, #tpu.memory_space<vmem>>, vector<16xf32>,
      tpu.vector_store %arg19[%swap3A_275, %swap3A_276], %mul3A_274 {strides = array<i32>} : memref<80x64xf32, #tpu.memory_space<vmem>>, vector<16xf32>,
      %mul3A_278 = arith.constant 2 : i32
      %mul3A_279 = arith.muli %mul3A_278, %scan3A_175 : i32
      %add3A_280 = arith.constant 1 : i32
      %add3A_281 = arith.addi %mul3A_279, %add3A_280 : i32
      %get3A_282 = arith.index_cast %add3A_281 : i32 to index
      %get3A_283 = arith.constant 0 : index
      %get3A_284 = tpu.vector_load %arg17[%get3A_282, %get3A_283] {strides = array<i32>} : memref<80x64xf32, #tpu.memory_space<vmem>>, vector<16xf32>,
      %add3A_285 = arith.constant 8 : i32
      %add3A_286 = vector.broadcast %add3A_285 : i32 to vector<16xi32>
      %add3A_287 = arith.addi %add3A_286, %select_n3A : vector<16xi32>
      %lt3A_288 = arith.constant 0 : i32
      %lt3A_289 = vector.broadcast %lt3A_288 : i32 to vector<16xi32>
      %lt3A_290 = arith.cmpi slt, %add3A_287, %lt3A_289 : vector<16xi32>
      %add3A_291 = arith.constant 16 : i32
      %add3A_292 = vector.broadcast %add3A_291 : i32 to vector<16xi32>
      %add3A_293 = arith.addi %add3A_287, %add3A_292 : vector<16xi32>
      %select_n3A_294 = arith.select %lt3A_290, %add3A_293, %add3A_287 : vector<16xi1>, vector<16xi32>
      %reshape3A_295 = vector.shape_cast %select_n3A_294 : vector<16xi32> to vector<16x1xi32>
      %gather3A_296 = vector.shape_cast %reshape3A_295 : vector<16x1xi32> to vector<16xi32>
      %gather3A_297 = tpu.dynamic_gather %exp3A[%gather3A_296] in [0] : vector<16xf32>, vector<16xi32> -> vector<16xf32>
      %mul3A_298 = arith.mulf %get3A_284, %gather3A_297 : vector<16xf32>
      %swap3A_299 = arith.index_cast %add3A_281 : i32 to index
      %swap3A_300 = arith.constant 0 : index
      %swap3A_301 = tpu.vector_load %arg19[%swap3A_299, %swap3A_300] {strides = array<i32>} : memref<80x64xf32, #tpu.memory_space<vmem>>, vector<16xf32>,
      tpu.vector_store %arg19[%swap3A_299, %swap3A_300], %mul3A_298 {strides = array<i32>} : memref<80x64xf32, #tpu.memory_space<vmem>>, vector<16xf32>,
      %mul3A_302 = arith.constant 2 : i32
      %mul3A_303 = arith.muli %mul3A_302, %scan3A_175 : i32
      %add3A_304 = arith.constant 1 : i32
      %add3A_305 = arith.addi %mul3A_303, %add3A_304 : i32
      %get3A_306 = arith.index_cast %add3A_305 : i32 to index
      %get3A_307 = arith.constant 16 : index
      %get3A_308 = tpu.vector_load %arg17[%get3A_306, %get3A_307] {strides = array<i32>} : memref<80x64xf32, #tpu.memory_space<vmem>>, vector<16xf32>,
      %add3A_309 = arith.constant 10 : i32
      %add3A_310 = vector.broadcast %add3A_309 : i32 to vector<16xi32>
      %add3A_311 = arith.addi %add3A_310, %select_n3A : vector<16xi32>
      %lt3A_312 = arith.constant 0 : i32
      %lt3A_313 = vector.broadcast %lt3A_312 : i32 to vector<16xi32>
      %lt3A_314 = arith.cmpi slt, %add3A_311, %lt3A_313 : vector<16xi32>
      %add3A_315 = arith.constant 16 : i32
      %add3A_316 = vector.broadcast %add3A_315 : i32 to vector<16xi32>
      %add3A_317 = arith.addi %add3A_311, %add3A_316 : vector<16xi32>
      %select_n3A_318 = arith.select %lt3A_314, %add3A_317, %add3A_311 : vector<16xi1>, vector<16xi32>
      %reshape3A_319 = vector.shape_cast %select_n3A_318 : vector<16xi32> to vector<16x1xi32>
      %gather3A_320 = vector.shape_cast %reshape3A_319 : vector<16x1xi32> to vector<16xi32>
      %gather3A_321 = tpu.dynamic_gather %exp3A[%gather3A_320] in [0] : vector<16xf32>, vector<16xi32> -> vector<16xf32>
      %mul3A_322 = arith.mulf %get3A_308, %gather3A_321 : vector<16xf32>
      %swap3A_323 = arith.index_cast %add3A_305 : i32 to index
      %swap3A_324 = arith.constant 16 : index
      %swap3A_325 = tpu.vector_load %arg19[%swap3A_323, %swap3A_324] {strides = array<i32>} : memref<80x64xf32, #tpu.memory_space<vmem>>, vector<16xf32>,
      tpu.vector_store %arg19[%swap3A_323, %swap3A_324], %mul3A_322 {strides = array<i32>} : memref<80x64xf32, #tpu.memory_space<vmem>>, vector<16xf32>,
      %mul3A_326 = arith.constant 2 : i32
      %mul3A_327 = arith.muli %mul3A_326, %scan3A_175 : i32
      %add3A_328 = arith.constant 1 : i32
      %add3A_329 = arith.addi %mul3A_327, %add3A_328 : i32
      %get3A_330 = arith.index_cast %add3A_329 : i32 to index
      %get3A_331 = arith.constant 32 : index
      %get3A_332 = tpu.vector_load %arg17[%get3A_330, %get3A_331] {strides = array<i32>} : memref<80x64xf32, #tpu.memory_space<vmem>>, vector<16xf32>,
      %add3A_333 = arith.constant 12 : i32
      %add3A_334 = vector.broadcast %add3A_333 : i32 to vector<16xi32>
      %add3A_335 = arith.addi %add3A_334, %select_n3A : vector<16xi32>
      %lt3A_336 = arith.constant 0 : i32
      %lt3A_337 = vector.broadcast %lt3A_336 : i32 to vector<16xi32>
      %lt3A_338 = arith.cmpi slt, %add3A_335, %lt3A_337 : vector<16xi32>
      %add3A_339 = arith.constant 16 : i32
      %add3A_340 = vector.broadcast %add3A_339 : i32 to vector<16xi32>
      %add3A_341 = arith.addi %add3A_335, %add3A_340 : vector<16xi32>
      %select_n3A_342 = arith.select %lt3A_338, %add3A_341, %add3A_335 : vector<16xi1>, vector<16xi32>
      %reshape3A_343 = vector.shape_cast %select_n3A_342 : vector<16xi32> to vector<16x1xi32>
      %gather3A_344 = vector.shape_cast %reshape3A_343 : vector<16x1xi32> to vector<16xi32>
      %gather3A_345 = tpu.dynamic_gather %exp3A[%gather3A_344] in [0] : vector<16xf32>, vector<16xi32> -> vector<16xf32>
      %mul3A_346 = arith.mulf %get3A_332, %gather3A_345 : vector<16xf32>
      %swap3A_347 = arith.index_cast %add3A_329 : i32 to index
      %swap3A_348 = arith.constant 32 : index
      %swap3A_349 = tpu.vector_load %arg19[%swap3A_347, %swap3A_348] {strides = array<i32>} : memref<80x64xf32, #tpu.memory_space<vmem>>, vector<16xf32>,
      tpu.vector_store %arg19[%swap3A_347, %swap3A_348], %mul3A_346 {strides = array<i32>} : memref<80x64xf32, #tpu.memory_space<vmem>>, vector<16xf32>,
      %mul3A_350 = arith.constant 2 : i32
      %mul3A_351 = arith.muli %mul3A_350, %scan3A_175 : i32
      %add3A_352 = arith.constant 1 : i32
      %add3A_353 = arith.addi %mul3A_351, %add3A_352 : i32
      %get3A_354 = arith.index_cast %add3A_353 : i32 to index
      %get3A_355 = arith.constant 48 : index
      %get3A_356 = tpu.vector_load %arg17[%get3A_354, %get3A_355] {strides = array<i32>} : memref<80x64xf32, #tpu.memory_space<vmem>>, vector<16xf32>,
      %add3A_357 = arith.constant 14 : i32
      %add3A_358 = vector.broadcast %add3A_357 : i32 to vector<16xi32>
      %add3A_359 = arith.addi %add3A_358, %select_n3A : vector<16xi32>
      %lt3A_360 = arith.constant 0 : i32
      %lt3A_361 = vector.broadcast %lt3A_360 : i32 to vector<16xi32>
      %lt3A_362 = arith.cmpi slt, %add3A_359, %lt3A_361 : vector<16xi32>
      %add3A_363 = arith.constant 16 : i32
      %add3A_364 = vector.broadcast %add3A_363 : i32 to vector<16xi32>
      %add3A_365 = arith.addi %add3A_359, %add3A_364 : vector<16xi32>
      %select_n3A_366 = arith.select %lt3A_362, %add3A_365, %add3A_359 : vector<16xi1>, vector<16xi32>
      %reshape3A_367 = vector.shape_cast %select_n3A_366 : vector<16xi32> to vector<16x1xi32>
      %gather3A_368 = vector.shape_cast %reshape3A_367 : vector<16x1xi32> to vector<16xi32>
      %gather3A_369 = tpu.dynamic_gather %exp3A[%gather3A_368] in [0] : vector<16xf32>, vector<16xi32> -> vector<16xf32>
      %mul3A_370 = arith.mulf %get3A_356, %gather3A_369 : vector<16xf32>
      %swap3A_371 = arith.index_cast %add3A_353 : i32 to index
      %swap3A_372 = arith.constant 48 : index
      %swap3A_373 = tpu.vector_load %arg19[%swap3A_371, %swap3A_372] {strides = array<i32>} : memref<80x64xf32, #tpu.memory_space<vmem>>, vector<16xf32>,
      tpu.vector_store %arg19[%swap3A_371, %swap3A_372], %mul3A_370 {strides = array<i32>} : memref<80x64xf32, #tpu.memory_space<vmem>>, vector<16xf32>,
      %scan3A_374 = arith.constant 1 : i32
      %scan3A_375 = arith.addi %scan3A_175, %scan3A_374 : i32
      %mul3A_376 = arith.constant 2 : i32
      %mul3A_377 = arith.muli %mul3A_376, %scan3A_375 : i32
      %add3A_378 = vector.broadcast %mul3A_377 : i32 to vector<16xi32>
      %add3A_379 = arith.addi %add3A_378, %select_n3A : vector<16xi32>
      %gather3A_380 = tpu.vector_load_idx %arg15[%add3A_379, %select_n3A_45] : memref<80x8xf32, #tpu.memory_space<vmem>>[vector<16xi32>, vector<16xi32>], vector<16xf32>,
      %gather3A_381 = tpu.vector_load_idx %arg16[%add3A_379, %select_n3A_45] : memref<80x8xf32, #tpu.memory_space<vmem>>[vector<16xi32>, vector<16xi32>], vector<16xf32>,
      %add3A_382 = arith.addf %gather3A_380, %gather3A_381 : vector<16xf32>
      %mul3A_383 = arith.constant 2.000000e-01 : f32
      %mul3A_384 = vector.broadcast %mul3A_383 : f32 to vector<16xf32>
      %mul3A_385 = arith.mulf %mul3A_384, %add3A_382 : vector<16xf32>
      %max3A_386 = arith.maximumf %add3A_382, %mul3A_385 : vector<16xf32>
      %exp3A_387 = math.exp %max3A_386 : vector<16xf32>
      tpu.vector_store_idx %arg18[%add3A_379, %select_n3A_45], %exp3A_387 : memref<80x8xf32, #tpu.memory_space<vmem>>[vector<16xi32>, vector<16xi32>], vector<16xf32>,
      %mul3A_388 = arith.constant 2 : i32
      %mul3A_389 = arith.muli %mul3A_388, %scan3A_375 : i32
      %add3A_390 = arith.constant 0 : i32
      %add3A_391 = arith.addi %mul3A_389, %add3A_390 : i32
      %get3A_392 = arith.index_cast %add3A_391 : i32 to index
      %get3A_393 = arith.constant 0 : index
      %get3A_394 = tpu.vector_load %arg17[%get3A_392, %get3A_393] {strides = array<i32>} : memref<80x64xf32, #tpu.memory_space<vmem>>, vector<16xf32>,
      %add3A_395 = arith.constant 0 : i32
      %add3A_396 = vector.broadcast %add3A_395 : i32 to vector<16xi32>
      %add3A_397 = arith.addi %add3A_396, %select_n3A : vector<16xi32>
      %lt3A_398 = arith.constant 0 : i32
      %lt3A_399 = vector.broadcast %lt3A_398 : i32 to vector<16xi32>
      %lt3A_400 = arith.cmpi slt, %add3A_397, %lt3A_399 : vector<16xi32>
      %add3A_401 = arith.constant 16 : i32
      %add3A_402 = vector.broadcast %add3A_401 : i32 to vector<16xi32>
      %add3A_403 = arith.addi %add3A_397, %add3A_402 : vector<16xi32>
      %select_n3A_404 = arith.select %lt3A_400, %add3A_403, %add3A_397 : vector<16xi1>, vector<16xi32>
      %reshape3A_405 = vector.shape_cast %select_n3A_404 : vector<16xi32> to vector<16x1xi32>
      %gather3A_406 = vector.shape_cast %reshape3A_405 : vector<16x1xi32> to vector<16xi32>
      %gather3A_407 = tpu.dynamic_gather %exp3A_387[%gather3A_406] in [0] : vector<16xf32>, vector<16xi32> -> vector<16xf32>
      %mul3A_408 = arith.mulf %get3A_394, %gather3A_407 : vector<16xf32>
      %swap3A_409 = arith.index_cast %add3A_391 : i32 to index
      %swap3A_410 = arith.constant 0 : index
      %swap3A_411 = tpu.vector_load %arg19[%swap3A_409, %swap3A_410] {strides = array<i32>} : memref<80x64xf32, #tpu.memory_space<vmem>>, vector<16xf32>,
      tpu.vector_store %arg19[%swap3A_409, %swap3A_410], %mul3A_408 {strides = array<i32>} : memref<80x64xf32, #tpu.memory_space<vmem>>, vector<16xf32>,
      %mul3A_412 = arith.constant 2 : i32
      %mul3A_413 = arith.muli %mul3A_412, %scan3A_375 : i32
      %add3A_414 = arith.constant 0 : i32
      %add3A_415 = arith.addi %mul3A_413, %add3A_414 : i32
      %get3A_416 = arith.index_cast %add3A_415 : i32 to index
      %get3A_417 = arith.constant 16 : index
      %get3A_418 = tpu.vector_load %arg17[%get3A_416, %get3A_417] {strides = array<i32>} : memref<80x64xf32, #tpu.memory_space<vmem>>, vector<16xf32>,
      %add3A_419 = arith.constant 2 : i32
      %add3A_420 = vector.broadcast %add3A_419 : i32 to vector<16xi32>
      %add3A_421 = arith.addi %add3A_420, %select_n3A : vector<16xi32>
      %lt3A_422 = arith.constant 0 : i32
      %lt3A_423 = vector.broadcast %lt3A_422 : i32 to vector<16xi32>
      %lt3A_424 = arith.cmpi slt, %add3A_421, %lt3A_423 : vector<16xi32>
      %add3A_425 = arith.constant 16 : i32
      %add3A_426 = vector.broadcast %add3A_425 : i32 to vector<16xi32>
      %add3A_427 = arith.addi %add3A_421, %add3A_426 : vector<16xi32>
      %select_n3A_428 = arith.select %lt3A_424, %add3A_427, %add3A_421 : vector<16xi1>, vector<16xi32>
      %reshape3A_429 = vector.shape_cast %select_n3A_428 : vector<16xi32> to vector<16x1xi32>
      %gather3A_430 = vector.shape_cast %reshape3A_429 : vector<16x1xi32> to vector<16xi32>
      %gather3A_431 = tpu.dynamic_gather %exp3A_387[%gather3A_430] in [0] : vector<16xf32>, vector<16xi32> -> vector<16xf32>
      %mul3A_432 = arith.mulf %get3A_418, %gather3A_431 : vector<16xf32>
      %swap3A_433 = arith.index_cast %add3A_415 : i32 to index
      %swap3A_434 = arith.constant 16 : index
      %swap3A_435 = tpu.vector_load %arg19[%swap3A_433, %swap3A_434] {strides = array<i32>} : memref<80x64xf32, #tpu.memory_space<vmem>>, vector<16xf32>,
      tpu.vector_store %arg19[%swap3A_433, %swap3A_434], %mul3A_432 {strides = array<i32>} : memref<80x64xf32, #tpu.memory_space<vmem>>, vector<16xf32>,
      %mul3A_436 = arith.constant 2 : i32
      %mul3A_437 = arith.muli %mul3A_436, %scan3A_375 : i32
      %add3A_438 = arith.constant 0 : i32
      %add3A_439 = arith.addi %mul3A_437, %add3A_438 : i32
      %get3A_440 = arith.index_cast %add3A_439 : i32 to index
      %get3A_441 = arith.constant 32 : index
      %get3A_442 = tpu.vector_load %arg17[%get3A_440, %get3A_441] {strides = array<i32>} : memref<80x64xf32, #tpu.memory_space<vmem>>, vector<16xf32>,
      %add3A_443 = arith.constant 4 : i32
      %add3A_444 = vector.broadcast %add3A_443 : i32 to vector<16xi32>
      %add3A_445 = arith.addi %add3A_444, %select_n3A : vector<16xi32>
      %lt3A_446 = arith.constant 0 : i32
      %lt3A_447 = vector.broadcast %lt3A_446 : i32 to vector<16xi32>
      %lt3A_448 = arith.cmpi slt, %add3A_445, %lt3A_447 : vector<16xi32>
      %add3A_449 = arith.constant 16 : i32
      %add3A_450 = vector.broadcast %add3A_449 : i32 to vector<16xi32>
      %add3A_451 = arith.addi %add3A_445, %add3A_450 : vector<16xi32>
      %select_n3A_452 = arith.select %lt3A_448, %add3A_451, %add3A_445 : vector<16xi1>, vector<16xi32>
      %reshape3A_453 = vector.shape_cast %select_n3A_452 : vector<16xi32> to vector<16x1xi32>
      %gather3A_454 = vector.shape_cast %reshape3A_453 : vector<16x1xi32> to vector<16xi32>
      %gather3A_455 = tpu.dynamic_gather %exp3A_387[%gather3A_454] in [0] : vector<16xf32>, vector<16xi32> -> vector<16xf32>
      %mul3A_456 = arith.mulf %get3A_442, %gather3A_455 : vector<16xf32>
      %swap3A_457 = arith.index_cast %add3A_439 : i32 to index
      %swap3A_458 = arith.constant 32 : index
      %swap3A_459 = tpu.vector_load %arg19[%swap3A_457, %swap3A_458] {strides = array<i32>} : memref<80x64xf32, #tpu.memory_space<vmem>>, vector<16xf32>,
      tpu.vector_store %arg19[%swap3A_457, %swap3A_458], %mul3A_456 {strides = array<i32>} : memref<80x64xf32, #tpu.memory_space<vmem>>, vector<16xf32>,
      %mul3A_460 = arith.constant 2 : i32
      %mul3A_461 = arith.muli %mul3A_460, %scan3A_375 : i32
      %add3A_462 = arith.constant 0 : i32
      %add3A_463 = arith.addi %mul3A_461, %add3A_462 : i32
      %get3A_464 = arith.index_cast %add3A_463 : i32 to index
      %get3A_465 = arith.constant 48 : index
      %get3A_466 = tpu.vector_load %arg17[%get3A_464, %get3A_465] {strides = array<i32>} : memref<80x64xf32, #tpu.memory_space<vmem>>, vector<16xf32>,
      %add3A_467 = arith.constant 6 : i32
      %add3A_468 = vector.broadcast %add3A_467 : i32 to vector<16xi32>
      %add3A_469 = arith.addi %add3A_468, %select_n3A : vector<16xi32>
      %lt3A_470 = arith.constant 0 : i32
      %lt3A_471 = vector.broadcast %lt3A_470 : i32 to vector<16xi32>
      %lt3A_472 = arith.cmpi slt, %add3A_469, %lt3A_471 : vector<16xi32>
      %add3A_473 = arith.constant 16 : i32
      %add3A_474 = vector.broadcast %add3A_473 : i32 to vector<16xi32>
      %add3A_475 = arith.addi %add3A_469, %add3A_474 : vector<16xi32>
      %select_n3A_476 = arith.select %lt3A_472, %add3A_475, %add3A_469 : vector<16xi1>, vector<16xi32>
      %reshape3A_477 = vector.shape_cast %select_n3A_476 : vector<16xi32> to vector<16x1xi32>
      %gather3A_478 = vector.shape_cast %reshape3A_477 : vector<16x1xi32> to vector<16xi32>
      %gather3A_479 = tpu.dynamic_gather %exp3A_387[%gather3A_478] in [0] : vector<16xf32>, vector<16xi32> -> vector<16xf32>
      %mul3A_480 = arith.mulf %get3A_466, %gather3A_479 : vector<16xf32>
      %swap3A_481 = arith.index_cast %add3A_463 : i32 to index
      %swap3A_482 = arith.constant 48 : index
      %swap3A_483 = tpu.vector_load %arg19[%swap3A_481, %swap3A_482] {strides = array<i32>} : memref<80x64xf32, #tpu.memory_space<vmem>>, vector<16xf32>,
      tpu.vector_store %arg19[%swap3A_481, %swap3A_482], %mul3A_480 {strides = array<i32>} : memref<80x64xf32, #tpu.memory_space<vmem>>, vector<16xf32>,
      %mul3A_484 = arith.constant 2 : i32
      %mul3A_485 = arith.muli %mul3A_484, %scan3A_375 : i32
      %add3A_486 = arith.constant 1 : i32
      %add3A_487 = arith.addi %mul3A_485, %add3A_486 : i32
      %get3A_488 = arith.index_cast %add3A_487 : i32 to index
      %get3A_489 = arith.constant 0 : index
      %get3A_490 = tpu.vector_load %arg17[%get3A_488, %get3A_489] {strides = array<i32>} : memref<80x64xf32, #tpu.memory_space<vmem>>, vector<16xf32>,
      %add3A_491 = arith.constant 8 : i32
      %add3A_492 = vector.broadcast %add3A_491 : i32 to vector<16xi32>
      %add3A_493 = arith.addi %add3A_492, %select_n3A : vector<16xi32>
      %lt3A_494 = arith.constant 0 : i32
      %lt3A_495 = vector.broadcast %lt3A_494 : i32 to vector<16xi32>
      %lt3A_496 = arith.cmpi slt, %add3A_493, %lt3A_495 : vector<16xi32>
      %add3A_497 = arith.constant 16 : i32
      %add3A_498 = vector.broadcast %add3A_497 : i32 to vector<16xi32>
      %add3A_499 = arith.addi %add3A_493, %add3A_498 : vector<16xi32>
      %select_n3A_500 = arith.select %lt3A_496, %add3A_499, %add3A_493 : vector<16xi1>, vector<16xi32>
      %reshape3A_501 = vector.shape_cast %select_n3A_500 : vector<16xi32> to vector<16x1xi32>
      %gather3A_502 = vector.shape_cast %reshape3A_501 : vector<16x1xi32> to vector<16xi32>
      %gather3A_503 = tpu.dynamic_gather %exp3A_387[%gather3A_502] in [0] : vector<16xf32>, vector<16xi32> -> vector<16xf32>
      %mul3A_504 = arith.mulf %get3A_490, %gather3A_503 : vector<16xf32>
      %swap3A_505 = arith.index_cast %add3A_487 : i32 to index
      %swap3A_506 = arith.constant 0 : index
      %swap3A_507 = tpu.vector_load %arg19[%swap3A_505, %swap3A_506] {strides = array<i32>} : memref<80x64xf32, #tpu.memory_space<vmem>>, vector<16xf32>,
      tpu.vector_store %arg19[%swap3A_505, %swap3A_506], %mul3A_504 {strides = array<i32>} : memref<80x64xf32, #tpu.memory_space<vmem>>, vector<16xf32>,
      %mul3A_508 = arith.constant 2 : i32
      %mul3A_509 = arith.muli %mul3A_508, %scan3A_375 : i32
      %add3A_510 = arith.constant 1 : i32
      %add3A_511 = arith.addi %mul3A_509, %add3A_510 : i32
      %get3A_512 = arith.index_cast %add3A_511 : i32 to index
      %get3A_513 = arith.constant 16 : index
      %get3A_514 = tpu.vector_load %arg17[%get3A_512, %get3A_513] {strides = array<i32>} : memref<80x64xf32, #tpu.memory_space<vmem>>, vector<16xf32>,
      %add3A_515 = arith.constant 10 : i32
      %add3A_516 = vector.broadcast %add3A_515 : i32 to vector<16xi32>
      %add3A_517 = arith.addi %add3A_516, %select_n3A : vector<16xi32>
      %lt3A_518 = arith.constant 0 : i32
      %lt3A_519 = vector.broadcast %lt3A_518 : i32 to vector<16xi32>
      %lt3A_520 = arith.cmpi slt, %add3A_517, %lt3A_519 : vector<16xi32>
      %add3A_521 = arith.constant 16 : i32
      %add3A_522 = vector.broadcast %add3A_521 : i32 to vector<16xi32>
      %add3A_523 = arith.addi %add3A_517, %add3A_522 : vector<16xi32>
      %select_n3A_524 = arith.select %lt3A_520, %add3A_523, %add3A_517 : vector<16xi1>, vector<16xi32>
      %reshape3A_525 = vector.shape_cast %select_n3A_524 : vector<16xi32> to vector<16x1xi32>
      %gather3A_526 = vector.shape_cast %reshape3A_525 : vector<16x1xi32> to vector<16xi32>
      %gather3A_527 = tpu.dynamic_gather %exp3A_387[%gather3A_526] in [0] : vector<16xf32>, vector<16xi32> -> vector<16xf32>
      %mul3A_528 = arith.mulf %get3A_514, %gather3A_527 : vector<16xf32>
      %swap3A_529 = arith.index_cast %add3A_511 : i32 to index
      %swap3A_530 = arith.constant 16 : index
      %swap3A_531 = tpu.vector_load %arg19[%swap3A_529, %swap3A_530] {strides = array<i32>} : memref<80x64xf32, #tpu.memory_space<vmem>>, vector<16xf32>,
      tpu.vector_store %arg19[%swap3A_529, %swap3A_530], %mul3A_528 {strides = array<i32>} : memref<80x64xf32, #tpu.memory_space<vmem>>, vector<16xf32>,
      %mul3A_532 = arith.constant 2 : i32
      %mul3A_533 = arith.muli %mul3A_532, %scan3A_375 : i32
      %add3A_534 = arith.constant 1 : i32
      %add3A_535 = arith.addi %mul3A_533, %add3A_534 : i32
      %get3A_536 = arith.index_cast %add3A_535 : i32 to index
      %get3A_537 = arith.constant 32 : index
      %get3A_538 = tpu.vector_load %arg17[%get3A_536, %get3A_537] {strides = array<i32>} : memref<80x64xf32, #tpu.memory_space<vmem>>, vector<16xf32>,
      %add3A_539 = arith.constant 12 : i32
      %add3A_540 = vector.broadcast %add3A_539 : i32 to vector<16xi32>
      %add3A_541 = arith.addi %add3A_540, %select_n3A : vector<16xi32>
      %lt3A_542 = arith.constant 0 : i32
      %lt3A_543 = vector.broadcast %lt3A_542 : i32 to vector<16xi32>
      %lt3A_544 = arith.cmpi slt, %add3A_541, %lt3A_543 : vector<16xi32>
      %add3A_545 = arith.constant 16 : i32
      %add3A_546 = vector.broadcast %add3A_545 : i32 to vector<16xi32>
      %add3A_547 = arith.addi %add3A_541, %add3A_546 : vector<16xi32>
      %select_n3A_548 = arith.select %lt3A_544, %add3A_547, %add3A_541 : vector<16xi1>, vector<16xi32>
      %reshape3A_549 = vector.shape_cast %select_n3A_548 : vector<16xi32> to vector<16x1xi32>
      %gather3A_550 = vector.shape_cast %reshape3A_549 : vector<16x1xi32> to vector<16xi32>
      %gather3A_551 = tpu.dynamic_gather %exp3A_387[%gather3A_550] in [0] : vector<16xf32>, vector<16xi32> -> vector<16xf32>
      %mul3A_552 = arith.mulf %get3A_538, %gather3A_551 : vector<16xf32>
      %swap3A_553 = arith.index_cast %add3A_535 : i32 to index
      %swap3A_554 = arith.constant 32 : index
      %swap3A_555 = tpu.vector_load %arg19[%swap3A_553, %swap3A_554] {strides = array<i32>} : memref<80x64xf32, #tpu.memory_space<vmem>>, vector<16xf32>,
      tpu.vector_store %arg19[%swap3A_553, %swap3A_554], %mul3A_552 {strides = array<i32>} : memref<80x64xf32, #tpu.memory_space<vmem>>, vector<16xf32>,
      %mul3A_556 = arith.constant 2 : i32
      %mul3A_557 = arith.muli %mul3A_556, %scan3A_375 : i32
      %add3A_558 = arith.constant 1 : i32
      %add3A_559 = arith.addi %mul3A_557, %add3A_558 : i32
      %get3A_560 = arith.index_cast %add3A_559 : i32 to index
      %get3A_561 = arith.constant 48 : index
      %get3A_562 = tpu.vector_load %arg17[%get3A_560, %get3A_561] {strides = array<i32>} : memref<80x64xf32, #tpu.memory_space<vmem>>, vector<16xf32>,
      %add3A_563 = arith.constant 14 : i32
      %add3A_564 = vector.broadcast %add3A_563 : i32 to vector<16xi32>
      %add3A_565 = arith.addi %add3A_564, %select_n3A : vector<16xi32>
      %lt3A_566 = arith.constant 0 : i32
      %lt3A_567 = vector.broadcast %lt3A_566 : i32 to vector<16xi32>
      %lt3A_568 = arith.cmpi slt, %add3A_565, %lt3A_567 : vector<16xi32>
      %add3A_569 = arith.constant 16 : i32
      %add3A_570 = vector.broadcast %add3A_569 : i32 to vector<16xi32>
      %add3A_571 = arith.addi %add3A_565, %add3A_570 : vector<16xi32>
      %select_n3A_572 = arith.select %lt3A_568, %add3A_571, %add3A_565 : vector<16xi1>, vector<16xi32>
      %reshape3A_573 = vector.shape_cast %select_n3A_572 : vector<16xi32> to vector<16x1xi32>
      %gather3A_574 = vector.shape_cast %reshape3A_573 : vector<16x1xi32> to vector<16xi32>
      %gather3A_575 = tpu.dynamic_gather %exp3A_387[%gather3A_574] in [0] : vector<16xf32>, vector<16xi32> -> vector<16xf32>
      %mul3A_576 = arith.mulf %get3A_562, %gather3A_575 : vector<16xf32>
      %swap3A_577 = arith.index_cast %add3A_559 : i32 to index
      %swap3A_578 = arith.constant 48 : index
      %swap3A_579 = tpu.vector_load %arg19[%swap3A_577, %swap3A_578] {strides = array<i32>} : memref<80x64xf32, #tpu.memory_space<vmem>>, vector<16xf32>,
      tpu.vector_store %arg19[%swap3A_577, %swap3A_578], %mul3A_576 {strides = array<i32>} : memref<80x64xf32, #tpu.memory_space<vmem>>, vector<16xf32>,
    }
    %scan3A_131 = arith.constant 40 : i32
    %dma_start3A_132 = arith.constant 124 : i32
    %dma_start3A_133 = arith.constant 0 : i32
    %dma_start3A_134 = tpu.memref_slice %arg14[%dma_start3A_132, %dma_start3A_133] : memref<125x80xi32, #tpu.memory_space<vmem>> -> memref<1x80xi32, #tpu.memory_space<vmem>>
    %dma_start3A_135 = tpu.memref_squeeze %dma_start3A_134 : memref<1x80xi32, #tpu.memory_space<vmem>> -> memref<80xi32, #tpu.memory_space<vmem>>
    %dma_start3A_136 = arith.constant 0 : i32
    %dma_start3A_137 = arith.constant 0 : i32
    %dma_start3A_138 = tpu.memref_slice %arg12[%dma_start3A_136, %dma_start3A_137] : memref<10240x8xf32, #tpu.memory_space<vmem_shared>> -> memref<10240x8xf32, #tpu.memory_space<vmem_shared>>
    tpu.enqueue_indirect_dma source(%arg18 : memref<80x8xf32, #tpu.memory_space<vmem>>) target(%dma_start3A_138 : memref<10240x8xf32, #tpu.memory_space<vmem_shared>>) offsets(%dma_start3A_135 : memref<80xi32, #tpu.memory_space<vmem>>) semaphore(%arg27 : memref<!tpu.dma_semaphore, #tpu.memory_space<semaphore_mem>>) {add = true}
    %dma_start3A_139 = arith.constant 124 : i32
    %dma_start3A_140 = arith.constant 0 : i32
    %dma_start3A_141 = tpu.memref_slice %arg14[%dma_start3A_139, %dma_start3A_140] : memref<125x80xi32, #tpu.memory_space<vmem>> -> memref<1x80xi32, #tpu.memory_space<vmem>>
    %dma_start3A_142 = tpu.memref_squeeze %dma_start3A_141 : memref<1x80xi32, #tpu.memory_space<vmem>> -> memref<80xi32, #tpu.memory_space<vmem>>
    %dma_start3A_143 = arith.constant 0 : i32
    %dma_start3A_144 = arith.constant 0 : i32
    %dma_start3A_145 = tpu.memref_slice %arg11[%dma_start3A_143, %dma_start3A_144] : memref<10240x64xf32, #tpu.memory_space<vmem_shared>> -> memref<10240x64xf32, #tpu.memory_space<vmem_shared>>
    tpu.enqueue_indirect_dma source(%arg19 : memref<80x64xf32, #tpu.memory_space<vmem>>) target(%dma_start3A_145 : memref<10240x64xf32, #tpu.memory_space<vmem_shared>>) offsets(%dma_start3A_142 : memref<80xi32, #tpu.memory_space<vmem>>) semaphore(%arg27 : memref<!tpu.dma_semaphore, #tpu.memory_space<semaphore_mem>>) {add = true}
    %dma_wait3A_146 = arith.constant 0 : i32
    %dma_wait3A_147 = arith.constant 0 : i32
    %dma_wait3A_148 = tpu.memref_slice %arg14[%dma_wait3A_146, %dma_wait3A_147] : memref<125x80xi32, #tpu.memory_space<vmem>> -> memref<1x80xi32, #tpu.memory_space<vmem>>
    %dma_wait3A_149 = tpu.memref_squeeze %dma_wait3A_148 : memref<1x80xi32, #tpu.memory_space<vmem>> -> memref<80xi32, #tpu.memory_space<vmem>>
    %dma_wait3A_150 = arith.constant 0 : i32
    %dma_wait3A_151 = arith.constant 0 : i32
    %dma_wait3A_152 = tpu.memref_slice %arg12[%dma_wait3A_150, %dma_wait3A_151] : memref<10240x8xf32, #tpu.memory_space<vmem_shared>> -> memref<10240x8xf32, #tpu.memory_space<vmem_shared>>
    tpu.wait_indirect_dma semaphore(%arg27 : memref<!tpu.dma_semaphore, #tpu.memory_space<semaphore_mem>>) src(%arg18 : memref<80x8xf32, #tpu.memory_space<vmem>>) dst(%dma_wait3A_152 : memref<10240x8xf32, #tpu.memory_space<vmem_shared>>)
    %dma_wait3A_153 = arith.constant 0 : i32
    %dma_wait3A_154 = arith.constant 0 : i32
    %dma_wait3A_155 = tpu.memref_slice %arg14[%dma_wait3A_153, %dma_wait3A_154] : memref<125x80xi32, #tpu.memory_space<vmem>> -> memref<1x80xi32, #tpu.memory_space<vmem>>
    %dma_wait3A_156 = tpu.memref_squeeze %dma_wait3A_155 : memref<1x80xi32, #tpu.memory_space<vmem>> -> memref<80xi32, #tpu.memory_space<vmem>>
    %dma_wait3A_157 = arith.constant 0 : i32
    %dma_wait3A_158 = arith.constant 0 : i32
    %dma_wait3A_159 = tpu.memref_slice %arg11[%dma_wait3A_157, %dma_wait3A_158] : memref<10240x64xf32, #tpu.memory_space<vmem_shared>> -> memref<10240x64xf32, #tpu.memory_space<vmem_shared>>
    tpu.wait_indirect_dma semaphore(%arg27 : memref<!tpu.dma_semaphore, #tpu.memory_space<semaphore_mem>>) src(%arg19 : memref<80x64xf32, #tpu.memory_space<vmem>>) dst(%dma_wait3A_159 : memref<10240x64xf32, #tpu.memory_space<vmem_shared>>)
    %dma_wait3A_160 = arith.constant 0 : i32
    %dma_wait3A_161 = arith.constant 0 : i32
    %dma_wait3A_162 = tpu.memref_slice %arg14[%dma_wait3A_160, %dma_wait3A_161] : memref<125x80xi32, #tpu.memory_space<vmem>> -> memref<1x80xi32, #tpu.memory_space<vmem>>
    %dma_wait3A_163 = tpu.memref_squeeze %dma_wait3A_162 : memref<1x80xi32, #tpu.memory_space<vmem>> -> memref<80xi32, #tpu.memory_space<vmem>>
    %dma_wait3A_164 = arith.constant 0 : i32
    %dma_wait3A_165 = arith.constant 0 : i32
    %dma_wait3A_166 = tpu.memref_slice %arg12[%dma_wait3A_164, %dma_wait3A_165] : memref<10240x8xf32, #tpu.memory_space<vmem_shared>> -> memref<10240x8xf32, #tpu.memory_space<vmem_shared>>
    tpu.wait_indirect_dma semaphore(%arg28 : memref<!tpu.dma_semaphore, #tpu.memory_space<semaphore_mem>>) src(%arg23 : memref<80x8xf32, #tpu.memory_space<vmem>>) dst(%dma_wait3A_166 : memref<10240x8xf32, #tpu.memory_space<vmem_shared>>)
    %dma_wait3A_167 = arith.constant 0 : i32
    %dma_wait3A_168 = arith.constant 0 : i32
    %dma_wait3A_169 = tpu.memref_slice %arg14[%dma_wait3A_167, %dma_wait3A_168] : memref<125x80xi32, #tpu.memory_space<vmem>> -> memref<1x80xi32, #tpu.memory_space<vmem>>
    %dma_wait3A_170 = tpu.memref_squeeze %dma_wait3A_169 : memref<1x80xi32, #tpu.memory_space<vmem>> -> memref<80xi32, #tpu.memory_space<vmem>>
    %dma_wait3A_171 = arith.constant 0 : i32
    %dma_wait3A_172 = arith.constant 0 : i32
    %dma_wait3A_173 = tpu.memref_slice %arg11[%dma_wait3A_171, %dma_wait3A_172] : memref<10240x64xf32, #tpu.memory_space<vmem_shared>> -> memref<10240x64xf32, #tpu.memory_space<vmem_shared>>
    tpu.wait_indirect_dma semaphore(%arg28 : memref<!tpu.dma_semaphore, #tpu.memory_space<semaphore_mem>>) src(%arg24 : memref<80x64xf32, #tpu.memory_space<vmem>>) dst(%dma_wait3A_173 : memref<10240x64xf32, #tpu.memory_space<vmem_shared>>)
    %barrier3A_174 = arith.constant 0 : index
    tpu.barrier barrier_id(%barrier3A_174)
    "tpu.region"() ({
      %run_scoped3A = tpu.sem_alloc : memref<!tpu.dma_semaphore, #tpu.memory_space<semaphore_mem>>
      %dma_start3A_175 = arith.constant 0 : i32
      %dma_start3A_176 = tpu.memref_slice %arg9[%arg0, %mul3A_2, %dma_start3A_175] : memref<2x10240x64xf32, #tpu.memory_space<hbm>> -> memref<1x640x64xf32, #tpu.memory_space<hbm>>
      %dma_start3A_177 = tpu.memref_squeeze %dma_start3A_176 : memref<1x640x64xf32, #tpu.memory_space<hbm>> -> memref<640x64xf32, #tpu.memory_space<hbm>>
      %dma_start3A_178 = arith.constant 0 : i32
      %dma_start3A_179 = tpu.memref_slice %arg11[%mul3A_2, %dma_start3A_178] : memref<10240x64xf32, #tpu.memory_space<vmem_shared>> -> memref<640x64xf32, #tpu.memory_space<vmem_shared>>
      tpu.enqueue_dma source(%dma_start3A_179 : memref<640x64xf32, #tpu.memory_space<vmem_shared>>) target(%dma_start3A_177 : memref<640x64xf32, #tpu.memory_space<hbm>>) target_semaphore(%run_scoped3A : memref<!tpu.dma_semaphore, #tpu.memory_space<semaphore_mem>>)
      %dma_wait3A_180 = arith.constant 0 : i32
      %dma_wait3A_181 = tpu.memref_slice %arg9[%arg0, %mul3A_2, %dma_wait3A_180] : memref<2x10240x64xf32, #tpu.memory_space<hbm>> -> memref<1x640x64xf32, #tpu.memory_space<hbm>>
      %dma_wait3A_182 = tpu.memref_squeeze %dma_wait3A_181 : memref<1x640x64xf32, #tpu.memory_space<hbm>> -> memref<640x64xf32, #tpu.memory_space<hbm>>
      %dma_wait3A_183 = arith.constant 0 : i32
      %dma_wait3A_184 = tpu.memref_slice %arg11[%mul3A_2, %dma_wait3A_183] : memref<10240x64xf32, #tpu.memory_space<vmem_shared>> -> memref<640x64xf32, #tpu.memory_space<vmem_shared>>
      tpu.wait_dma2 semaphore(%run_scoped3A : memref<!tpu.dma_semaphore, #tpu.memory_space<semaphore_mem>>) src(%dma_wait3A_184 : memref<640x64xf32, #tpu.memory_space<vmem_shared>>) dst(%dma_wait3A_182 : memref<640x64xf32, #tpu.memory_space<hbm>>)
      tpu.yield
    }) : () -> ()
    "tpu.region"() ({
      %run_scoped3A = tpu.sem_alloc : memref<!tpu.dma_semaphore, #tpu.memory_space<semaphore_mem>>
      %dma_start3A_175 = arith.constant 0 : i32
      %dma_start3A_176 = tpu.memref_slice %arg10[%arg0, %mul3A_2, %dma_start3A_175] : memref<2x10240x8xf32, #tpu.memory_space<hbm>> -> memref<1x640x8xf32, #tpu.memory_space<hbm>>
      %dma_start3A_177 = tpu.memref_squeeze %dma_start3A_176 : memref<1x640x8xf32, #tpu.memory_space<hbm>> -> memref<640x8xf32, #tpu.memory_space<hbm>>
      %dma_start3A_178 = arith.constant 0 : i32
      %dma_start3A_179 = tpu.memref_slice %arg12[%mul3A_2, %dma_start3A_178] : memref<10240x8xf32, #tpu.memory_space<vmem_shared>> -> memref<640x8xf32, #tpu.memory_space<vmem_shared>>
      tpu.enqueue_dma source(%dma_start3A_179 : memref<640x8xf32, #tpu.memory_space<vmem_shared>>) target(%dma_start3A_177 : memref<640x8xf32, #tpu.memory_space<hbm>>) target_semaphore(%run_scoped3A : memref<!tpu.dma_semaphore, #tpu.memory_space<semaphore_mem>>)
      %dma_wait3A_180 = arith.constant 0 : i32
      %dma_wait3A_181 = tpu.memref_slice %arg10[%arg0, %mul3A_2, %dma_wait3A_180] : memref<2x10240x8xf32, #tpu.memory_space<hbm>> -> memref<1x640x8xf32, #tpu.memory_space<hbm>>
      %dma_wait3A_182 = tpu.memref_squeeze %dma_wait3A_181 : memref<1x640x8xf32, #tpu.memory_space<hbm>> -> memref<640x8xf32, #tpu.memory_space<hbm>>
      %dma_wait3A_183 = arith.constant 0 : i32
      %dma_wait3A_184 = tpu.memref_slice %arg12[%mul3A_2, %dma_wait3A_183] : memref<10240x8xf32, #tpu.memory_space<vmem_shared>> -> memref<640x8xf32, #tpu.memory_space<vmem_shared>>
      tpu.wait_dma2 semaphore(%run_scoped3A : memref<!tpu.dma_semaphore, #tpu.memory_space<semaphore_mem>>) src(%dma_wait3A_184 : memref<640x8xf32, #tpu.memory_space<vmem_shared>>) dst(%dma_wait3A_182 : memref<640x8xf32, #tpu.memory_space<hbm>>)
      tpu.yield
    }) : () -> ()
    return
  }
}

module attributes {stable_mosaic.version = 14 : i64} {
  func.func @_dense1_body(%arg0: memref<10000x128xf32, #tpu.memory_space<vmem>>, %arg1: memref<128x64xf32, #tpu.memory_space<vmem>>, %arg2: memref<64x8xf32, #tpu.memory_space<vmem>>, %arg3: memref<64x8xf32, #tpu.memory_space<vmem>>, %arg4: memref<10000x64xf32, #tpu.memory_space<vmem>>, %arg5: memref<10000x8xf32, #tpu.memory_space<vmem>>, %arg6: memref<10000x8xf32, #tpu.memory_space<vmem>>) attributes {dimension_semantics = [], scalar_prefetch = 0 : i64, scratch_operands = 0 : i64, tpu.core_type = #tpu.core_type<tc>} {
    %get3A = arith.constant 0 : index
    %get3A_0 = arith.constant 0 : index
    %get3A_1 = vector.load %arg0[%get3A, %get3A_0] : memref<10000x128xf32, #tpu.memory_space<vmem>>, vector<10000x128xf32>
    %get3A_2 = arith.constant 0 : index
    %get3A_3 = arith.constant 0 : index
    %get3A_4 = vector.load %arg1[%get3A_2, %get3A_3] : memref<128x64xf32, #tpu.memory_space<vmem>>, vector<128x64xf32>
    %dot_general3A = arith.constant dense<0.000000e+00> : vector<10000x64xf32>
    %dot_general3A_5 = tpu.matmul %get3A_1, %get3A_4, %dot_general3A {dimension_numbers = #tpu.dot_dimension_numbers<[1], [0], [0], [1], [0, 0, 1, 1], [], []>, transpose_lhs_hint = false} : vector<10000x128xf32>, vector<128x64xf32>, vector<10000x64xf32> -> vector<10000x64xf32>
    %swap3A = arith.constant 0 : index
    %swap3A_6 = arith.constant 0 : index
    %swap3A_7 = vector.load %arg4[%swap3A, %swap3A_6] : memref<10000x64xf32, #tpu.memory_space<vmem>>, vector<10000x64xf32>
    tpu.vector_store %arg4[%swap3A, %swap3A_6], %dot_general3A_5 {strides = array<i32>} : memref<10000x64xf32, #tpu.memory_space<vmem>>, vector<10000x64xf32>,
    %get3A_8 = arith.constant 0 : index
    %get3A_9 = arith.constant 0 : index
    %get3A_10 = vector.load %arg2[%get3A_8, %get3A_9] : memref<64x8xf32, #tpu.memory_space<vmem>>, vector<64x8xf32>
    %dot_general3A_11 = arith.constant dense<0.000000e+00> : vector<10000x8xf32>
    %dot_general3A_12 = tpu.matmul %dot_general3A_5, %get3A_10, %dot_general3A_11 {dimension_numbers = #tpu.dot_dimension_numbers<[1], [0], [0], [1], [0, 0, 1, 1], [], []>, transpose_lhs_hint = false} : vector<10000x64xf32>, vector<64x8xf32>, vector<10000x8xf32> -> vector<10000x8xf32>
    %swap3A_13 = arith.constant 0 : index
    %swap3A_14 = arith.constant 0 : index
    %swap3A_15 = vector.load %arg5[%swap3A_13, %swap3A_14] : memref<10000x8xf32, #tpu.memory_space<vmem>>, vector<10000x8xf32>
    tpu.vector_store %arg5[%swap3A_13, %swap3A_14], %dot_general3A_12 {strides = array<i32>} : memref<10000x8xf32, #tpu.memory_space<vmem>>, vector<10000x8xf32>,
    %get3A_16 = arith.constant 0 : index
    %get3A_17 = arith.constant 0 : index
    %get3A_18 = vector.load %arg3[%get3A_16, %get3A_17] : memref<64x8xf32, #tpu.memory_space<vmem>>, vector<64x8xf32>
    %dot_general3A_19 = arith.constant dense<0.000000e+00> : vector<10000x8xf32>
    %dot_general3A_20 = tpu.matmul %dot_general3A_5, %get3A_18, %dot_general3A_19 {dimension_numbers = #tpu.dot_dimension_numbers<[1], [0], [0], [1], [0, 0, 1, 1], [], []>, transpose_lhs_hint = false} : vector<10000x64xf32>, vector<64x8xf32>, vector<10000x8xf32> -> vector<10000x8xf32>
    %swap3A_21 = arith.constant 0 : index
    %swap3A_22 = arith.constant 0 : index
    %swap3A_23 = vector.load %arg6[%swap3A_21, %swap3A_22] : memref<10000x8xf32, #tpu.memory_space<vmem>>, vector<10000x8xf32>
    tpu.vector_store %arg6[%swap3A_21, %swap3A_22], %dot_general3A_20 {strides = array<i32>} : memref<10000x8xf32, #tpu.memory_space<vmem>>, vector<10000x8xf32>,
    return
  }
}

module attributes {stable_mosaic.version = 14 : i64} {
  func.func @_combine_body(%arg0: i32, %arg1: memref<2x1000x64xf32, #tpu.memory_space<vmem>>, %arg2: memref<2x1000x8xf32, #tpu.memory_space<vmem>>, %arg3: memref<1000x64xf32, #tpu.memory_space<vmem>>, %arg4: memref<1000x8xf32, #tpu.memory_space<vmem>>, %arg5: memref<1000x8xf32, #tpu.memory_space<vmem>>, %arg6: memref<1x64xf32, #tpu.memory_space<vmem>>, %arg7: memref<8x64xf32, #tpu.memory_space<vmem>>, %arg8: memref<64x1xf32, #tpu.memory_space<vmem>>, %arg9: memref<1x1xf32, #tpu.memory_space<vmem>>, %arg10: memref<1x1xf32, #tpu.memory_space<vmem>>, %arg11: memref<1000x1xf32, #tpu.memory_space<vmem>>, %arg12: memref<1000x1xf32, #tpu.memory_space<vmem>>, %arg13: memref<1000x1xf32, #tpu.memory_space<vmem>>) attributes {dimension_semantics = [#tpu.dimension_semantics<arbitrary>], iteration_bounds = array<i64: 10>, scalar_prefetch = 0 : i64, scratch_operands = 0 : i64, tpu.core_type = #tpu.core_type<tc>, window_params = [{transform_indices = @transform_0, window_bounds = array<i64: 2, 1000, 64>}, {transform_indices = @transform_1, window_bounds = array<i64: 2, 1000, 8>}, {transform_indices = @transform_2, window_bounds = array<i64: 1000, 64>}, {transform_indices = @transform_3, window_bounds = array<i64: 1000, 8>}, {transform_indices = @transform_4, window_bounds = array<i64: 1000, 8>}, {pipeline_mode = #tpu.pipeline_mode<synchronous>, transform_indices = @transform_5, window_bounds = array<i64: 1, 64>}, {pipeline_mode = #tpu.pipeline_mode<synchronous>, transform_indices = @transform_6, window_bounds = array<i64: 8, 64>}, {pipeline_mode = #tpu.pipeline_mode<synchronous>, transform_indices = @transform_7, window_bounds = array<i64: 64, 1>}, {pipeline_mode = #tpu.pipeline_mode<synchronous>, transform_indices = @transform_8, window_bounds = array<i64: 1, 1>}, {pipeline_mode = #tpu.pipeline_mode<synchronous>, transform_indices = @transform_9, window_bounds = array<i64: 1, 1>}, {transform_indices = @transform_10, window_bounds = array<i64: 1000, 1>}, {transform_indices = @transform_11, window_bounds = array<i64: 1000, 1>}, {transform_indices = @transform_12, window_bounds = array<i64: 1000, 1>}]} {
    %get3A = arith.constant 0 : index
    %get3A_0 = arith.constant 0 : index
    %get3A_1 = vector.load %arg3[%get3A, %get3A_0] : memref<1000x64xf32, #tpu.memory_space<vmem>>, vector<1000x64xf32>
    %get3A_2 = arith.constant 0 : index
    %get3A_3 = arith.constant 0 : index
    %get3A_4 = vector.load %arg4[%get3A_2, %get3A_3] : memref<1000x8xf32, #tpu.memory_space<vmem>>, vector<1000x8xf32>
    %get3A_5 = arith.constant 0 : index
    %get3A_6 = arith.constant 0 : index
    %get3A_7 = vector.load %arg5[%get3A_5, %get3A_6] : memref<1000x8xf32, #tpu.memory_space<vmem>>, vector<1000x8xf32>
    %add3A = arith.addf %get3A_4, %get3A_7 : vector<1000x8xf32>
    %mul3A = arith.constant 2.000000e-01 : f32
    %mul3A_8 = vector.broadcast %mul3A : f32 to vector<1000x8xf32>
    %mul3A_9 = arith.mulf %mul3A_8, %add3A : vector<1000x8xf32>
    %max3A = arith.maximumf %add3A, %mul3A_9 : vector<1000x8xf32>
    %exp3A = math.exp %max3A : vector<1000x8xf32>
    %get3A_10 = arith.constant 0 : index
    %get3A_11 = arith.constant 0 : index
    %get3A_12 = arith.constant 0 : index
    %get3A_13 = vector.load %arg2[%get3A_10, %get3A_11, %get3A_12] : memref<2x1000x8xf32, #tpu.memory_space<vmem>>, vector<1x1000x8xf32>
    %get3A_14 = vector.shape_cast %get3A_13 : vector<1x1000x8xf32> to vector<1000x8xf32>
    %get3A_15 = arith.constant 1 : index
    %get3A_16 = arith.constant 0 : index
    %get3A_17 = arith.constant 0 : index
    %get3A_18 = vector.load %arg2[%get3A_15, %get3A_16, %get3A_17] : memref<2x1000x8xf32, #tpu.memory_space<vmem>>, vector<1x1000x8xf32>
    %get3A_19 = vector.shape_cast %get3A_18 : vector<1x1000x8xf32> to vector<1000x8xf32>
    %add3A_20 = arith.addf %get3A_14, %get3A_19 : vector<1000x8xf32>
    %add3A_21 = arith.addf %add3A_20, %exp3A : vector<1000x8xf32>
    %get3A_22 = arith.constant 0 : index
    %get3A_23 = arith.constant 0 : index
    %get3A_24 = vector.load %arg7[%get3A_22, %get3A_23] : memref<8x64xf32, #tpu.memory_space<vmem>>, vector<8x64xf32>
    %dot_general3A = arith.constant dense<0.000000e+00> : vector<1000x64xf32>
    %dot_general3A_25 = tpu.matmul %exp3A, %get3A_24, %dot_general3A {dimension_numbers = #tpu.dot_dimension_numbers<[1], [0], [0], [1], [0, 0, 1, 1], [], []>, transpose_lhs_hint = false} : vector<1000x8xf32>, vector<8x64xf32>, vector<1000x64xf32> -> vector<1000x64xf32>
    %get3A_26 = arith.constant 0 : index
    %get3A_27 = arith.constant 0 : index
    %get3A_28 = arith.constant 0 : index
    %get3A_29 = vector.load %arg1[%get3A_26, %get3A_27, %get3A_28] : memref<2x1000x64xf32, #tpu.memory_space<vmem>>, vector<1x1000x64xf32>
    %get3A_30 = vector.shape_cast %get3A_29 : vector<1x1000x64xf32> to vector<1000x64xf32>
    %get3A_31 = arith.constant 1 : index
    %get3A_32 = arith.constant 0 : index
    %get3A_33 = arith.constant 0 : index
    %get3A_34 = vector.load %arg1[%get3A_31, %get3A_32, %get3A_33] : memref<2x1000x64xf32, #tpu.memory_space<vmem>>, vector<1x1000x64xf32>
    %get3A_35 = vector.shape_cast %get3A_34 : vector<1x1000x64xf32> to vector<1000x64xf32>
    %add3A_36 = arith.addf %get3A_30, %get3A_35 : vector<1000x64xf32>
    %mul3A_37 = arith.mulf %dot_general3A_25, %get3A_1 : vector<1000x64xf32>
    %add3A_38 = arith.addf %add3A_36, %mul3A_37 : vector<1000x64xf32>
    %get3A_39 = arith.constant 0 : index
    %get3A_40 = arith.constant 0 : index
    %get3A_41 = vector.load %arg7[%get3A_39, %get3A_40] : memref<8x64xf32, #tpu.memory_space<vmem>>, vector<8x64xf32>
    %dot_general3A_42 = arith.constant dense<0.000000e+00> : vector<1000x64xf32>
    %dot_general3A_43 = tpu.matmul %add3A_21, %get3A_41, %dot_general3A_42 {dimension_numbers = #tpu.dot_dimension_numbers<[1], [0], [0], [1], [0, 0, 1, 1], [], []>, transpose_lhs_hint = false} : vector<1000x8xf32>, vector<8x64xf32>, vector<1000x64xf32> -> vector<1000x64xf32>
    %add3A_44 = arith.constant 1.000000e-16 : f32
    %add3A_45 = vector.broadcast %add3A_44 : f32 to vector<1000x64xf32>
    %add3A_46 = arith.addf %dot_general3A_43, %add3A_45 : vector<1000x64xf32>
    %div3A = arith.divf %add3A_38, %add3A_46 : vector<1000x64xf32>
    %get3A_47 = arith.constant 0 : index
    %get3A_48 = arith.constant 0 : index
    %get3A_49 = vector.load %arg6[%get3A_47, %get3A_48] : memref<1x64xf32, #tpu.memory_space<vmem>>, vector<1x64xf32>
    %add3A_50 = vector.broadcast %get3A_49 : vector<1x64xf32> to vector<1000x64xf32>
    %add3A_51 = arith.addf %div3A, %add3A_50 : vector<1000x64xf32>
    %max3A_52 = arith.constant 0.000000e+00 : f32
    %max3A_53 = vector.broadcast %max3A_52 : f32 to vector<1000x64xf32>
    %max3A_54 = arith.maximumf %add3A_51, %max3A_53 : vector<1000x64xf32>
    %get3A_55 = arith.constant 0 : index
    %get3A_56 = arith.constant 0 : index
    %get3A_57 = vector.load %arg8[%get3A_55, %get3A_56] : memref<64x1xf32, #tpu.memory_space<vmem>>, vector<64x1xf32>
    %dot_general3A_58 = arith.constant dense<0.000000e+00> : vector<1000x1xf32>
    %dot_general3A_59 = tpu.matmul %max3A_54, %get3A_57, %dot_general3A_58 {dimension_numbers = #tpu.dot_dimension_numbers<[1], [0], [0], [1], [0, 0, 1, 1], [], []>, transpose_lhs_hint = false} : vector<1000x64xf32>, vector<64x1xf32>, vector<1000x1xf32> -> vector<1000x1xf32>
    %swap3A = arith.constant 0 : index
    %swap3A_60 = arith.constant 0 : index
    %swap3A_61 = vector.load %arg11[%swap3A, %swap3A_60] : memref<1000x1xf32, #tpu.memory_space<vmem>>, vector<1000x1xf32>
    tpu.vector_store %arg11[%swap3A, %swap3A_60], %dot_general3A_59 {strides = array<i32>} : memref<1000x1xf32, #tpu.memory_space<vmem>>, vector<1000x1xf32>,
    %get3A_62 = arith.constant 0 : index
    %get3A_63 = arith.constant 0 : index
    %get3A_64 = vector.load %arg9[%get3A_62, %get3A_63] : memref<1x1xf32, #tpu.memory_space<vmem>>, vector<1x1xf32>
    %mul3A_65 = vector.broadcast %get3A_64 : vector<1x1xf32> to vector<1000x1xf32>
    %mul3A_66 = arith.mulf %dot_general3A_59, %mul3A_65 : vector<1000x1xf32>
    %swap3A_67 = arith.constant 0 : index
    %swap3A_68 = arith.constant 0 : index
    %swap3A_69 = vector.load %arg12[%swap3A_67, %swap3A_68] : memref<1000x1xf32, #tpu.memory_space<vmem>>, vector<1000x1xf32>
    tpu.vector_store %arg12[%swap3A_67, %swap3A_68], %mul3A_66 {strides = array<i32>} : memref<1000x1xf32, #tpu.memory_space<vmem>>, vector<1000x1xf32>,
    %get3A_70 = arith.constant 0 : index
    %get3A_71 = arith.constant 0 : index
    %get3A_72 = vector.load %arg10[%get3A_70, %get3A_71] : memref<1x1xf32, #tpu.memory_space<vmem>>, vector<1x1xf32>
    %mul3A_73 = vector.broadcast %get3A_72 : vector<1x1xf32> to vector<1000x1xf32>
    %mul3A_74 = arith.mulf %dot_general3A_59, %mul3A_73 : vector<1000x1xf32>
    %swap3A_75 = arith.constant 0 : index
    %swap3A_76 = arith.constant 0 : index
    %swap3A_77 = vector.load %arg13[%swap3A_75, %swap3A_76] : memref<1000x1xf32, #tpu.memory_space<vmem>>, vector<1000x1xf32>
    tpu.vector_store %arg13[%swap3A_75, %swap3A_76], %mul3A_74 {strides = array<i32>} : memref<1000x1xf32, #tpu.memory_space<vmem>>, vector<1000x1xf32>,
    return
  }
  func.func @transform_0(%arg0: i32) -> (i32, i32, i32) {
    %c0_i32 = arith.constant 0 : i32
    %c0_i32_0 = arith.constant 0 : i32
    %c0_i32_1 = arith.constant 0 : i32
    return %c0_i32, %arg0, %c0_i32_0 : i32, i32, i32
  }
  func.func @transform_1(%arg0: i32) -> (i32, i32, i32) {
    %c0_i32 = arith.constant 0 : i32
    %c0_i32_0 = arith.constant 0 : i32
    %c0_i32_1 = arith.constant 0 : i32
    return %c0_i32, %arg0, %c0_i32_0 : i32, i32, i32
  }
  func.func @transform_2(%arg0: i32) -> (i32, i32) {
    %c0_i32 = arith.constant 0 : i32
    %c0_i32_0 = arith.constant 0 : i32
    return %arg0, %c0_i32 : i32, i32
  }
  func.func @transform_3(%arg0: i32) -> (i32, i32) {
    %c0_i32 = arith.constant 0 : i32
    %c0_i32_0 = arith.constant 0 : i32
    return %arg0, %c0_i32 : i32, i32
  }
  func.func @transform_4(%arg0: i32) -> (i32, i32) {
    %c0_i32 = arith.constant 0 : i32
    %c0_i32_0 = arith.constant 0 : i32
    return %arg0, %c0_i32 : i32, i32
  }
  func.func @transform_5(%arg0: i32) -> (i32, i32) {
    %c0_i32 = arith.constant 0 : i32
    %c0_i32_0 = arith.constant 0 : i32
    %c0_i32_1 = arith.constant 0 : i32
    return %c0_i32, %c0_i32_0 : i32, i32
  }
  func.func @transform_6(%arg0: i32) -> (i32, i32) {
    %c0_i32 = arith.constant 0 : i32
    %c0_i32_0 = arith.constant 0 : i32
    %c0_i32_1 = arith.constant 0 : i32
    return %c0_i32, %c0_i32_0 : i32, i32
  }
  func.func @transform_7(%arg0: i32) -> (i32, i32) {
    %c0_i32 = arith.constant 0 : i32
    %c0_i32_0 = arith.constant 0 : i32
    %c0_i32_1 = arith.constant 0 : i32
    return %c0_i32, %c0_i32_0 : i32, i32
  }
  func.func @transform_8(%arg0: i32) -> (i32, i32) {
    %c0_i32 = arith.constant 0 : i32
    %c0_i32_0 = arith.constant 0 : i32
    %c0_i32_1 = arith.constant 0 : i32
    return %c0_i32, %c0_i32_0 : i32, i32
  }
  func.func @transform_9(%arg0: i32) -> (i32, i32) {
    %c0_i32 = arith.constant 0 : i32
    %c0_i32_0 = arith.constant 0 : i32
    %c0_i32_1 = arith.constant 0 : i32
    return %c0_i32, %c0_i32_0 : i32, i32
  }
  func.func @transform_10(%arg0: i32) -> (i32, i32) {
    %c0_i32 = arith.constant 0 : i32
    %c0_i32_0 = arith.constant 0 : i32
    return %arg0, %c0_i32 : i32, i32
  }
  func.func @transform_11(%arg0: i32) -> (i32, i32) {
    %c0_i32 = arith.constant 0 : i32
    %c0_i32_0 = arith.constant 0 : i32
    return %arg0, %c0_i32 : i32, i32
  }
  func.func @transform_12(%arg0: i32) -> (i32, i32) {
    %c0_i32 = arith.constant 0 : i32
    %c0_i32_0 = arith.constant 0 : i32
    return %arg0, %c0_i32 : i32, i32
  }
}

module attributes {stable_mosaic.version = 14 : i64} {
  func.func @_final_body(%arg0: memref<32x10000xf32, #tpu.memory_space<vmem>>, %arg1: memref<32x10000xf32, #tpu.memory_space<vmem>>, %arg2: memref<1x10000xf32, #tpu.memory_space<vmem>>, %arg3: memref<1x10000xf32, #tpu.memory_space<vmem>>, %arg4: memref<1x10000xf32, #tpu.memory_space<vmem>>, %arg5: memref<1x1xf32, #tpu.memory_space<vmem>>, %arg6: memref<1x1xf32, #tpu.memory_space<vmem>>) attributes {dimension_semantics = [], scalar_prefetch = 0 : i64, scratch_operands = 0 : i64, tpu.core_type = #tpu.core_type<tc>} {
    %get3A = arith.constant 0 : index
    %get3A_0 = arith.constant 0 : index
    %get3A_1 = vector.load %arg2[%get3A, %get3A_0] : memref<1x10000xf32, #tpu.memory_space<vmem>>, vector<1x10000xf32>
    %get3A_2 = arith.constant 0 : index
    %get3A_3 = arith.constant 0 : index
    %get3A_4 = vector.load %arg3[%get3A_2, %get3A_3] : memref<1x10000xf32, #tpu.memory_space<vmem>>, vector<1x10000xf32>
    %add3A = arith.addf %get3A_1, %get3A_4 : vector<1x10000xf32>
    %mul3A = arith.constant 2.000000e-01 : f32
    %mul3A_5 = vector.broadcast %mul3A : f32 to vector<1x10000xf32>
    %mul3A_6 = arith.mulf %mul3A_5, %add3A : vector<1x10000xf32>
    %max3A = arith.maximumf %add3A, %mul3A_6 : vector<1x10000xf32>
    %exp3A = math.exp %max3A : vector<1x10000xf32>
    %get3A_7 = arith.constant 0 : index
    %get3A_8 = arith.constant 0 : index
    %get3A_9 = vector.load %arg0[%get3A_7, %get3A_8] : memref<32x10000xf32, #tpu.memory_space<vmem>>, vector<32x10000xf32>
    %reduce_sum3A = arith.constant dense<0.000000e+00> : vector<10000xf32>
    %reduce_sum3A_10 = vector.multi_reduction <add>, %get3A_9, %reduce_sum3A [0] : vector<32x10000xf32> to vector<10000xf32>
    %broadcast_in_dim3A = vector.shape_cast %reduce_sum3A_10 : vector<10000xf32> to vector<1x10000xf32>
    %get3A_11 = arith.constant 0 : index
    %get3A_12 = arith.constant 0 : index
    %get3A_13 = vector.load %arg4[%get3A_11, %get3A_12] : memref<1x10000xf32, #tpu.memory_space<vmem>>, vector<1x10000xf32>
    %mul3A_14 = arith.mulf %exp3A, %get3A_13 : vector<1x10000xf32>
    %add3A_15 = arith.addf %broadcast_in_dim3A, %mul3A_14 : vector<1x10000xf32>
    %get3A_16 = arith.constant 0 : index
    %get3A_17 = arith.constant 0 : index
    %get3A_18 = vector.load %arg1[%get3A_16, %get3A_17] : memref<32x10000xf32, #tpu.memory_space<vmem>>, vector<32x10000xf32>
    %reduce_sum3A_19 = arith.constant dense<0.000000e+00> : vector<10000xf32>
    %reduce_sum3A_20 = vector.multi_reduction <add>, %get3A_18, %reduce_sum3A_19 [0] : vector<32x10000xf32> to vector<10000xf32>
    %broadcast_in_dim3A_21 = vector.shape_cast %reduce_sum3A_20 : vector<10000xf32> to vector<1x10000xf32>
    %add3A_22 = arith.addf %broadcast_in_dim3A_21, %exp3A : vector<1x10000xf32>
    %add3A_23 = arith.constant 1.000000e-16 : f32
    %add3A_24 = vector.broadcast %add3A_23 : f32 to vector<1x10000xf32>
    %add3A_25 = arith.addf %add3A_22, %add3A_24 : vector<1x10000xf32>
    %div3A = arith.divf %add3A_15, %add3A_25 : vector<1x10000xf32>
    %reduce_sum3A_26 = arith.constant dense<0.000000e+00> : vector<1xf32>
    %reduce_sum3A_27 = vector.multi_reduction <add>, %div3A, %reduce_sum3A_26 [1] : vector<1x10000xf32> to vector<1xf32>
    %broadcast_in_dim3A_28 = vector.shape_cast %reduce_sum3A_27 : vector<1xf32> to vector<1x1xf32>
    %div3A_29 = arith.constant 1.000000e+04 : f32
    %div3A_30 = vector.broadcast %div3A_29 : f32 to vector<1x1xf32>
    %div3A_31 = arith.divf %broadcast_in_dim3A_28, %div3A_30 : vector<1x1xf32>
    %get3A_32 = arith.constant 0 : index
    %get3A_33 = arith.constant 0 : index
    %get3A_34 = vector.load %arg5[%get3A_32, %get3A_33] : memref<1x1xf32, #tpu.memory_space<vmem>>, vector<1x1xf32>
    %add3A_35 = arith.addf %div3A_31, %get3A_34 : vector<1x1xf32>
    %swap3A = arith.constant 0 : index
    %swap3A_36 = arith.constant 0 : index
    %swap3A_37 = vector.load %arg6[%swap3A, %swap3A_36] : memref<1x1xf32, #tpu.memory_space<vmem>>, vector<1x1xf32>
    tpu.vector_store %arg6[%swap3A, %swap3A_36], %add3A_35 {strides = array<i32>} : memref<1x1xf32, #tpu.memory_space<vmem>>, vector<1x1xf32>,
    return
  }
}

</mosaic_0001>

<sc_bundles>
// kernel: kernel.10.cloned.1.call-start
scs
__scs_entry_jumppad:
0x0: {  	(pc) =	sbr.rel $0x88, $3  }
0x1: {  	(tag) =	ssettag $0x0;
	lr =	simm.s32 $0x1  }
0x2: {  	[smem:$0x3F97] =	sst lr;
	_ =	strace $0xD0000000  }
0x3: {  	_ = 	snop  }
0x4: {  	_ = 	snop  }
0x5: {  	_ = 	snop  }
0x6: {  	_ = 	snop  }
0x7: {  	_ = 	snop  }
__scs_overlays_trampoline_lowered:
0x8: {  	[smem:$0x3FA6] =	sst s0  }
0x9: {  	[smem:$0x3FA7] =	sst s1  }
0xa: {  	[smem:$0x3FA8] =	sst s2  }
0xb: {  	[smem:$0x3FA9] =	sst s3  }
0xc: {  	[smem:$0x3FAA] =	sst s4  }
0xd: {  	[smem:$0x3FAB] =	sst s5  }
0xe: {  	[smem:$0x3FAC] =	sst s6  }
0xf: {  	[smem:$0x3FAD] =	sst s7  }
0x10: {  	[smem:$0x3FAE] =	sst s8  }
0x11: {  	[smem:$0x3FAF] =	sst s9;
	s0 =	simm.s32 @!p0 $0x0  }
0x12: {  	s1 =	sld [smem:$0x3F95];
	s0 =	simm.s32 @p0 $0x1  }
0x13: {  	[smem:$0x3FB0] =	sst s0;
	s0 =	simm.s32 @!p1 $0x0  }
0x14: {  	s2 =	sld [smem:$0x3F94];
	s0 =	simm.s32 @p1 $0x1  }
0x15: {  	[smem:$0x3FB1] =	sst s0;
	s0 =	simm.s32 @!p2 $0x0  }
0x16: {  	s3 =	sld [smem:$0x3FDB];
	s0 =	simm.s32 @p2 $0x1  }
0x17: {  	s4 =	simm.s32 $0x1BF5;
	[smem:$0x3FB3] =	sst s0  }
0x18: {  	s0 =	sld [smem:$0x3F96];
	_ =	swait.ge [sflag:s4], $0x0  }
0x19: {  	s7 =	sld [smem:$0x3F97]  }
0x1a: {  	s8 =	sadd.s32 $0xFFFFE003, lr  }
0x1b: {  	s9 =	sadd.s32 $0xFFFFFEF7, lr;
	s5 =	simm.s32 $0xFFFFFFFF;
	p2 =	slt.u32 s8, $0xFFFFF086  }
0x1c: {  	p1 =	slt.u32 s9, $0xF7A;
	s5 =	simm.s32 @!p2 $0x0  }
0x1d: {  	s5 =	simm.s32 @p1 $0x1;
	p0 =	seq.s32 s7, s2  }
0x1e: {  	s7 =	smul.u32 @!p0 $0xF7A, s2;
	p2 =	seq.s32 @!p0 s5, $0x0  }
0x1f: {  	s9 =	smul.u32 $0xF7A, s1;
	s8 =	simm.s32 @!p0 $0x1BF5;
	p2 =	por !p2, p0  }
0x20: {  	[sflag:s8] =	ssyncset.s32 @!p0 $0xFFFFF086;
	s6 =	sadd.s32 @!p0 s3, s7;
	s7 =	simm.s32 @!p0 $0x108  }
0x21: {  	s3 =	sadd.s32 s3, s9;
	s6 =	sadd.s32 @!p0 $0x88, s6;
	s7 =	simm.s32 @p2 $0x1082  }
0x22: {  	[simem:s7], [sflag:s8] =	dma.local @!p0 [hbm:s6], $0xF7A  }
0x23: {  	s9 =	sor.u32 $0xD0000000, s2;
	s6 =	simm.s32 $0x108;
	_ =	swait.ge @!p0 [sflag:s8], $0x0  }
0x24: {  	s3 =	sadd.s32 $0x88, s3;
	s6 =	simm.s32 @!p1 $0x1082;
	[sflag:s4] =	ssyncset.s32 $0xFFFFF086  }
0x25: {  	[simem:s6], [sflag:s4] =	dma.local [hbm:s3], $0xF7A  }
0x26: {  	[smem:$0x3F97] =	sst s1;
	(tag) =	ssettag s2;
	_ =	strace s9  }
0x27: {  	s1 =	sld [smem:$0x3FA7]  }
0x28: {  	s2 =	sld [smem:$0x3FA8]  }
0x29: {  	s4 =	sld [smem:$0x3FAA]  }
0x2a: {  	p0 =	seq.s32 s5, $0x0;
	s5 =	sld [smem:$0x3FAB]  }
0x2b: {  	s6 =	sld [smem:$0x3FAC]  }
0x2c: {  	s7 =	sld [smem:$0x3FAD]  }
0x2d: {  	s3 =	simm.s32 $0x108;
	s8 =	sld [smem:$0x3FAE]  }
0x2e: {  	s3 =	simm.s32 @!p0 $0x1082;
	s9 =	sld [smem:$0x3FAF]  }
0x2f: {  	lr =	sadd.s32 s0, s3;
	s0 =	sld [smem:$0x3FA6]  }
0x30: {  	s3 =	sld [smem:$0x3FA9]  }
0x31: {  	[smem:$0x3FB2] =	sst s10  }
0x32: {  	s10 =	sld [smem:$0x3FB0];
	_ =	sdelay $0x3  }
0x33: {  	p0 =	seq.s32 s10, $0x1;
	s10 =	sld [smem:$0x3FB2];
	_ =	sdelay $0x3  }
0x34: {  	[smem:$0x3FB2] =	sst s10  }
0x35: {  	s10 =	sld [smem:$0x3FB1];
	_ =	sdelay $0x3  }
0x36: {  	p1 =	seq.s32 s10, $0x1;
	s10 =	sld [smem:$0x3FB2];
	_ =	sdelay $0x3  }
0x37: {  	[smem:$0x3FB2] =	sst s10  }
0x38: {  	s10 =	sld [smem:$0x3FB3]  }
0x39: {  	_ = 	snop;
	(pc) =	sbr.ind lr, $3  }
0x3a: {  	_ = 	snop  }
0x3b: {  	_ = 	snop  }
0x3c: {  	p2 =	seq.s32 s10, $0x1;
	s10 =	sld [smem:$0x3FB2]  }
0x3d: {  	_ =	shalt  }
0x3e: {  	_ =	shalt  }
0x3f: {  	_ =	shalt  }
0x40: {  	_ =	shalt  }
0x41: {  	_ =	shalt  }
0x42: {  	_ =	shalt  }
0x43: {  	_ =	shalt  }
0x44: {  	_ =	shalt  }
0x45: {  	_ =	shalt  }
0x46: {  	_ =	shalt  }
0x47: {  	_ =	shalt  }
0x48: {  	_ =	shalt  }
0x49: {  	_ =	shalt  }
0x4a: {  	_ =	shalt  }
0x4b: {  	_ =	shalt  }
0x4c: {  	_ =	shalt  }
0x4d: {  	_ =	shalt  }
0x4e: {  	_ =	shalt  }
0x4f: {  	_ =	shalt  }
0x50: {  	_ =	shalt  }
0x51: {  	_ =	shalt  }
0x52: {  	_ =	shalt  }
0x53: {  	_ =	shalt  }
0x54: {  	_ =	shalt  }
0x55: {  	_ =	shalt  }
0x56: {  	_ =	shalt  }
0x57: {  	_ =	shalt  }
0x58: {  	_ =	shalt  }
0x59: {  	_ =	shalt  }
0x5a: {  	_ =	shalt  }
0x5b: {  	_ =	shalt  }
0x5c: {  	_ =	shalt  }
0x5d: {  	_ =	shalt  }
0x5e: {  	_ =	shalt  }
0x5f: {  	_ =	shalt  }
0x60: {  	_ =	shalt  }
0x61: {  	_ =	shalt  }
0x62: {  	_ =	shalt  }
0x63: {  	_ =	shalt  }
0x64: {  	_ =	shalt  }
0x65: {  	_ =	shalt  }
0x66: {  	_ =	shalt  }
0x67: {  	_ =	shalt  }
0x68: {  	_ =	shalt  }
0x69: {  	_ =	shalt  }
0x6a: {  	_ =	shalt  }
0x6b: {  	_ =	shalt  }
0x6c: {  	_ =	shalt  }
0x6d: {  	_ =	shalt  }
0x6e: {  	_ =	shalt  }
0x6f: {  	_ =	shalt  }
0x70: {  	_ =	shalt  }
0x71: {  	_ =	shalt  }
0x72: {  	_ =	shalt  }
0x73: {  	_ =	shalt  }
0x74: {  	_ =	shalt  }
0x75: {  	_ =	shalt  }
0x76: {  	_ =	shalt  }
0x77: {  	_ =	shalt  }
0x78: {  	_ =	shalt  }
0x79: {  	_ =	shalt  }
0x7a: {  	_ =	shalt  }
0x7b: {  	_ =	shalt  }
0x7c: {  	_ =	shalt  }
0x7d: {  	_ =	shalt  }
0x7e: {  	_ =	shalt  }
0x7f: {  	_ =	shalt  }
0x80: {  	_ =	shalt  }
0x81: {  	_ =	shalt  }
0x82: {  	_ =	shalt  }
0x83: {  	_ =	shalt  }
0x84: {  	_ =	shalt  }
0x85: {  	_ =	shalt  }
0x86: {  	_ =	shalt  }
0x87: {  	_ =	shalt  }
.Lfunc_end0:
.L_simem_size_0:
called_computation.1_lowered:
.L_overlay_start_0:
0x88: {  	s2 =	sld [smem:$0x3FD9]  }
0x89: {  	s3 =	sld [smem:$0x3FFE];
	_ =	sdelay $0x1  }
0x8a: {  	s1 =	srdreg.scid  }
0x8b: {  	s0 =	sand.u32 $0x1, s1  }
0x8c: {  	s16 =	sshll.u32 s0, $0xA;
	s2 =	sadd.s32 s3, s2  }
0x8d: {  	s2 =	sadd.s32 s2, s16  }
0x8e: {  	[smem:$0x3FBE] =	sst s2  }
0x8f: {  	_ = 	snop  }
0x90: {  	(tm) =	ssettm $0x1  }
0x91: {  	s17 =	sld [smem:$0x3FFB];
	_ =	sdelay $0x3  }
0x92: {  	_ =	strace s17  }
0x93: {  	s2 =	sld [smem:$0x3FFC];
	_ =	sdelay $0x3  }
0x94: {  	_ =	strace s2  }
0x95: {  	s2 =	sld [smem:$0x3FFD];
	_ =	sdelay $0x3  }
0x96: {  	_ =	strace s2  }
0x97: {  	_ =	strace $0x8FFFFFFF  }
0x98: {  	s18 =	sld [smem:$0x3FDB];
	_ =	sdelay $0x1  }
0x99: {  	s19 =	simm.s32 $_scs_section_size  }
0x9a: {  	s4 =	simm.s32 $_size__tile_overlayer_lowered;
	s5 =	simm.s32 $_tile_overlayer_lowered  }
0x9b: {  	s22 =	simm.s32 $0x1BFF;
	s21 =	sshll.u32 s5, $0x1;
	s2 =	sadd.s32 s19, s18  }
0x9c: {  	s6 =	simm.s32 $0x0;
	s20 =	sshll.u32 s4, $0x1;
	s4 =	sadd.s32 s21, s2  }
0x9d: {  	[timem:s6], [sflag:s22] =	dma.local [hbm:s4], s20  }
0x9e: {  	_ =	swait.ge [sflag:s22], s20  }
0x9f: {  	s3 =	ssub.s32 $0x0, s20;
	[sflag:s22] =	ssyncset.done $0x0  }
0xa0: {  	[sflag:s22] =	ssyncadd.s32 s3;
	_ =	sdelay $0x1  }
0xa1: {  	s23 =	simm.s32 $0x1B8B  }
0xa2: {  	_ =	swait.ge [sflag:s23], $0x1  }
0xa3: {  	[sflag:s23] =	ssyncset.done $0x0  }
0xa4: {  	s25 =	simm.s32 $0x1B8E;
	s24 =	sld [smem:$0x3FFE];
	[sflag:s23] =	ssyncadd.s32 $0xFFFFFFFF  }
0xa5: {  	s26 =	simm.s32 $execute0_lowered;
	[smem:$0x3FD2] =	sst s25  }
0xa6: {  	s4 =	sshll.u32 s26, $0x1;
	_ =	strace $0x80000049;
	[dreg:$0x1] =	wrdreg $0xFFFFFFFF  }
0xa7: {  	s28 =	simm.s32 $_size_execute0_lowered;
	s2 =	sadd.s32 s2, s4;
	[dreg:$0x0] =	wrdreg $0x0  }
0xa8: {  	s4 =	sshll.u32 s28, $0x1;
	[dreg:$0x2] =	wrdreg s2  }
0xa9: {  	[dreg:$0x3] =	wrdreg s4  }
0xaa: {  	[dreg:$0x4] =	wrdreg $0xC0  }
0xab: {  	_ =	task [dreg:s6], $0x5FFFF  }
0xac: {  	[dreg:$0x1] =	wrdreg $0xFFFFFFFF  }
0xad: {  	[dreg:$0x0] =	wrdreg $0x60  }
0xae: {  	[dreg:$0x2] =	wrdreg s24  }
0xaf: {  	[dreg:$0x3] =	wrdreg $0x9  }
0xb0: {  	_ =	task.clear_ibuf [dreg:s6], $0x4FFFF;
	_ =	strace $0x90000049  }
0xb1: {  	s29 =	simm.s32 $0x9;
	_ =	strace $0x8000004B  }
0xb2: {  	_ =	swait.ge [sflag:s29], $0x1  }
0xb3: {  	[sflag:s29] =	ssyncadd.s32 $0xFFFFFFFF  }
0xb4: {  	_ =	strace $0x9000004B  }
0xb5: {  	_ =	sfence  }
0xb6: {  	s30 =	sld [smem:$0x0];
	_ =	sdelay $0x2  }
0xb7: {  	s31 =	sshll.u32 s1, $0xD;
	s1 =	sshrl.u32 s1, $0x2  }
0xb8: {  	s3 =	sand.u32 $0x4000, s31;
	s1 =	sadd.s32 s1, s30  }
0xb9: {  	s0 =	sor.u32 s3, s0;
	s1 =	sshll.u32 s1, $0x11  }
0xba: {  	s0 =	sor.u32 s1, s0  }
0xbb: {  	s0 =	sadd.s32 $0x8F2B, s0  }
0xbc: {  	[sflag:s0] =	ssyncadd.remote.s32 $0x1  }
0xbd: {  	_ =	sfence.sel $0xFFFF  }
0xbe: {  	[dreg:$0x0] =	wrdreg $0xFFFFFFFF;
	(pc) =	sbr.abs _section_cstart, $3  }
0xbf: {  	[dreg:$0x1] =	wrdreg $0xFFFFFFFF  }
0xc0: {  	_ =	task.clear_ibuf [dreg:s6], $0x2FFFF;
	_ =	strace $0x9FFFFFFF  }
0xc1: {  	(tm) =	ssettm $0x7FFFFFFF  }
tec
execute0_lowered:
.L_overlay_start_1:
0x0: {  	(tag) =	ssettag $0x1  }
0x1: {  	s1 =	srdreg.scid  }
0x2: {  	s0 =	stileid.u32;
	s5 =	rddreg [dreg:$0x0];
	s2 =	simm.s32 $0x0  }
0x3: {  	s11 =	simm.s32 $0x1;
	s12 =	simm.s32 $0x2710;
	s13 =	simm.s32 $0x4E20  }
0x4: {  	s14 =	simm.s32 $0x7530;
	s15 =	simm.s32 $0x9C40;
	s16 =	simm.s32 $0xC350  }
0x5: {  	s17 =	simm.s32 $0xEA60;
	s4 =	sand.u32 $0x1, s1;
	s3 =	sshll.u32 s0, $0x1  }
0x6: {  	s18 =	simm.s32 $0x0;
	s1 =	rddreg [dreg:$0x1];
	s3 =	sor.u32 s4, s3  }
0x7: {  	[smem:$0x7FF] =	sst s2;
	s7 =	ssub.s32 $0x2, s4;
	s6 =	smul.u32 $0x4E2, s3  }
0x8: {  	_ =	strace $0x8000004A;
	s4 =	sadd.s32 $0xE00, s5;
	s31 =	sshrl.u32 s7, $0x1  }
0x9: {  	s3 =	sadd.s32 $0x1400, s5;
	s10 =	ssub.s32 s7, s31;
	s9 =	sadd.s32 s6, s5  }
0xa: {  	s5 =	sadd.s32 $0x800, s5;
	s10 =	smax.u32 s10, $0x1;
	s6 =	sadd.s32 $0x71400, s9  }
0xb: {  	v0 =	vimm.f32 $0.0e+00;
	s7 =	sadd.s32 $0x67600, s9;
	s8 =	sadd.s32 $0x1A00, s9;
	s9 =	sadd.s32 $0xB800, s9  }
.LBB2_1:
0xc: {  	[tilespmem:s2], [sflag:$0x1] =	stream.linear.gather [hbm4b:s3+s2], $0x2710, $0x38;
	[tilespmem:$0x11170] =	vst v63  }
0xd: {  	_ =	swait.ge [sflag:s11], $0x2710  }
0xe: {  	[sflag:s11] =	ssyncset.done $0x0  }
0xf: {  	[sflag:s11] =	ssyncadd.s32 $0xFFFFD8F0  }
0x10: {  	[tilespmem:s12], [sflag:$0x1] =	stream.linear.gather [hbm4b:s4+s2], $0x2710, $0x38;
	[tilespmem:$0x11170] =	vst v63  }
0x11: {  	_ =	swait.ge [sflag:s11], $0x2710  }
0x12: {  	[sflag:s11] =	ssyncset.done $0x0  }
0x13: {  	[sflag:s11] =	ssyncadd.s32 $0xFFFFD8F0  }
0x14: {  	[tilespmem:s13], [sflag:$0x1] =	stream.linear.gather [hbm4b:s5+s2], $0x2710, $0x38;
	[tilespmem:$0x11170] =	vst v63  }
0x15: {  	_ =	swait.ge [sflag:s11], $0x2710  }
0x16: {  	[sflag:s11] =	ssyncset.done $0x0  }
0x17: {  	[sflag:s11] =	ssyncadd.s32 $0xFFFFD8F0  }
0x18: {  	[tilespmem:s14], [sflag:$0x1] =	stream.linear.gather [hbm4b:s6+s2], $0x2710, $0x38;
	[tilespmem:$0x11170] =	vst v63  }
0x19: {  	_ =	swait.ge [sflag:s11], $0x2710  }
0x1a: {  	[sflag:s11] =	ssyncset.done $0x0  }
0x1b: {  	[sflag:s11] =	ssyncadd.s32 $0xFFFFD8F0  }
0x1c: {  	[tilespmem:s15], [sflag:$0x1] =	stream.linear.gather [hbm4b:s7+s2], $0x2710, $0x38;
	[tilespmem:$0x11170] =	vst v63  }
0x1d: {  	_ =	swait.ge [sflag:s11], $0x2710  }
0x1e: {  	[sflag:s11] =	ssyncset.done $0x0  }
0x1f: {  	s19 =	simm.s32 $0x0;
	[sflag:s11] =	ssyncadd.s32 $0xFFFFD8F0  }
.LBB2_2:
0x20: {  	p0 =	sne.s32 s19, $0x9C00  }
.Ltmp0:
0x21: {  	_ = 	snop;
	(pc) =	sbr.rel @p0 .LBB2_2-.Ltmp0, $4  }
0x22: {  	_ = 	snop  }
0x23: {  	s20 =	sshra.s32 s19, $0x2  }
0x24: {  	[tilespmem:s20+$0xC350] =	vst v0  }
0x25: {  	s19 =	sadd.s32 $0x40, s19;
	[tilespmem:s20+$0xEA60] =	vst v0  }
0x26: {  	s19 =	simm.s32 $0x0  }
0x27: {  	v1 =	vld [tilespmem:s19+$0x9C40]  }
0x28: {  	v2 =	vld [tilespmem:s19+$0x7530];
	s19 =	simm.s32 $0x40  }
.LBB2_4:
0x29: {  	p0 =	sne.s32 s19, $0x9C00;
	_ =	sdelay $0x5  }
0x2a: {  	v3 =	vld.idx.msk [tilespmem:v1+s12+$0x0], $0xffff  }
0x2b: {  	v4 =	vld.idx.msk [tilespmem:v2+s2+$0x0], $0xffff;
	_ =	sdelay $0x5  }
0x2c: {  	v3 =	vadd.f32 v3, v4;
	_ =	sdelay $0x1  }
0x2d: {  	v4 =	vmul.f32 $2.000000030e-01, v3;
	_ =	sdelay $0x1  }
0x2e: {  	v3 =	vmax.f32 v3, v4  }
0x2f: {  	v3 =	vmul.f32 $1.442695020e+00, v3;
	_ =	sdelay $0x1  }
0x30: {  	(erf) = vpow2.f32 v3;
	_ =	sdelay $0x3  }
0x31: {  	v2 =	vld.idx.msk [tilespmem:v2+s13+$0x0], $0xffff;
	_ =	sdelay $0x4  }
0x32: {  	v3 =	vpop (erf)  }
0x33: {  	v2 =	vmul.f32 v3, v2  }
.Ltmp1:
0x34: {  	(pc) =	sbr.rel @p0 .LBB2_4-.Ltmp1, $4  }
0x35: {  	[tilespmem:v1+s16+$0x0] =	vst.idx.add.f32.msk $0xffff, v2  }
0x36: {  	s20 =	sshra.s32 s19, $0x2;
	[tilespmem:v1+s17+$0x0] =	vst.idx.add.f32.msk $0xffff, v3  }
0x37: {  	v1 =	vld [tilespmem:s20+$0x9C40]  }
0x38: {  	s19 =	sadd.s32 $0x40, s19;
	v2 =	vld [tilespmem:s20+$0x7530]  }
0x39: {  	_ =	sdelay $0x6  }
0x3a: {  	v3 =	vld.idx.msk [tilespmem:v1+s12+$0x0], $0xffff  }
0x3b: {  	v4 =	vld.idx.msk [tilespmem:v2+s2+$0x0], $0xffff;
	_ =	sdelay $0x4  }
0x3c: {  	v3 =	vadd.f32 v3, v4;
	_ =	sdelay $0x1  }
0x3d: {  	v4 =	vmul.f32 $2.000000030e-01, v3;
	_ =	sdelay $0x1  }
0x3e: {  	v3 =	vmax.f32 v3, v4  }
0x3f: {  	v3 =	vmul.f32 $1.442695020e+00, v3;
	_ =	sdelay $0x1  }
0x40: {  	(erf) = vpow2.f32 v3;
	_ =	sdelay $0x4  }
0x41: {  	v2 =	vld.idx.msk [tilespmem:v2+s13+$0x0], $0xffff;
	_ =	sdelay $0x3  }
0x42: {  	v3 =	vpop (erf)  }
0x43: {  	v2 =	vmul.f32 v3, v2;
	_ =	sdelay $0x1  }
0x44: {  	[tilespmem:v1+s16+$0x0] =	vst.idx.add.f32.msk $0xffff, v2  }
0x45: {  	[tilespmem:v1+s17+$0x0] =	vst.idx.add.f32.msk $0xffff, v3  }
0x46: {  	[hbm4b:s8+s2] =	stream.linear.scatter [tilespmem:s16], [sflag:$0x1], $0x2710, $0x38;
	[tilespmem:$0x11170] =	vst v63  }
0x47: {  	s18 =	sadd.s32 $0x1, s18;
	_ =	swait.ge [sflag:s11], $0x2710  }
0x48: {  	p0 =	sne.s32 s18, s10;
	[sflag:s11] =	ssyncset.done $0x0  }
.Ltmp2:
0x49: {  	[sflag:s11] =	ssyncadd.s32 $0xFFFFD8F0;
	(pc) =	sbr.rel @p0 .LBB2_1-.Ltmp2, $4  }
0x4a: {  	[hbm4b:s9+s2] =	stream.linear.scatter [tilespmem:s17], [sflag:$0x1], $0x2710, $0x38;
	[tilespmem:$0x11170] =	vst v63  }
0x4b: {  	_ =	swait.ge [sflag:s11], $0x2710  }
0x4c: {  	[sflag:s11] =	ssyncset.done $0x0  }
0x4d: {  	[sflag:s11] =	ssyncadd.s32 $0xFFFFD8F0  }
0x4e: {  	_ =	sfence.sel $0x180000  }
0x4f: {  	[bflag:$0x0] =	sbarrier.arrive $0xFFFF  }
0x50: {  	p0 =	sne.s32 s0, $0x0;
	_ =	strace $0x9000004A  }
0x51: {  	s0 =	sadd.s32 @!p0 $0x100000, s1;
	[bflag:$0x2] =	sbarrier.arrive $0xFFFF  }
0x52: {  	[sflag:s0] =	ssyncadd.tile.s32 @!p0 $0x1;
	_ =	shalt  }
.Lfunc_end2:
_tile_overlayer_lowered:
.L_overlay_start_2:
0x53: {  	(tag) =	ssettag $0x2  }
0x54: {  	s0 =	rddreg [dreg:$0x0];
	s2 =	stileid.u32  }
0x55: {  	s1 =	rddreg [dreg:$0x1];
	p0 =	sne.s32 s2, $0x0  }
0x56: {  	s3 =	rddreg [dreg:$0x2];
	[bflag:$0x3] =	sbarrier.arrive $0xFFFF;
	s2 =	simm.s32 @!p0 $0x1C01  }
0x57: {  	[timem:s3], [sflag:s2] =	dma.local @!p0 [hbm:s0], s1  }
0x58: {  	s0 =	simm.s32 @!p0 $0x1  }
0x59: {  	_ =	swait.ge @!p0 [sflag:s0], s1  }
0x5a: {  	s1 =	ssub.s32 @!p0 $0x0, s1;
	[sflag:s0] =	ssyncset.done @!p0 $0x0  }
0x5b: {  	[sflag:s0] =	ssyncadd.s32 @!p0 s1  }
0x5c: {  	[bflag:$0x3] =	sbarrier.arrive $0xFFFF  }
0x5d: {  	_ =	shalt  }

// kernel: kernel.7.cloned.1.call-start
scs
__scs_entry_jumppad:
0x0: {  	(pc) =	sbr.rel $0x88, $3  }
0x1: {  	(tag) =	ssettag $0x0;
	lr =	simm.s32 $0x1  }
0x2: {  	[smem:$0x3F97] =	sst lr;
	_ =	strace $0xD0000000  }
0x3: {  	_ = 	snop  }
0x4: {  	_ = 	snop  }
0x5: {  	_ = 	snop  }
0x6: {  	_ = 	snop  }
0x7: {  	_ = 	snop  }
__scs_overlays_trampoline_lowered:
0x8: {  	[smem:$0x3FA6] =	sst s0  }
0x9: {  	[smem:$0x3FA7] =	sst s1  }
0xa: {  	[smem:$0x3FA8] =	sst s2  }
0xb: {  	[smem:$0x3FA9] =	sst s3  }
0xc: {  	[smem:$0x3FAA] =	sst s4  }
0xd: {  	[smem:$0x3FAB] =	sst s5  }
0xe: {  	[smem:$0x3FAC] =	sst s6  }
0xf: {  	[smem:$0x3FAD] =	sst s7  }
0x10: {  	[smem:$0x3FAE] =	sst s8  }
0x11: {  	[smem:$0x3FAF] =	sst s9;
	s0 =	simm.s32 @!p0 $0x0  }
0x12: {  	s1 =	sld [smem:$0x3F95];
	s0 =	simm.s32 @p0 $0x1  }
0x13: {  	[smem:$0x3FB0] =	sst s0;
	s0 =	simm.s32 @!p1 $0x0  }
0x14: {  	s2 =	sld [smem:$0x3F94];
	s0 =	simm.s32 @p1 $0x1  }
0x15: {  	[smem:$0x3FB1] =	sst s0;
	s0 =	simm.s32 @!p2 $0x0  }
0x16: {  	s3 =	sld [smem:$0x3FDB];
	s0 =	simm.s32 @p2 $0x1  }
0x17: {  	s4 =	simm.s32 $0x1BF5;
	[smem:$0x3FB3] =	sst s0  }
0x18: {  	s0 =	sld [smem:$0x3F96];
	_ =	swait.ge [sflag:s4], $0x0  }
0x19: {  	s7 =	sld [smem:$0x3F97]  }
0x1a: {  	s8 =	sadd.s32 $0xFFFFE003, lr  }
0x1b: {  	s9 =	sadd.s32 $0xFFFFFEF7, lr;
	s5 =	simm.s32 $0xFFFFFFFF;
	p2 =	slt.u32 s8, $0xFFFFF086  }
0x1c: {  	p1 =	slt.u32 s9, $0xF7A;
	s5 =	simm.s32 @!p2 $0x0  }
0x1d: {  	s5 =	simm.s32 @p1 $0x1;
	p0 =	seq.s32 s7, s2  }
0x1e: {  	s7 =	smul.u32 @!p0 $0xF7A, s2;
	p2 =	seq.s32 @!p0 s5, $0x0  }
0x1f: {  	s9 =	smul.u32 $0xF7A, s1;
	s8 =	simm.s32 @!p0 $0x1BF5;
	p2 =	por !p2, p0  }
0x20: {  	[sflag:s8] =	ssyncset.s32 @!p0 $0xFFFFF086;
	s6 =	sadd.s32 @!p0 s3, s7;
	s7 =	simm.s32 @!p0 $0x108  }
0x21: {  	s3 =	sadd.s32 s3, s9;
	s6 =	sadd.s32 @!p0 $0x88, s6;
	s7 =	simm.s32 @p2 $0x1082  }
0x22: {  	[simem:s7], [sflag:s8] =	dma.local @!p0 [hbm:s6], $0xF7A  }
0x23: {  	s9 =	sor.u32 $0xD0000000, s2;
	s6 =	simm.s32 $0x108;
	_ =	swait.ge @!p0 [sflag:s8], $0x0  }
0x24: {  	s3 =	sadd.s32 $0x88, s3;
	s6 =	simm.s32 @!p1 $0x1082;
	[sflag:s4] =	ssyncset.s32 $0xFFFFF086  }
0x25: {  	[simem:s6], [sflag:s4] =	dma.local [hbm:s3], $0xF7A  }
0x26: {  	[smem:$0x3F97] =	sst s1;
	(tag) =	ssettag s2;
	_ =	strace s9  }
0x27: {  	s1 =	sld [smem:$0x3FA7]  }
0x28: {  	s2 =	sld [smem:$0x3FA8]  }
0x29: {  	s4 =	sld [smem:$0x3FAA]  }
0x2a: {  	p0 =	seq.s32 s5, $0x0;
	s5 =	sld [smem:$0x3FAB]  }
0x2b: {  	s6 =	sld [smem:$0x3FAC]  }
0x2c: {  	s7 =	sld [smem:$0x3FAD]  }
0x2d: {  	s3 =	simm.s32 $0x108;
	s8 =	sld [smem:$0x3FAE]  }
0x2e: {  	s3 =	simm.s32 @!p0 $0x1082;
	s9 =	sld [smem:$0x3FAF]  }
0x2f: {  	lr =	sadd.s32 s0, s3;
	s0 =	sld [smem:$0x3FA6]  }
0x30: {  	s3 =	sld [smem:$0x3FA9]  }
0x31: {  	[smem:$0x3FB2] =	sst s10  }
0x32: {  	s10 =	sld [smem:$0x3FB0];
	_ =	sdelay $0x3  }
0x33: {  	p0 =	seq.s32 s10, $0x1;
	s10 =	sld [smem:$0x3FB2];
	_ =	sdelay $0x3  }
0x34: {  	[smem:$0x3FB2] =	sst s10  }
0x35: {  	s10 =	sld [smem:$0x3FB1];
	_ =	sdelay $0x3  }
0x36: {  	p1 =	seq.s32 s10, $0x1;
	s10 =	sld [smem:$0x3FB2];
	_ =	sdelay $0x3  }
0x37: {  	[smem:$0x3FB2] =	sst s10  }
0x38: {  	s10 =	sld [smem:$0x3FB3]  }
0x39: {  	_ = 	snop;
	(pc) =	sbr.ind lr, $3  }
0x3a: {  	_ = 	snop  }
0x3b: {  	_ = 	snop  }
0x3c: {  	p2 =	seq.s32 s10, $0x1;
	s10 =	sld [smem:$0x3FB2]  }
0x3d: {  	_ =	shalt  }
0x3e: {  	_ =	shalt  }
0x3f: {  	_ =	shalt  }
0x40: {  	_ =	shalt  }
0x41: {  	_ =	shalt  }
0x42: {  	_ =	shalt  }
0x43: {  	_ =	shalt  }
0x44: {  	_ =	shalt  }
0x45: {  	_ =	shalt  }
0x46: {  	_ =	shalt  }
0x47: {  	_ =	shalt  }
0x48: {  	_ =	shalt  }
0x49: {  	_ =	shalt  }
0x4a: {  	_ =	shalt  }
0x4b: {  	_ =	shalt  }
0x4c: {  	_ =	shalt  }
0x4d: {  	_ =	shalt  }
0x4e: {  	_ =	shalt  }
0x4f: {  	_ =	shalt  }
0x50: {  	_ =	shalt  }
0x51: {  	_ =	shalt  }
0x52: {  	_ =	shalt  }
0x53: {  	_ =	shalt  }
0x54: {  	_ =	shalt  }
0x55: {  	_ =	shalt  }
0x56: {  	_ =	shalt  }
0x57: {  	_ =	shalt  }
0x58: {  	_ =	shalt  }
0x59: {  	_ =	shalt  }
0x5a: {  	_ =	shalt  }
0x5b: {  	_ =	shalt  }
0x5c: {  	_ =	shalt  }
0x5d: {  	_ =	shalt  }
0x5e: {  	_ =	shalt  }
0x5f: {  	_ =	shalt  }
0x60: {  	_ =	shalt  }
0x61: {  	_ =	shalt  }
0x62: {  	_ =	shalt  }
0x63: {  	_ =	shalt  }
0x64: {  	_ =	shalt  }
0x65: {  	_ =	shalt  }
0x66: {  	_ =	shalt  }
0x67: {  	_ =	shalt  }
0x68: {  	_ =	shalt  }
0x69: {  	_ =	shalt  }
0x6a: {  	_ =	shalt  }
0x6b: {  	_ =	shalt  }
0x6c: {  	_ =	shalt  }
0x6d: {  	_ =	shalt  }
0x6e: {  	_ =	shalt  }
0x6f: {  	_ =	shalt  }
0x70: {  	_ =	shalt  }
0x71: {  	_ =	shalt  }
0x72: {  	_ =	shalt  }
0x73: {  	_ =	shalt  }
0x74: {  	_ =	shalt  }
0x75: {  	_ =	shalt  }
0x76: {  	_ =	shalt  }
0x77: {  	_ =	shalt  }
0x78: {  	_ =	shalt  }
0x79: {  	_ =	shalt  }
0x7a: {  	_ =	shalt  }
0x7b: {  	_ =	shalt  }
0x7c: {  	_ =	shalt  }
0x7d: {  	_ =	shalt  }
0x7e: {  	_ =	shalt  }
0x7f: {  	_ =	shalt  }
0x80: {  	_ =	shalt  }
0x81: {  	_ =	shalt  }
0x82: {  	_ =	shalt  }
0x83: {  	_ =	shalt  }
0x84: {  	_ =	shalt  }
0x85: {  	_ =	shalt  }
0x86: {  	_ =	shalt  }
0x87: {  	_ =	shalt  }
.Lfunc_end0:
.L_simem_size_0:
called_computation_lowered:
.L_overlay_start_0:
0x88: {  	s2 =	sld [smem:$0x3FD9]  }
0x89: {  	s3 =	sld [smem:$0x3FFE];
	_ =	sdelay $0x1  }
0x8a: {  	s1 =	srdreg.scid  }
0x8b: {  	s0 =	sand.u32 $0x1, s1  }
0x8c: {  	s16 =	sshll.u32 s0, $0xA;
	s2 =	sadd.s32 s3, s2  }
0x8d: {  	s2 =	sadd.s32 s2, s16  }
0x8e: {  	[smem:$0x3FBE] =	sst s2  }
0x8f: {  	_ = 	snop  }
0x90: {  	(tm) =	ssettm $0x1  }
0x91: {  	s17 =	sld [smem:$0x3FFB];
	_ =	sdelay $0x3  }
0x92: {  	_ =	strace s17  }
0x93: {  	s2 =	sld [smem:$0x3FFC];
	_ =	sdelay $0x3  }
0x94: {  	_ =	strace s2  }
0x95: {  	s2 =	sld [smem:$0x3FFD];
	_ =	sdelay $0x3  }
0x96: {  	_ =	strace s2  }
0x97: {  	_ =	strace $0x8FFFFFFF  }
0x98: {  	s18 =	sld [smem:$0x3FDB];
	_ =	sdelay $0x1  }
0x99: {  	s19 =	simm.s32 $_scs_section_size  }
0x9a: {  	s4 =	simm.s32 $_size__tile_overlayer_lowered;
	s5 =	simm.s32 $_tile_overlayer_lowered  }
0x9b: {  	s22 =	simm.s32 $0x1BFF;
	s21 =	sshll.u32 s5, $0x1;
	s2 =	sadd.s32 s19, s18  }
0x9c: {  	s6 =	simm.s32 $0x0;
	s20 =	sshll.u32 s4, $0x1;
	s4 =	sadd.s32 s21, s2  }
0x9d: {  	[timem:s6], [sflag:s22] =	dma.local [hbm:s4], s20  }
0x9e: {  	_ =	swait.ge [sflag:s22], s20  }
0x9f: {  	s3 =	ssub.s32 $0x0, s20;
	[sflag:s22] =	ssyncset.done $0x0  }
0xa0: {  	[sflag:s22] =	ssyncadd.s32 s3;
	_ =	sdelay $0x1  }
0xa1: {  	s23 =	simm.s32 $0x1B8B  }
0xa2: {  	_ =	swait.ge [sflag:s23], $0x1  }
0xa3: {  	[sflag:s23] =	ssyncset.done $0x0  }
0xa4: {  	s25 =	simm.s32 $0x1B8E;
	s24 =	sld [smem:$0x3FFE];
	[sflag:s23] =	ssyncadd.s32 $0xFFFFFFFF  }
0xa5: {  	s26 =	simm.s32 $execute0_lowered;
	[smem:$0x3FD2] =	sst s25  }
0xa6: {  	s4 =	sshll.u32 s26, $0x1;
	_ =	strace $0x80000046;
	[dreg:$0x1] =	wrdreg $0xFFFFFFFF  }
0xa7: {  	s28 =	simm.s32 $_size_execute0_lowered;
	s2 =	sadd.s32 s2, s4;
	[dreg:$0x0] =	wrdreg $0x0  }
0xa8: {  	s4 =	sshll.u32 s28, $0x1;
	[dreg:$0x2] =	wrdreg s2  }
0xa9: {  	[dreg:$0x3] =	wrdreg s4  }
0xaa: {  	[dreg:$0x4] =	wrdreg $0xC0  }
0xab: {  	_ =	task [dreg:s6], $0x5FFFF  }
0xac: {  	[dreg:$0x1] =	wrdreg $0xFFFFFFFF  }
0xad: {  	[dreg:$0x0] =	wrdreg $0x60  }
0xae: {  	[dreg:$0x2] =	wrdreg s24  }
0xaf: {  	[dreg:$0x3] =	wrdreg $0x0  }
0xb0: {  	[dreg:$0x4] =	wrdreg $0xA0000  }
0xb1: {  	[dreg:$0x5] =	wrdreg $0x9  }
0xb2: {  	_ =	task.clear_ibuf [dreg:s6], $0x6FFFF;
	_ =	strace $0x90000046  }
0xb3: {  	s29 =	simm.s32 $0x9;
	_ =	strace $0x80000048  }
0xb4: {  	_ =	swait.ge [sflag:s29], $0x1  }
0xb5: {  	[sflag:s29] =	ssyncadd.s32 $0xFFFFFFFF  }
0xb6: {  	_ =	strace $0x90000048  }
0xb7: {  	_ =	sfence  }
0xb8: {  	s30 =	sld [smem:$0x0];
	_ =	sdelay $0x2  }
0xb9: {  	s31 =	sshll.u32 s1, $0xD;
	s1 =	sshrl.u32 s1, $0x2  }
0xba: {  	s3 =	sand.u32 $0x4000, s31;
	s1 =	sadd.s32 s1, s30  }
0xbb: {  	s0 =	sor.u32 s3, s0;
	s1 =	sshll.u32 s1, $0x11  }
0xbc: {  	s0 =	sor.u32 s1, s0  }
0xbd: {  	s0 =	sadd.s32 $0x8F2B, s0  }
0xbe: {  	[sflag:s0] =	ssyncadd.remote.s32 $0x1  }
0xbf: {  	_ =	sfence.sel $0xFFFF  }
0xc0: {  	[dreg:$0x0] =	wrdreg $0xFFFFFFFF;
	(pc) =	sbr.abs _section_cstart, $3  }
0xc1: {  	[dreg:$0x1] =	wrdreg $0xFFFFFFFF  }
0xc2: {  	_ =	task.clear_ibuf [dreg:s6], $0x2FFFF;
	_ =	strace $0x9FFFFFFF  }
0xc3: {  	(tm) =	ssettm $0x7FFFFFFF  }
tec
execute0_lowered:
.L_overlay_start_1:
0x0: {  	(tag) =	ssettag $0x1  }
0x1: {  	s0 =	rddreg [dreg:$0x0]  }
0x2: {  	s1 =	srdreg.scid;
	s2 =	rddreg [dreg:$0x1]  }
0x3: {  	s14 =	stileid.u32;
	s3 =	rddreg [dreg:$0x2]  }
0x4: {  	s5 =	simm.s32 $0x0;
	s16 =	simm.s32 $0x5;
	s29 =	simm.s32 $0x13420  }
0x5: {  	s30 =	simm.s32 $0x136A0;
	s31 =	simm.s32 $0x1;
	s28 =	simm.s32 $0x2  }
0x6: {  	s17 =	simm.s32 $0x14D20;
	s1 =	sand.u32 $0x1, s1;
	s8 =	smul.u32 $0xA000, s14  }
0x7: {  	s4 =	sshll.u32 s14, $0x1;
	[smem:$0x7FF] =	sst s5;
	s9 =	smul.u32 $0x1400, s14  }
0x8: {  	s5 =	sadd.s32 $0x64E00, s0;
	s6 =	sadd.s32 $0x62600, s0;
	s7 =	sadd.s32 $0x4EC00, s0  }
0x9: {  	s26 =	sshll.u32 s14, $0x6;
	s4 =	sor.u32 s1, s4;
	s10 =	smul.u32 $0xA0000, s1  }
0xa: {  	_ =	strace $0x80000047;
	s12 =	smul.u32 $0x14000, s1;
	s1 =	ssub.s32 $0x2, s1  }
0xb: {  	s4 =	smul.u32 $0x4E2, s4;
	s11 =	sshrl.u32 s8, $0x3;
	s13 =	sshrl.u32 s9, $0x3  }
0xc: {  	s18 =	sshrl.u32 s1, $0x1;
	s20 =	sadd.s32 s8, s2;
	s22 =	sadd.s32 s9, s3  }
0xd: {  	s11 =	sadd.s32 s11, s0;
	s13 =	sadd.s32 s13, s0;
	s10 =	sadd.s32 s8, s10  }
0xe: {  	s12 =	sadd.s32 s9, s12;
	s1 =	ssub.s32 s1, s18;
	s18 =	sor.u32 $0x1C05, s26  }
0xf: {  	s14 =	sshrl.u32 s22, $0x3;
	s22 =	simm.s32 $0x10220;
	s26 =	simm.s32 $0x131A0  }
0x10: {  	s4 =	sadd.s32 s4, s0;
	s10 =	sshrl.u32 s10, $0x3;
	s12 =	sshrl.u32 s12, $0x3  }
0x11: {  	s21 =	sadd.s32 $0x7B200, s11;
	s23 =	sadd.s32 $0x8F200, s13;
	[dreg:$0xc] =	wrdreg s14  }
0x12: {  	s25 =	smax.u32 s1, $0x1;
	s13 =	sshrl.u32 s20, $0x3;
	[dreg:$0x6] =	wrdreg s21  }
0x13: {  	s1 =	simm.s32 $0x11B20;
	s10 =	sadd.s32 s10, s0;
	[dreg:$0x7] =	wrdreg s23  }
0x14: {  	s0 =	sadd.s32 s12, s0;
	s19 =	sadd.s32 $0x71400, s4;
	[dreg:$0xa] =	wrdreg s25  }
0x15: {  	v2 =	vlaneseq.u32;
	s4 =	sadd.s32 $0x67600, s4;
	s21 =	simm.s32 $0x50;
	[dreg:$0xb] =	wrdreg s13  }
0x16: {  	v0 =	vshrl.u32 v2, $0x3;
	s23 =	simm.s32 $0x104A0;
	s25 =	simm.s32 $0x3;
	[dreg:$0x4] =	wrdreg s19  }
0x17: {  	v2 =	vand.u32 $0x7, v2;
	v1 =	vmul.u32 $0x8, v0;
	v3 =	vor.u32 $0x2, v0;
	[dreg:$0x5] =	wrdreg s4;
	s24 =	sadd.s32 $0x96A00, s10;
	s0 =	sadd.s32 $0x91A00, s0  }
0x18: {  	v4 =	vor.u32 $0x4, v0;
	v5 =	vor.u32 $0x6, v0;
	v6 =	vor.u32 $0x8, v0;
	s4 =	simm.s32 $0x14AA0;
	s10 =	simm.s32 $0x0;
	[dreg:$0x8] =	wrdreg s24  }
0x19: {  	v7 =	vor.u32 $0xA, v0;
	v8 =	vor.u32 $0xC, v0;
	v9 =	vor.u32 $0xE, v0;
	[dreg:$0x9] =	wrdreg s0;
	s24 =	simm.s32 $0x10720;
	s0 =	simm.s32 $0x11DA0  }
.LBB2_1:
0x1a: {  	s8 =	simm.s32 $0x0;
	s9 =	rddreg [dreg:$0x4];
	s11 =	simm.s32 $0xB400  }
0x1b: {  	[tilespmem:s11], [sflag:$0x5] =	stream.linear.gather [hbm4b:s9+s8], $0x2710, $0x38;
	[tilespmem:$0x16120] =	vst v63  }
0x1c: {  	_ =	swait.ge [sflag:s16], $0x2710  }
0x1d: {  	[sflag:s16] =	ssyncset.done $0x0  }
0x1e: {  	s12 =	simm.s32 $0xDB10;
	s20 =	rddreg [dreg:$0x5];
	[sflag:s16] =	ssyncadd.s32 $0xFFFFD8F0  }
0x1f: {  	[tilespmem:s12], [sflag:$0x5] =	stream.linear.gather [hbm4b:s20+s8], $0x2710, $0x38;
	[tilespmem:$0x16120] =	vst v63  }
0x20: {  	_ =	swait.ge [sflag:s16], $0x2710  }
0x21: {  	[sflag:s16] =	ssyncset.done $0x0  }
0x22: {  	s9 =	rddreg [dreg:$0x6];
	[sflag:s16] =	ssyncadd.s32 $0xFFFFD8F0  }
0x23: {  	[spmem:s13], [sflag:s18] =	dma.local [hbm:s9], $0x1400  }
0x24: {  	_ =	swait.ge [sflag:s16], $0x1400  }
0x25: {  	[sflag:s16] =	ssyncset.done $0x0  }
0x26: {  	s15 =	rddreg [dreg:$0x7];
	[sflag:s16] =	ssyncadd.s32 $0xFFFFEC00  }
0x27: {  	[spmem:s14], [sflag:s18] =	dma.local [hbm:s15], $0x280  }
0x28: {  	_ =	swait.ge [sflag:s16], $0x280  }
0x29: {  	[sflag:s16] =	ssyncset.done $0x0  }
0x2a: {  	[sflag:s16] =	ssyncadd.s32 $0xFFFFFD80  }
0x2b: {  	[bflag:$0x0] =	sbarrier.arrive $0xFFFF  }
0x2c: {  	[tilespmem:s22], [sflag:$0x1] =	stream.indirect.gather [hbm4b:s5+s21], $0x8, s11, s21, $0xb8;
	[tilespmem:$0x16120] =	vst v63  }
0x2d: {  	_ = 	snop  }
0x2e: {  	[tilespmem:s23], [sflag:$0x1] =	stream.indirect.gather [hbm4b:s6+s21], $0x8, s12, s21, $0xb8;
	[tilespmem:$0x16120] =	vst v63  }
0x2f: {  	_ = 	snop  }
0x30: {  	[tilespmem:s24], [sflag:$0x1] =	stream.indirect.gather [hbm4b:s7+s21], $0x40, s11, s21, $0xb8;
	[tilespmem:$0x16120] =	vst v63  }
0x31: {  	s19 =	simm.s32 $0xB450  }
0x32: {  	[tilespmem:s26], [sflag:$0x2] =	stream.indirect.gather [hbm4b:s5+s21], $0x8, s19, s21, $0xb8;
	[tilespmem:$0x16120] =	vst v63  }
0x33: {  	s20 =	simm.s32 $0xDB60  }
0x34: {  	[tilespmem:s29], [sflag:$0x2] =	stream.indirect.gather [hbm4b:s6+s21], $0x8, s20, s21, $0xb8;
	[tilespmem:$0x16120] =	vst v63  }
0x35: {  	s11 =	simm.s32 $0x0  }
0x36: {  	[tilespmem:s30], [sflag:$0x2] =	stream.indirect.gather [hbm4b:s7+s21], $0x40, s19, s21, $0xb8;
	[tilespmem:$0x16120] =	vst v63  }
.LBB2_2:
0x37: {  	_ =	swait.ge [sflag:s31], $0x280  }
0x38: {  	[sflag:s31] =	ssyncset.done $0x0  }
0x39: {  	[sflag:s31] =	ssyncadd.s32 $0xFFFFFD80  }
0x3a: {  	_ =	swait.ge [sflag:s31], $0x280  }
0x3b: {  	[sflag:s31] =	ssyncset.done $0x0  }
0x3c: {  	[sflag:s31] =	ssyncadd.s32 $0xFFFFFD80  }
0x3d: {  	s8 =	simm.s32 $0x0;
	_ =	swait.ge [sflag:s31], $0x1400  }
0x3e: {  	p0 =	seq.s32 s11, $0x0;
	v10 =	vmov s8;
	[sflag:s31] =	ssyncset.done $0x0  }
0x3f: {  	s8 =	simm.s32 @!p0 $0x3;
	v10 =	vshll.u32 v10, $0x3;
	[sflag:s31] =	ssyncadd.s32 $0xFFFFEC00  }
0x40: {  	v10 =	vor.u32 v1, v10;
	_ =	swait.ge @!p0 [sflag:s8], $0x280  }
0x41: {  	v10 =	vor.u32 v2, v10;
	[sflag:s8] =	ssyncset.done @!p0 $0x0  }
0x42: {  	[sflag:s8] =	ssyncadd.s32 @!p0 $0xFFFFFD80  }
0x43: {  	_ =	swait.ge @!p0 [sflag:s8], $0x1400  }
0x44: {  	[sflag:s8] =	ssyncset.done @!p0 $0x0  }
0x45: {  	[sflag:s8] =	ssyncadd.s32 @!p0 $0xFFFFEC00  }
0x46: {  	v11 =	vld.idx.msk [tilespmem:v10+s22+$0x0], $0xffff  }
0x47: {  	v12 =	vld.idx.msk [tilespmem:v10+s23+$0x0], $0xffff;
	_ =	sdelay $0x4  }
0x48: {  	v11 =	vadd.f32 v12, v11;
	_ =	sdelay $0x1  }
0x49: {  	v12 =	vmul.f32 $2.000000030e-01, v11;
	_ =	sdelay $0x1  }
0x4a: {  	v11 =	vmax.f32 v11, v12  }
0x4b: {  	v11 =	vmul.f32 $1.442695020e+00, v11;
	_ =	sdelay $0x1  }
0x4c: {  	(erf) = vpow2.f32 v11;
	_ =	sdelay $0x8  }
0x4d: {  	v11 =	vpop (erf)  }
0x4e: {  	s12 =	simm.s32 $0x107A0;
	[tilespmem:v10+s1+$0x0] =	vst.idx.msk $0xffff, v11  }
0x4f: {  	v10 =	vld [tilespmem:s12+$0xFFFFFF80];
	_ =	sdelay $0x2  }
0x50: {  	v12 =	vperm.xlane v11, v0;
	_ =	sdelay $0x1  }
0x51: {  	v10 =	vmul.f32 v12, v10  }
0x52: {  	s13 =	simm.s32 $0x11E20  }
0x53: {  	[tilespmem:s13+$0xFFFFFF80] =	vst v10  }
0x54: {  	v10 =	vld [tilespmem:s12+$0xFFFFFF90];
	_ =	sdelay $0x2  }
0x55: {  	v12 =	vperm.xlane v11, v3;
	_ =	sdelay $0x1  }
0x56: {  	v10 =	vmul.f32 v12, v10;
	_ =	sdelay $0x1  }
0x57: {  	[tilespmem:s13+$0xFFFFFF90] =	vst v10  }
0x58: {  	v10 =	vld [tilespmem:s12+$0xFFFFFFA0];
	_ =	sdelay $0x2  }
0x59: {  	v12 =	vperm.xlane v11, v4;
	_ =	sdelay $0x1  }
0x5a: {  	v10 =	vmul.f32 v12, v10;
	_ =	sdelay $0x1  }
0x5b: {  	[tilespmem:s13+$0xFFFFFFA0] =	vst v10  }
0x5c: {  	v10 =	vld [tilespmem:s12+$0xFFFFFFB0];
	_ =	sdelay $0x2  }
0x5d: {  	v12 =	vperm.xlane v11, v5;
	_ =	sdelay $0x1  }
0x5e: {  	v10 =	vmul.f32 v12, v10;
	_ =	sdelay $0x1  }
0x5f: {  	[tilespmem:s13+$0xFFFFFFB0] =	vst v10  }
0x60: {  	v10 =	vld [tilespmem:s12+$0xFFFFFFC0];
	_ =	sdelay $0x2  }
0x61: {  	v12 =	vperm.xlane v11, v6;
	_ =	sdelay $0x1  }
0x62: {  	v10 =	vmul.f32 v12, v10;
	_ =	sdelay $0x1  }
0x63: {  	[tilespmem:s13+$0xFFFFFFC0] =	vst v10  }
0x64: {  	v10 =	vld [tilespmem:s12+$0xFFFFFFD0];
	_ =	sdelay $0x2  }
0x65: {  	v12 =	vperm.xlane v11, v7;
	_ =	sdelay $0x1  }
0x66: {  	v10 =	vmul.f32 v12, v10;
	_ =	sdelay $0x1  }
0x67: {  	[tilespmem:s13+$0xFFFFFFD0] =	vst v10  }
0x68: {  	v10 =	vld [tilespmem:s12+$0xFFFFFFE0];
	_ =	sdelay $0x2  }
0x69: {  	v12 =	vperm.xlane v11, v8;
	_ =	sdelay $0x1  }
0x6a: {  	v10 =	vmul.f32 v12, v10;
	_ =	sdelay $0x1  }
0x6b: {  	s20 =	simm.s32 $0x2;
	[tilespmem:s13+$0xFFFFFFE0] =	vst v10  }
0x6c: {  	v12 =	vmov s20;
	v10 =	vld [tilespmem:s12+$0xFFFFFFF0]  }
0x6d: {  	v12 =	vshll.u32 v12, $0x3  }
0x6e: {  	v12 =	vor.u32 v1, v12  }
0x6f: {  	v11 =	vperm.xlane v11, v9;
	v12 =	vor.u32 v2, v12;
	_ =	sdelay $0x1  }
0x70: {  	v10 =	vmul.f32 v11, v10;
	_ =	sdelay $0x1  }
0x71: {  	[tilespmem:s13+$0xFFFFFFF0] =	vst v10  }
0x72: {  	v10 =	vld.idx.msk [tilespmem:v12+s22+$0x0], $0xffff  }
0x73: {  	v11 =	vld.idx.msk [tilespmem:v12+s23+$0x0], $0xffff;
	_ =	sdelay $0x4  }
0x74: {  	v10 =	vadd.f32 v11, v10;
	_ =	sdelay $0x1  }
0x75: {  	v11 =	vmul.f32 $2.000000030e-01, v10;
	_ =	sdelay $0x1  }
0x76: {  	v10 =	vmax.f32 v10, v11  }
0x77: {  	v10 =	vmul.f32 $1.442695020e+00, v10;
	_ =	sdelay $0x1  }
0x78: {  	(erf) = vpow2.f32 v10;
	_ =	sdelay $0x8  }
0x79: {  	v10 =	vpop (erf)  }
0x7a: {  	[tilespmem:v12+s1+$0x0] =	vst.idx.msk $0xffff, v10  }
0x7b: {  	v11 =	vld [tilespmem:s12+$0x0];
	_ =	sdelay $0x2  }
0x7c: {  	v12 =	vperm.xlane v10, v0;
	_ =	sdelay $0x1  }
0x7d: {  	v11 =	vmul.f32 v12, v11;
	_ =	sdelay $0x1  }
0x7e: {  	[tilespmem:s13+$0x0] =	vst v11  }
0x7f: {  	v11 =	vld [tilespmem:s12+$0x10];
	_ =	sdelay $0x2  }
0x80: {  	v12 =	vperm.xlane v10, v3;
	_ =	sdelay $0x1  }
0x81: {  	v11 =	vmul.f32 v12, v11;
	_ =	sdelay $0x1  }
0x82: {  	[tilespmem:s13+$0x10] =	vst v11  }
0x83: {  	v11 =	vld [tilespmem:s12+$0x20];
	_ =	sdelay $0x2  }
0x84: {  	v12 =	vperm.xlane v10, v4;
	_ =	sdelay $0x1  }
0x85: {  	v11 =	vmul.f32 v12, v11;
	_ =	sdelay $0x1  }
0x86: {  	[tilespmem:s13+$0x20] =	vst v11  }
0x87: {  	v11 =	vld [tilespmem:s12+$0x30];
	_ =	sdelay $0x2  }
0x88: {  	v12 =	vperm.xlane v10, v5;
	_ =	sdelay $0x1  }
0x89: {  	v11 =	vmul.f32 v12, v11;
	_ =	sdelay $0x1  }
0x8a: {  	[tilespmem:s13+$0x30] =	vst v11  }
0x8b: {  	v11 =	vld [tilespmem:s12+$0x40];
	_ =	sdelay $0x2  }
0x8c: {  	v12 =	vperm.xlane v10, v6;
	_ =	sdelay $0x1  }
0x8d: {  	v11 =	vmul.f32 v12, v11;
	_ =	sdelay $0x1  }
0x8e: {  	[tilespmem:s13+$0x40] =	vst v11  }
0x8f: {  	v11 =	vld [tilespmem:s12+$0x50];
	_ =	sdelay $0x2  }
0x90: {  	v12 =	vperm.xlane v10, v7;
	_ =	sdelay $0x1  }
0x91: {  	v11 =	vmul.f32 v12, v11;
	_ =	sdelay $0x1  }
0x92: {  	[tilespmem:s13+$0x50] =	vst v11  }
0x93: {  	v11 =	vld [tilespmem:s12+$0x60];
	_ =	sdelay $0x2  }
0x94: {  	v12 =	vperm.xlane v10, v8;
	_ =	sdelay $0x1  }
0x95: {  	v11 =	vmul.f32 v12, v11;
	_ =	sdelay $0x1  }
0x96: {  	s8 =	simm.s32 $0x4;
	[tilespmem:s13+$0x60] =	vst v11  }
0x97: {  	v12 =	vmov s8;
	v11 =	vld [tilespmem:s12+$0x70]  }
0x98: {  	v12 =	vshll.u32 v12, $0x3  }
0x99: {  	v13 =	vor.u32 v1, v12  }
0x9a: {  	s14 =	simm.s32 $0x2;
	s15 =	simm.s32 $0x11E20;
	v12 =	vperm.xlane v10, v9;
	v10 =	vor.u32 v2, v13  }
.LBB2_3:
0x9b: {  	_ = 	snop  }
0x9c: {  	s14 =	sadd.s32 $0x2, s14;
	s12 =	sadd.s32 $0x100, s12;
	s13 =	sadd.s32 $0x100, s13;
	v11 =	vmul.f32 v12, v11  }
0x9d: {  	p1 =	slt.u32 s14, $0x26  }
0x9e: {  	[tilespmem:s15+$0x70] =	vst v11;
	s15 =	smov.u32 s13  }
0x9f: {  	v11 =	vld.idx.msk [tilespmem:v10+s22+$0x0], $0xffff  }
0xa0: {  	v12 =	vld.idx.msk [tilespmem:v10+s23+$0x0], $0xffff;
	_ =	sdelay $0x5  }
0xa1: {  	v11 =	vadd.f32 v12, v11;
	_ =	sdelay $0x1  }
0xa2: {  	v12 =	vmul.f32 $2.000000030e-01, v11;
	_ =	sdelay $0x1  }
0xa3: {  	v11 =	vmax.f32 v11, v12  }
0xa4: {  	v11 =	vmul.f32 $1.442695020e+00, v11;
	_ =	sdelay $0x1  }
0xa5: {  	(erf) = vpow2.f32 v11;
	_ =	sdelay $0x8  }
0xa6: {  	v11 =	vpop (erf)  }
0xa7: {  	[tilespmem:v10+s1+$0x0] =	vst.idx.msk $0xffff, v11  }
0xa8: {  	v10 =	vld [tilespmem:s12+$0xFFFFFF80];
	_ =	sdelay $0x1  }
0xa9: {  	v12 =	vperm.xlane v11, v0;
	_ =	sdelay $0x2  }
0xaa: {  	v10 =	vmul.f32 v12, v10;
	_ =	sdelay $0x1  }
0xab: {  	[tilespmem:s13+$0xFFFFFF80] =	vst v10  }
0xac: {  	v10 =	vld [tilespmem:s12+$0xFFFFFF90];
	_ =	sdelay $0x1  }
0xad: {  	v12 =	vperm.xlane v11, v3;
	_ =	sdelay $0x2  }
0xae: {  	v10 =	vmul.f32 v12, v10;
	_ =	sdelay $0x1  }
0xaf: {  	[tilespmem:s13+$0xFFFFFF90] =	vst v10  }
0xb0: {  	v10 =	vld [tilespmem:s12+$0xFFFFFFA0];
	_ =	sdelay $0x1  }
0xb1: {  	v12 =	vperm.xlane v11, v4;
	_ =	sdelay $0x2  }
0xb2: {  	v10 =	vmul.f32 v12, v10;
	_ =	sdelay $0x1  }
0xb3: {  	[tilespmem:s13+$0xFFFFFFA0] =	vst v10  }
0xb4: {  	v10 =	vld [tilespmem:s12+$0xFFFFFFB0];
	_ =	sdelay $0x1  }
0xb5: {  	v12 =	vperm.xlane v11, v5;
	_ =	sdelay $0x2  }
0xb6: {  	v10 =	vmul.f32 v12, v10;
	_ =	sdelay $0x1  }
0xb7: {  	[tilespmem:s13+$0xFFFFFFB0] =	vst v10  }
0xb8: {  	v10 =	vld [tilespmem:s12+$0xFFFFFFC0];
	_ =	sdelay $0x1  }
0xb9: {  	v12 =	vperm.xlane v11, v6;
	_ =	sdelay $0x2  }
0xba: {  	v10 =	vmul.f32 v12, v10;
	_ =	sdelay $0x1  }
0xbb: {  	[tilespmem:s13+$0xFFFFFFC0] =	vst v10  }
0xbc: {  	v10 =	vld [tilespmem:s12+$0xFFFFFFD0];
	_ =	sdelay $0x1  }
0xbd: {  	v12 =	vperm.xlane v11, v7;
	_ =	sdelay $0x2  }
0xbe: {  	v10 =	vmul.f32 v12, v10;
	_ =	sdelay $0x1  }
0xbf: {  	[tilespmem:s13+$0xFFFFFFD0] =	vst v10  }
0xc0: {  	v10 =	vld [tilespmem:s12+$0xFFFFFFE0];
	_ =	sdelay $0x1  }
0xc1: {  	v12 =	vperm.xlane v11, v8;
	_ =	sdelay $0x2  }
0xc2: {  	v10 =	vmul.f32 v12, v10;
	_ =	sdelay $0x1  }
0xc3: {  	s19 =	sadd.s32 $0x2, s8;
	[tilespmem:s13+$0xFFFFFFE0] =	vst v10  }
0xc4: {  	v12 =	vmov s19;
	v10 =	vld [tilespmem:s12+$0xFFFFFFF0]  }
0xc5: {  	v12 =	vshll.u32 v12, $0x3  }
0xc6: {  	v11 =	vperm.xlane v11, v9;
	v12 =	vor.u32 v1, v12  }
0xc7: {  	v12 =	vor.u32 v2, v12;
	_ =	sdelay $0x1  }
0xc8: {  	v10 =	vmul.f32 v11, v10;
	_ =	sdelay $0x1  }
0xc9: {  	[tilespmem:s13+$0xFFFFFFF0] =	vst v10  }
0xca: {  	v10 =	vld.idx.msk [tilespmem:v12+s22+$0x0], $0xffff  }
0xcb: {  	v11 =	vld.idx.msk [tilespmem:v12+s23+$0x0], $0xffff;
	_ =	sdelay $0x5  }
0xcc: {  	v10 =	vadd.f32 v11, v10;
	_ =	sdelay $0x1  }
0xcd: {  	v11 =	vmul.f32 $2.000000030e-01, v10;
	_ =	sdelay $0x1  }
0xce: {  	v10 =	vmax.f32 v10, v11  }
0xcf: {  	v10 =	vmul.f32 $1.442695020e+00, v10;
	_ =	sdelay $0x1  }
0xd0: {  	(erf) = vpow2.f32 v10;
	_ =	sdelay $0x8  }
0xd1: {  	v10 =	vpop (erf)  }
0xd2: {  	[tilespmem:v12+s1+$0x0] =	vst.idx.msk $0xffff, v10  }
0xd3: {  	v11 =	vld [tilespmem:s12+$0x0]  }
0xd4: {  	v12 =	vperm.xlane v10, v0;
	_ =	sdelay $0x3  }
0xd5: {  	v11 =	vmul.f32 v12, v11;
	_ =	sdelay $0x1  }
0xd6: {  	[tilespmem:s13+$0x0] =	vst v11  }
0xd7: {  	v11 =	vld [tilespmem:s12+$0x10]  }
0xd8: {  	v12 =	vperm.xlane v10, v3;
	_ =	sdelay $0x3  }
0xd9: {  	v11 =	vmul.f32 v12, v11;
	_ =	sdelay $0x1  }
0xda: {  	[tilespmem:s13+$0x10] =	vst v11  }
0xdb: {  	v11 =	vld [tilespmem:s12+$0x20]  }
0xdc: {  	v12 =	vperm.xlane v10, v4;
	_ =	sdelay $0x3  }
0xdd: {  	v11 =	vmul.f32 v12, v11;
	_ =	sdelay $0x1  }
0xde: {  	[tilespmem:s13+$0x20] =	vst v11  }
0xdf: {  	v11 =	vld [tilespmem:s12+$0x30]  }
0xe0: {  	v12 =	vperm.xlane v10, v5;
	_ =	sdelay $0x3  }
0xe1: {  	v11 =	vmul.f32 v12, v11;
	_ =	sdelay $0x1  }
0xe2: {  	[tilespmem:s13+$0x30] =	vst v11  }
0xe3: {  	v11 =	vld [tilespmem:s12+$0x40]  }
0xe4: {  	v12 =	vperm.xlane v10, v6;
	_ =	sdelay $0x3  }
0xe5: {  	v11 =	vmul.f32 v12, v11;
	_ =	sdelay $0x1  }
0xe6: {  	[tilespmem:s13+$0x40] =	vst v11  }
0xe7: {  	v11 =	vld [tilespmem:s12+$0x50]  }
0xe8: {  	v12 =	vperm.xlane v10, v7;
	_ =	sdelay $0x3  }
0xe9: {  	v11 =	vmul.f32 v12, v11;
	_ =	sdelay $0x1  }
0xea: {  	[tilespmem:s13+$0x50] =	vst v11  }
0xeb: {  	v11 =	vld [tilespmem:s12+$0x60]  }
0xec: {  	v12 =	vperm.xlane v10, v8;
	_ =	sdelay $0x3  }
0xed: {  	v11 =	vmul.f32 v12, v11;
	_ =	sdelay $0x1  }
.Ltmp0:
0xee: {  	s8 =	sadd.s32 $0x4, s8;
	[tilespmem:s13+$0x60] =	vst v11;
	(pc) =	sbr.rel @p1 .LBB2_3-.Ltmp0, $4  }
0xef: {  	v12 =	vmov s8;
	v11 =	vld [tilespmem:s12+$0x70]  }
0xf0: {  	v13 =	vshll.u32 v12, $0x3;
	v12 =	vperm.xlane v10, v9  }
0xf1: {  	v10 =	vor.u32 v1, v13  }
0xf2: {  	v10 =	vor.u32 v2, v10  }
0xf3: {  	_ = 	snop  }
0xf4: {  	v11 =	vmul.f32 v12, v11;
	_ =	sdelay $0x1  }
0xf5: {  	[tilespmem:s15+$0x70] =	vst v11  }
0xf6: {  	v11 =	vld.idx.msk [tilespmem:v10+s22+$0x0], $0xffff  }
0xf7: {  	v12 =	vld.idx.msk [tilespmem:v10+s23+$0x0], $0xffff;
	_ =	sdelay $0x4  }
0xf8: {  	v11 =	vadd.f32 v12, v11;
	_ =	sdelay $0x1  }
0xf9: {  	v12 =	vmul.f32 $2.000000030e-01, v11;
	_ =	sdelay $0x1  }
0xfa: {  	v11 =	vmax.f32 v11, v12  }
0xfb: {  	v11 =	vmul.f32 $1.442695020e+00, v11;
	_ =	sdelay $0x1  }
0xfc: {  	(erf) = vpow2.f32 v11;
	_ =	sdelay $0x8  }
0xfd: {  	v11 =	vpop (erf)  }
0xfe: {  	s12 =	sadd.s32 $0x100, s12;
	[tilespmem:v10+s1+$0x0] =	vst.idx.msk $0xffff, v11  }
0xff: {  	v10 =	vld [tilespmem:s12+$0xFFFFFF80];
	_ =	sdelay $0x2  }
0x100: {  	v12 =	vperm.xlane v11, v0;
	_ =	sdelay $0x1  }
0x101: {  	v10 =	vmul.f32 v12, v10  }
0x102: {  	s14 =	sadd.s32 $0x100, s13  }
0x103: {  	[tilespmem:s14+$0xFFFFFF80] =	vst v10  }
0x104: {  	v10 =	vld [tilespmem:s12+$0xFFFFFF90];
	_ =	sdelay $0x2  }
0x105: {  	v12 =	vperm.xlane v11, v3;
	_ =	sdelay $0x1  }
0x106: {  	v10 =	vmul.f32 v12, v10;
	_ =	sdelay $0x1  }
0x107: {  	[tilespmem:s14+$0xFFFFFF90] =	vst v10  }
0x108: {  	v10 =	vld [tilespmem:s12+$0xFFFFFFA0];
	_ =	sdelay $0x2  }
0x109: {  	v12 =	vperm.xlane v11, v4;
	_ =	sdelay $0x1  }
0x10a: {  	v10 =	vmul.f32 v12, v10;
	_ =	sdelay $0x1  }
0x10b: {  	[tilespmem:s14+$0xFFFFFFA0] =	vst v10  }
0x10c: {  	v10 =	vld [tilespmem:s12+$0xFFFFFFB0];
	_ =	sdelay $0x2  }
0x10d: {  	v12 =	vperm.xlane v11, v5;
	_ =	sdelay $0x1  }
0x10e: {  	v10 =	vmul.f32 v12, v10;
	_ =	sdelay $0x1  }
0x10f: {  	[tilespmem:s14+$0xFFFFFFB0] =	vst v10  }
0x110: {  	v10 =	vld [tilespmem:s12+$0xFFFFFFC0];
	_ =	sdelay $0x2  }
0x111: {  	v12 =	vperm.xlane v11, v6;
	_ =	sdelay $0x1  }
0x112: {  	v10 =	vmul.f32 v12, v10;
	_ =	sdelay $0x1  }
0x113: {  	[tilespmem:s14+$0xFFFFFFC0] =	vst v10  }
0x114: {  	v10 =	vld [tilespmem:s12+$0xFFFFFFD0];
	_ =	sdelay $0x2  }
0x115: {  	v12 =	vperm.xlane v11, v7;
	_ =	sdelay $0x1  }
0x116: {  	v10 =	vmul.f32 v12, v10;
	_ =	sdelay $0x1  }
0x117: {  	[tilespmem:s14+$0xFFFFFFD0] =	vst v10  }
0x118: {  	v10 =	vld [tilespmem:s12+$0xFFFFFFE0];
	_ =	sdelay $0x2  }
0x119: {  	v12 =	vperm.xlane v11, v8;
	_ =	sdelay $0x1  }
0x11a: {  	v10 =	vmul.f32 v12, v10;
	_ =	sdelay $0x1  }
0x11b: {  	s8 =	sadd.s32 $0x2, s8;
	[tilespmem:s14+$0xFFFFFFE0] =	vst v10  }
0x11c: {  	v12 =	vmov s8;
	v10 =	vld [tilespmem:s12+$0xFFFFFFF0]  }
0x11d: {  	v12 =	vshll.u32 v12, $0x3  }
0x11e: {  	v12 =	vor.u32 v1, v12  }
0x11f: {  	v11 =	vperm.xlane v11, v9;
	v12 =	vor.u32 v2, v12;
	_ =	sdelay $0x1  }
0x120: {  	v10 =	vmul.f32 v11, v10;
	_ =	sdelay $0x1  }
0x121: {  	[tilespmem:s14+$0xFFFFFFF0] =	vst v10  }
0x122: {  	v10 =	vld.idx.msk [tilespmem:v12+s22+$0x0], $0xffff  }
0x123: {  	v11 =	vld.idx.msk [tilespmem:v12+s23+$0x0], $0xffff;
	_ =	sdelay $0x4  }
0x124: {  	v10 =	vadd.f32 v11, v10;
	_ =	sdelay $0x1  }
0x125: {  	v11 =	vmul.f32 $2.000000030e-01, v10;
	_ =	sdelay $0x1  }
0x126: {  	v10 =	vmax.f32 v10, v11  }
0x127: {  	v10 =	vmul.f32 $1.442695020e+00, v10;
	_ =	sdelay $0x1  }
0x128: {  	(erf) = vpow2.f32 v10;
	_ =	sdelay $0x8  }
0x129: {  	v10 =	vpop (erf)  }
0x12a: {  	[tilespmem:v12+s1+$0x0] =	vst.idx.msk $0xffff, v10  }
0x12b: {  	v11 =	vld [tilespmem:s12+$0x0];
	_ =	sdelay $0x2  }
0x12c: {  	v12 =	vperm.xlane v10, v0;
	_ =	sdelay $0x1  }
0x12d: {  	v11 =	vmul.f32 v12, v11;
	_ =	sdelay $0x1  }
0x12e: {  	[tilespmem:s14+$0x0] =	vst v11  }
0x12f: {  	v11 =	vld [tilespmem:s12+$0x10];
	_ =	sdelay $0x2  }
0x130: {  	v12 =	vperm.xlane v10, v3;
	_ =	sdelay $0x1  }
0x131: {  	v11 =	vmul.f32 v12, v11;
	_ =	sdelay $0x1  }
0x132: {  	[tilespmem:s14+$0x10] =	vst v11  }
0x133: {  	v11 =	vld [tilespmem:s12+$0x20];
	_ =	sdelay $0x2  }
0x134: {  	v12 =	vperm.xlane v10, v4;
	_ =	sdelay $0x1  }
0x135: {  	v11 =	vmul.f32 v12, v11;
	_ =	sdelay $0x1  }
0x136: {  	[tilespmem:s14+$0x20] =	vst v11  }
0x137: {  	v11 =	vld [tilespmem:s12+$0x30];
	_ =	sdelay $0x2  }
0x138: {  	v12 =	vperm.xlane v10, v5;
	_ =	sdelay $0x1  }
0x139: {  	v11 =	vmul.f32 v12, v11;
	_ =	sdelay $0x1  }
0x13a: {  	[tilespmem:s14+$0x30] =	vst v11  }
0x13b: {  	v11 =	vld [tilespmem:s12+$0x40];
	_ =	sdelay $0x2  }
0x13c: {  	v12 =	vperm.xlane v10, v6;
	_ =	sdelay $0x1  }
0x13d: {  	v11 =	vmul.f32 v12, v11;
	_ =	sdelay $0x1  }
0x13e: {  	[tilespmem:s14+$0x40] =	vst v11  }
0x13f: {  	v11 =	vld [tilespmem:s12+$0x50];
	_ =	sdelay $0x2  }
0x140: {  	v12 =	vperm.xlane v10, v7;
	_ =	sdelay $0x1  }
0x141: {  	v11 =	vmul.f32 v12, v11;
	_ =	sdelay $0x1  }
0x142: {  	[tilespmem:s14+$0x50] =	vst v11  }
0x143: {  	v11 =	vld [tilespmem:s12+$0x60];
	_ =	sdelay $0x2  }
0x144: {  	v12 =	vperm.xlane v10, v8;
	_ =	sdelay $0x1  }
0x145: {  	v11 =	vmul.f32 v12, v11;
	_ =	sdelay $0x1  }
0x146: {  	[tilespmem:s14+$0x60] =	vst v11  }
0x147: {  	v11 =	vld [tilespmem:s12+$0x70];
	_ =	sdelay $0x2  }
0x148: {  	v10 =	vperm.xlane v10, v9  }
0x149: {  	s20 =	smul.u32 $0x280, s11  }
0x14a: {  	v10 =	vmul.f32 v10, v11  }
0x14b: {  	s13 =	sshra.s32 s20, $0x2  }
0x14c: {  	s8 =	sadd.s32 $0xDB10, s13;
	[tilespmem:s14+$0x70] =	vst v10  }
0x14d: {  	[spmem:s3] =	stream.indirect.scatter.add.f32 [tilespmem:s1], [sflag:$0x3], $0x8, s8, s21, $0xb8;
	[tilespmem:$0x16120] =	vst v63  }
0x14e: {  	s12 =	smul.u32 $0xA0, s11  }
0x14f: {  	[spmem:s2] =	stream.indirect.scatter.add.f32 [tilespmem:s0], [sflag:$0x3], $0x40, s8, s21, $0xb8;
	[tilespmem:$0x16120] =	vst v63  }
0x150: {  	s9 =	sadd.s32 $0xB4A0, s12  }
0x151: {  	[tilespmem:s22], [sflag:$0x1] =	stream.indirect.gather [hbm4b:s5+s21], $0x8, s9, s21, $0xb8;
	[tilespmem:$0x16120] =	vst v63  }
0x152: {  	s15 =	sadd.s32 $0xDBB0, s12  }
0x153: {  	[tilespmem:s23], [sflag:$0x1] =	stream.indirect.gather [hbm4b:s6+s21], $0x8, s15, s21, $0xb8;
	[tilespmem:$0x16120] =	vst v63  }
0x154: {  	_ = 	snop  }
0x155: {  	[tilespmem:s24], [sflag:$0x1] =	stream.indirect.gather [hbm4b:s7+s21], $0x40, s9, s21, $0xb8;
	[tilespmem:$0x16120] =	vst v63  }
0x156: {  	_ =	swait.ge [sflag:s28], $0x280  }
0x157: {  	[sflag:s28] =	ssyncset.done $0x0  }
0x158: {  	[sflag:s28] =	ssyncadd.s32 $0xFFFFFD80  }
0x159: {  	_ =	swait.ge [sflag:s28], $0x280  }
0x15a: {  	[sflag:s28] =	ssyncset.done $0x0  }
0x15b: {  	[sflag:s28] =	ssyncadd.s32 $0xFFFFFD80  }
0x15c: {  	s19 =	simm.s32 $0x0;
	_ =	swait.ge [sflag:s28], $0x1400  }
0x15d: {  	v10 =	vmov s19;
	[sflag:s28] =	ssyncset.done $0x0  }
0x15e: {  	v10 =	vshll.u32 v10, $0x3;
	s8 =	simm.s32 @!p0 $0x4;
	[sflag:s28] =	ssyncadd.s32 $0xFFFFEC00  }
0x15f: {  	v10 =	vor.u32 v1, v10;
	_ =	swait.ge @!p0 [sflag:s8], $0x280  }
0x160: {  	v10 =	vor.u32 v2, v10;
	[sflag:s8] =	ssyncset.done @!p0 $0x0  }
0x161: {  	[sflag:s8] =	ssyncadd.s32 @!p0 $0xFFFFFD80  }
0x162: {  	_ =	swait.ge @!p0 [sflag:s8], $0x1400  }
0x163: {  	[sflag:s8] =	ssyncset.done @!p0 $0x0  }
0x164: {  	[sflag:s8] =	ssyncadd.s32 @!p0 $0xFFFFEC00  }
0x165: {  	v11 =	vld.idx.msk [tilespmem:v10+s26+$0x0], $0xffff  }
0x166: {  	v12 =	vld.idx.msk [tilespmem:v10+s29+$0x0], $0xffff;
	_ =	sdelay $0x4  }
0x167: {  	v11 =	vadd.f32 v12, v11;
	_ =	sdelay $0x1  }
0x168: {  	v12 =	vmul.f32 $2.000000030e-01, v11;
	_ =	sdelay $0x1  }
0x169: {  	v11 =	vmax.f32 v11, v12  }
0x16a: {  	v11 =	vmul.f32 $1.442695020e+00, v11;
	_ =	sdelay $0x1  }
0x16b: {  	(erf) = vpow2.f32 v11;
	_ =	sdelay $0x8  }
0x16c: {  	v11 =	vpop (erf)  }
0x16d: {  	s14 =	simm.s32 $0x13720;
	[tilespmem:v10+s4+$0x0] =	vst.idx.msk $0xffff, v11  }
0x16e: {  	v10 =	vld [tilespmem:s14+$0xFFFFFF80];
	_ =	sdelay $0x2  }
0x16f: {  	v12 =	vperm.xlane v11, v0;
	_ =	sdelay $0x1  }
0x170: {  	v10 =	vmul.f32 v12, v10  }
0x171: {  	s8 =	simm.s32 $0x14DA0  }
0x172: {  	[tilespmem:s8+$0xFFFFFF80] =	vst v10  }
0x173: {  	v10 =	vld [tilespmem:s14+$0xFFFFFF90];
	_ =	sdelay $0x2  }
0x174: {  	v12 =	vperm.xlane v11, v3;
	_ =	sdelay $0x1  }
0x175: {  	v10 =	vmul.f32 v12, v10;
	_ =	sdelay $0x1  }
0x176: {  	[tilespmem:s8+$0xFFFFFF90] =	vst v10  }
0x177: {  	v10 =	vld [tilespmem:s14+$0xFFFFFFA0];
	_ =	sdelay $0x2  }
0x178: {  	v12 =	vperm.xlane v11, v4;
	_ =	sdelay $0x1  }
0x179: {  	v10 =	vmul.f32 v12, v10;
	_ =	sdelay $0x1  }
0x17a: {  	[tilespmem:s8+$0xFFFFFFA0] =	vst v10  }
0x17b: {  	v10 =	vld [tilespmem:s14+$0xFFFFFFB0];
	_ =	sdelay $0x2  }
0x17c: {  	v12 =	vperm.xlane v11, v5;
	_ =	sdelay $0x1  }
0x17d: {  	v10 =	vmul.f32 v12, v10;
	_ =	sdelay $0x1  }
0x17e: {  	[tilespmem:s8+$0xFFFFFFB0] =	vst v10  }
0x17f: {  	v10 =	vld [tilespmem:s14+$0xFFFFFFC0];
	_ =	sdelay $0x2  }
0x180: {  	v12 =	vperm.xlane v11, v6;
	_ =	sdelay $0x1  }
0x181: {  	v10 =	vmul.f32 v12, v10;
	_ =	sdelay $0x1  }
0x182: {  	[tilespmem:s8+$0xFFFFFFC0] =	vst v10  }
0x183: {  	v10 =	vld [tilespmem:s14+$0xFFFFFFD0];
	_ =	sdelay $0x2  }
0x184: {  	v12 =	vperm.xlane v11, v7;
	_ =	sdelay $0x1  }
0x185: {  	v10 =	vmul.f32 v12, v10;
	_ =	sdelay $0x1  }
0x186: {  	[tilespmem:s8+$0xFFFFFFD0] =	vst v10  }
0x187: {  	v10 =	vld [tilespmem:s14+$0xFFFFFFE0];
	_ =	sdelay $0x2  }
0x188: {  	v12 =	vperm.xlane v11, v8;
	_ =	sdelay $0x1  }
0x189: {  	v10 =	vmul.f32 v12, v10;
	_ =	sdelay $0x1  }
0x18a: {  	s20 =	simm.s32 $0x2;
	[tilespmem:s8+$0xFFFFFFE0] =	vst v10  }
0x18b: {  	v12 =	vmov s20;
	v10 =	vld [tilespmem:s14+$0xFFFFFFF0]  }
0x18c: {  	v12 =	vshll.u32 v12, $0x3  }
0x18d: {  	v12 =	vor.u32 v1, v12  }
0x18e: {  	v11 =	vperm.xlane v11, v9;
	v12 =	vor.u32 v2, v12;
	_ =	sdelay $0x1  }
0x18f: {  	v10 =	vmul.f32 v11, v10;
	_ =	sdelay $0x1  }
0x190: {  	[tilespmem:s8+$0xFFFFFFF0] =	vst v10  }
0x191: {  	v10 =	vld.idx.msk [tilespmem:v12+s26+$0x0], $0xffff  }
0x192: {  	v11 =	vld.idx.msk [tilespmem:v12+s29+$0x0], $0xffff;
	_ =	sdelay $0x4  }
0x193: {  	v10 =	vadd.f32 v11, v10;
	_ =	sdelay $0x1  }
0x194: {  	v11 =	vmul.f32 $2.000000030e-01, v10;
	_ =	sdelay $0x1  }
0x195: {  	v10 =	vmax.f32 v10, v11  }
0x196: {  	v10 =	vmul.f32 $1.442695020e+00, v10;
	_ =	sdelay $0x1  }
0x197: {  	(erf) = vpow2.f32 v10;
	_ =	sdelay $0x8  }
0x198: {  	v10 =	vpop (erf)  }
0x199: {  	[tilespmem:v12+s4+$0x0] =	vst.idx.msk $0xffff, v10  }
0x19a: {  	v11 =	vld [tilespmem:s14+$0x0];
	_ =	sdelay $0x2  }
0x19b: {  	v12 =	vperm.xlane v10, v0;
	_ =	sdelay $0x1  }
0x19c: {  	v11 =	vmul.f32 v12, v11;
	_ =	sdelay $0x1  }
0x19d: {  	[tilespmem:s8+$0x0] =	vst v11  }
0x19e: {  	v11 =	vld [tilespmem:s14+$0x10];
	_ =	sdelay $0x2  }
0x19f: {  	v12 =	vperm.xlane v10, v3;
	_ =	sdelay $0x1  }
0x1a0: {  	v11 =	vmul.f32 v12, v11;
	_ =	sdelay $0x1  }
0x1a1: {  	[tilespmem:s8+$0x10] =	vst v11  }
0x1a2: {  	v11 =	vld [tilespmem:s14+$0x20];
	_ =	sdelay $0x2  }
0x1a3: {  	v12 =	vperm.xlane v10, v4;
	_ =	sdelay $0x1  }
0x1a4: {  	v11 =	vmul.f32 v12, v11;
	_ =	sdelay $0x1  }
0x1a5: {  	[tilespmem:s8+$0x20] =	vst v11  }
0x1a6: {  	v11 =	vld [tilespmem:s14+$0x30];
	_ =	sdelay $0x2  }
0x1a7: {  	v12 =	vperm.xlane v10, v5;
	_ =	sdelay $0x1  }
0x1a8: {  	v11 =	vmul.f32 v12, v11;
	_ =	sdelay $0x1  }
0x1a9: {  	[tilespmem:s8+$0x30] =	vst v11  }
0x1aa: {  	v11 =	vld [tilespmem:s14+$0x40];
	_ =	sdelay $0x2  }
0x1ab: {  	v12 =	vperm.xlane v10, v6;
	_ =	sdelay $0x1  }
0x1ac: {  	v11 =	vmul.f32 v12, v11;
	_ =	sdelay $0x1  }
0x1ad: {  	[tilespmem:s8+$0x40] =	vst v11  }
0x1ae: {  	v11 =	vld [tilespmem:s14+$0x50];
	_ =	sdelay $0x2  }
0x1af: {  	v12 =	vperm.xlane v10, v7;
	_ =	sdelay $0x1  }
0x1b0: {  	v11 =	vmul.f32 v12, v11;
	_ =	sdelay $0x1  }
0x1b1: {  	[tilespmem:s8+$0x50] =	vst v11  }
0x1b2: {  	v11 =	vld [tilespmem:s14+$0x60];
	_ =	sdelay $0x2  }
0x1b3: {  	v12 =	vperm.xlane v10, v8;
	_ =	sdelay $0x1  }
0x1b4: {  	v11 =	vmul.f32 v12, v11;
	_ =	sdelay $0x1  }
0x1b5: {  	s15 =	simm.s32 $0x4;
	[tilespmem:s8+$0x60] =	vst v11  }
0x1b6: {  	v12 =	vmov s15;
	v11 =	vld [tilespmem:s14+$0x70]  }
0x1b7: {  	v12 =	vshll.u32 v12, $0x3  }
0x1b8: {  	v13 =	vor.u32 v1, v12  }
0x1b9: {  	s19 =	simm.s32 $0x2;
	s20 =	simm.s32 $0x14DA0;
	v12 =	vperm.xlane v10, v9;
	v10 =	vor.u32 v2, v13  }
.LBB2_5:
0x1ba: {  	_ = 	snop  }
0x1bb: {  	s19 =	sadd.s32 $0x2, s19;
	s14 =	sadd.s32 $0x100, s14;
	s8 =	sadd.s32 $0x100, s8;
	v11 =	vmul.f32 v12, v11  }
0x1bc: {  	p0 =	slt.u32 s19, $0x26  }
0x1bd: {  	[tilespmem:s20+$0x70] =	vst v11;
	s20 =	smov.u32 s8  }
0x1be: {  	v11 =	vld.idx.msk [tilespmem:v10+s26+$0x0], $0xffff  }
0x1bf: {  	v12 =	vld.idx.msk [tilespmem:v10+s29+$0x0], $0xffff;
	_ =	sdelay $0x5  }
0x1c0: {  	v11 =	vadd.f32 v12, v11;
	_ =	sdelay $0x1  }
0x1c1: {  	v12 =	vmul.f32 $2.000000030e-01, v11;
	_ =	sdelay $0x1  }
0x1c2: {  	v11 =	vmax.f32 v11, v12  }
0x1c3: {  	v11 =	vmul.f32 $1.442695020e+00, v11;
	_ =	sdelay $0x1  }
0x1c4: {  	(erf) = vpow2.f32 v11;
	_ =	sdelay $0x8  }
0x1c5: {  	v11 =	vpop (erf)  }
0x1c6: {  	[tilespmem:v10+s4+$0x0] =	vst.idx.msk $0xffff, v11  }
0x1c7: {  	v10 =	vld [tilespmem:s14+$0xFFFFFF80];
	_ =	sdelay $0x1  }
0x1c8: {  	v12 =	vperm.xlane v11, v0;
	_ =	sdelay $0x2  }
0x1c9: {  	v10 =	vmul.f32 v12, v10;
	_ =	sdelay $0x1  }
0x1ca: {  	[tilespmem:s8+$0xFFFFFF80] =	vst v10  }
0x1cb: {  	v10 =	vld [tilespmem:s14+$0xFFFFFF90];
	_ =	sdelay $0x1  }
0x1cc: {  	v12 =	vperm.xlane v11, v3;
	_ =	sdelay $0x2  }
0x1cd: {  	v10 =	vmul.f32 v12, v10;
	_ =	sdelay $0x1  }
0x1ce: {  	[tilespmem:s8+$0xFFFFFF90] =	vst v10  }
0x1cf: {  	v10 =	vld [tilespmem:s14+$0xFFFFFFA0];
	_ =	sdelay $0x1  }
0x1d0: {  	v12 =	vperm.xlane v11, v4;
	_ =	sdelay $0x2  }
0x1d1: {  	v10 =	vmul.f32 v12, v10;
	_ =	sdelay $0x1  }
0x1d2: {  	[tilespmem:s8+$0xFFFFFFA0] =	vst v10  }
0x1d3: {  	v10 =	vld [tilespmem:s14+$0xFFFFFFB0];
	_ =	sdelay $0x1  }
0x1d4: {  	v12 =	vperm.xlane v11, v5;
	_ =	sdelay $0x2  }
0x1d5: {  	v10 =	vmul.f32 v12, v10;
	_ =	sdelay $0x1  }
0x1d6: {  	[tilespmem:s8+$0xFFFFFFB0] =	vst v10  }
0x1d7: {  	v10 =	vld [tilespmem:s14+$0xFFFFFFC0];
	_ =	sdelay $0x1  }
0x1d8: {  	v12 =	vperm.xlane v11, v6;
	_ =	sdelay $0x2  }
0x1d9: {  	v10 =	vmul.f32 v12, v10;
	_ =	sdelay $0x1  }
0x1da: {  	[tilespmem:s8+$0xFFFFFFC0] =	vst v10  }
0x1db: {  	v10 =	vld [tilespmem:s14+$0xFFFFFFD0];
	_ =	sdelay $0x1  }
0x1dc: {  	v12 =	vperm.xlane v11, v7;
	_ =	sdelay $0x2  }
0x1dd: {  	v10 =	vmul.f32 v12, v10;
	_ =	sdelay $0x1  }
0x1de: {  	[tilespmem:s8+$0xFFFFFFD0] =	vst v10  }
0x1df: {  	v10 =	vld [tilespmem:s14+$0xFFFFFFE0];
	_ =	sdelay $0x1  }
0x1e0: {  	v12 =	vperm.xlane v11, v8;
	_ =	sdelay $0x2  }
0x1e1: {  	v10 =	vmul.f32 v12, v10;
	_ =	sdelay $0x1  }
0x1e2: {  	s9 =	sadd.s32 $0x2, s15;
	[tilespmem:s8+$0xFFFFFFE0] =	vst v10  }
0x1e3: {  	v12 =	vmov s9;
	v10 =	vld [tilespmem:s14+$0xFFFFFFF0]  }
0x1e4: {  	v12 =	vshll.u32 v12, $0x3  }
0x1e5: {  	v11 =	vperm.xlane v11, v9;
	v12 =	vor.u32 v1, v12  }
0x1e6: {  	v12 =	vor.u32 v2, v12;
	_ =	sdelay $0x1  }
0x1e7: {  	v10 =	vmul.f32 v11, v10;
	_ =	sdelay $0x1  }
0x1e8: {  	[tilespmem:s8+$0xFFFFFFF0] =	vst v10  }
0x1e9: {  	v10 =	vld.idx.msk [tilespmem:v12+s26+$0x0], $0xffff  }
0x1ea: {  	v11 =	vld.idx.msk [tilespmem:v12+s29+$0x0], $0xffff;
	_ =	sdelay $0x5  }
0x1eb: {  	v10 =	vadd.f32 v11, v10;
	_ =	sdelay $0x1  }
0x1ec: {  	v11 =	vmul.f32 $2.000000030e-01, v10;
	_ =	sdelay $0x1  }
0x1ed: {  	v10 =	vmax.f32 v10, v11  }
0x1ee: {  	v10 =	vmul.f32 $1.442695020e+00, v10;
	_ =	sdelay $0x1  }
0x1ef: {  	(erf) = vpow2.f32 v10;
	_ =	sdelay $0x8  }
0x1f0: {  	v10 =	vpop (erf)  }
0x1f1: {  	[tilespmem:v12+s4+$0x0] =	vst.idx.msk $0xffff, v10  }
0x1f2: {  	v11 =	vld [tilespmem:s14+$0x0]  }
0x1f3: {  	v12 =	vperm.xlane v10, v0;
	_ =	sdelay $0x3  }
0x1f4: {  	v11 =	vmul.f32 v12, v11;
	_ =	sdelay $0x1  }
0x1f5: {  	[tilespmem:s8+$0x0] =	vst v11  }
0x1f6: {  	v11 =	vld [tilespmem:s14+$0x10]  }
0x1f7: {  	v12 =	vperm.xlane v10, v3;
	_ =	sdelay $0x3  }
0x1f8: {  	v11 =	vmul.f32 v12, v11;
	_ =	sdelay $0x1  }
0x1f9: {  	[tilespmem:s8+$0x10] =	vst v11  }
0x1fa: {  	v11 =	vld [tilespmem:s14+$0x20]  }
0x1fb: {  	v12 =	vperm.xlane v10, v4;
	_ =	sdelay $0x3  }
0x1fc: {  	v11 =	vmul.f32 v12, v11;
	_ =	sdelay $0x1  }
0x1fd: {  	[tilespmem:s8+$0x20] =	vst v11  }
0x1fe: {  	v11 =	vld [tilespmem:s14+$0x30]  }
0x1ff: {  	v12 =	vperm.xlane v10, v5;
	_ =	sdelay $0x3  }
0x200: {  	v11 =	vmul.f32 v12, v11;
	_ =	sdelay $0x1  }
0x201: {  	[tilespmem:s8+$0x30] =	vst v11  }
0x202: {  	v11 =	vld [tilespmem:s14+$0x40]  }
0x203: {  	v12 =	vperm.xlane v10, v6;
	_ =	sdelay $0x3  }
0x204: {  	v11 =	vmul.f32 v12, v11;
	_ =	sdelay $0x1  }
0x205: {  	[tilespmem:s8+$0x40] =	vst v11  }
0x206: {  	v11 =	vld [tilespmem:s14+$0x50]  }
0x207: {  	v12 =	vperm.xlane v10, v7;
	_ =	sdelay $0x3  }
0x208: {  	v11 =	vmul.f32 v12, v11;
	_ =	sdelay $0x1  }
0x209: {  	[tilespmem:s8+$0x50] =	vst v11  }
0x20a: {  	v11 =	vld [tilespmem:s14+$0x60]  }
0x20b: {  	v12 =	vperm.xlane v10, v8;
	_ =	sdelay $0x3  }
0x20c: {  	v11 =	vmul.f32 v12, v11;
	_ =	sdelay $0x1  }
.Ltmp1:
0x20d: {  	s15 =	sadd.s32 $0x4, s15;
	[tilespmem:s8+$0x60] =	vst v11;
	(pc) =	sbr.rel @p0 .LBB2_5-.Ltmp1, $4  }
0x20e: {  	v12 =	vmov s15;
	v11 =	vld [tilespmem:s14+$0x70]  }
0x20f: {  	v13 =	vshll.u32 v12, $0x3;
	v12 =	vperm.xlane v10, v9  }
0x210: {  	v10 =	vor.u32 v1, v13  }
0x211: {  	v10 =	vor.u32 v2, v10  }
0x212: {  	_ = 	snop  }
0x213: {  	v11 =	vmul.f32 v12, v11;
	_ =	sdelay $0x1  }
0x214: {  	[tilespmem:s20+$0x70] =	vst v11  }
0x215: {  	v11 =	vld.idx.msk [tilespmem:v10+s26+$0x0], $0xffff  }
0x216: {  	v48 =	vld.idx.msk [tilespmem:v10+s29+$0x0], $0xffff;
	_ =	sdelay $0x4  }
0x217: {  	v11 =	vadd.f32 v48, v11;
	_ =	sdelay $0x1  }
0x218: {  	v12 =	vmul.f32 $2.000000030e-01, v11;
	_ =	sdelay $0x1  }
0x219: {  	v11 =	vmax.f32 v11, v12  }
0x21a: {  	v11 =	vmul.f32 $1.442695020e+00, v11;
	_ =	sdelay $0x1  }
0x21b: {  	(erf) = vpow2.f32 v11;
	_ =	sdelay $0x8  }
0x21c: {  	v11 =	vpop (erf)  }
0x21d: {  	s14 =	sadd.s32 $0x100, s14;
	[tilespmem:v10+s4+$0x0] =	vst.idx.msk $0xffff, v11  }
0x21e: {  	v10 =	vld [tilespmem:s14+$0xFFFFFF80];
	_ =	sdelay $0x2  }
0x21f: {  	v49 =	vperm.xlane v11, v0;
	_ =	sdelay $0x1  }
0x220: {  	v10 =	vmul.f32 v49, v10  }
0x221: {  	s8 =	sadd.s32 $0x100, s8  }
0x222: {  	[tilespmem:s8+$0xFFFFFF80] =	vst v10  }
0x223: {  	v10 =	vld [tilespmem:s14+$0xFFFFFF90];
	_ =	sdelay $0x2  }
0x224: {  	v50 =	vperm.xlane v11, v3;
	_ =	sdelay $0x1  }
0x225: {  	v10 =	vmul.f32 v50, v10;
	_ =	sdelay $0x1  }
0x226: {  	[tilespmem:s8+$0xFFFFFF90] =	vst v10  }
0x227: {  	v10 =	vld [tilespmem:s14+$0xFFFFFFA0];
	_ =	sdelay $0x2  }
0x228: {  	v51 =	vperm.xlane v11, v4;
	_ =	sdelay $0x1  }
0x229: {  	v10 =	vmul.f32 v51, v10;
	_ =	sdelay $0x1  }
0x22a: {  	[tilespmem:s8+$0xFFFFFFA0] =	vst v10  }
0x22b: {  	v10 =	vld [tilespmem:s14+$0xFFFFFFB0];
	_ =	sdelay $0x2  }
0x22c: {  	v52 =	vperm.xlane v11, v5;
	_ =	sdelay $0x1  }
0x22d: {  	v10 =	vmul.f32 v52, v10;
	_ =	sdelay $0x1  }
0x22e: {  	[tilespmem:s8+$0xFFFFFFB0] =	vst v10  }
0x22f: {  	v10 =	vld [tilespmem:s14+$0xFFFFFFC0];
	_ =	sdelay $0x2  }
0x230: {  	v53 =	vperm.xlane v11, v6;
	_ =	sdelay $0x1  }
0x231: {  	v10 =	vmul.f32 v53, v10;
	_ =	sdelay $0x1  }
0x232: {  	[tilespmem:s8+$0xFFFFFFC0] =	vst v10  }
0x233: {  	v10 =	vld [tilespmem:s14+$0xFFFFFFD0];
	_ =	sdelay $0x2  }
0x234: {  	v54 =	vperm.xlane v11, v7;
	_ =	sdelay $0x1  }
0x235: {  	v10 =	vmul.f32 v54, v10;
	_ =	sdelay $0x1  }
0x236: {  	[tilespmem:s8+$0xFFFFFFD0] =	vst v10  }
0x237: {  	v10 =	vld [tilespmem:s14+$0xFFFFFFE0];
	_ =	sdelay $0x2  }
0x238: {  	v55 =	vperm.xlane v11, v8;
	_ =	sdelay $0x1  }
0x239: {  	v10 =	vmul.f32 v55, v10;
	_ =	sdelay $0x1  }
0x23a: {  	s9 =	sadd.s32 $0x2, s15;
	[tilespmem:s8+$0xFFFFFFE0] =	vst v10  }
0x23b: {  	v56 =	vmov s9;
	v10 =	vld [tilespmem:s14+$0xFFFFFFF0]  }
0x23c: {  	v12 =	vshll.u32 v56, $0x3  }
0x23d: {  	v12 =	vor.u32 v1, v12  }
0x23e: {  	v12 =	vor.u32 v2, v12;
	v11 =	vperm.xlane v11, v9;
	_ =	sdelay $0x1  }
0x23f: {  	v10 =	vmul.f32 v11, v10;
	_ =	sdelay $0x1  }
0x240: {  	[tilespmem:s8+$0xFFFFFFF0] =	vst v10  }
0x241: {  	v10 =	vld.idx.msk [tilespmem:v12+s26+$0x0], $0xffff  }
0x242: {  	v11 =	vld.idx.msk [tilespmem:v12+s29+$0x0], $0xffff;
	_ =	sdelay $0x4  }
0x243: {  	v10 =	vadd.f32 v11, v10;
	_ =	sdelay $0x1  }
0x244: {  	v11 =	vmul.f32 $2.000000030e-01, v10;
	_ =	sdelay $0x1  }
0x245: {  	v10 =	vmax.f32 v10, v11  }
0x246: {  	v10 =	vmul.f32 $1.442695020e+00, v10;
	_ =	sdelay $0x1  }
0x247: {  	(erf) = vpow2.f32 v10;
	_ =	sdelay $0x8  }
0x248: {  	v10 =	vpop (erf)  }
0x249: {  	[tilespmem:v12+s4+$0x0] =	vst.idx.msk $0xffff, v10  }
0x24a: {  	v11 =	vld [tilespmem:s14+$0x0];
	_ =	sdelay $0x2  }
0x24b: {  	v57 =	vperm.xlane v10, v0;
	_ =	sdelay $0x1  }
0x24c: {  	v11 =	vmul.f32 v57, v11;
	_ =	sdelay $0x1  }
0x24d: {  	[tilespmem:s8+$0x0] =	vst v11  }
0x24e: {  	v11 =	vld [tilespmem:s14+$0x10];
	_ =	sdelay $0x2  }
0x24f: {  	v58 =	vperm.xlane v10, v3;
	_ =	sdelay $0x1  }
0x250: {  	v11 =	vmul.f32 v58, v11;
	_ =	sdelay $0x1  }
0x251: {  	[tilespmem:s8+$0x10] =	vst v11  }
0x252: {  	v11 =	vld [tilespmem:s14+$0x20];
	_ =	sdelay $0x2  }
0x253: {  	v59 =	vperm.xlane v10, v4;
	_ =	sdelay $0x1  }
0x254: {  	v11 =	vmul.f32 v59, v11;
	_ =	sdelay $0x1  }
0x255: {  	[tilespmem:s8+$0x20] =	vst v11  }
0x256: {  	v11 =	vld [tilespmem:s14+$0x30];
	_ =	sdelay $0x2  }
0x257: {  	v60 =	vperm.xlane v10, v5;
	_ =	sdelay $0x1  }
0x258: {  	v11 =	vmul.f32 v60, v11;
	_ =	sdelay $0x1  }
0x259: {  	[tilespmem:s8+$0x30] =	vst v11  }
0x25a: {  	v11 =	vld [tilespmem:s14+$0x40];
	_ =	sdelay $0x2  }
0x25b: {  	v61 =	vperm.xlane v10, v6;
	_ =	sdelay $0x1  }
0x25c: {  	v11 =	vmul.f32 v61, v11;
	_ =	sdelay $0x1  }
0x25d: {  	[tilespmem:s8+$0x40] =	vst v11  }
0x25e: {  	v11 =	vld [tilespmem:s14+$0x50];
	_ =	sdelay $0x2  }
0x25f: {  	v62 =	vperm.xlane v10, v7;
	_ =	sdelay $0x1  }
0x260: {  	v11 =	vmul.f32 v62, v11;
	_ =	sdelay $0x1  }
0x261: {  	[tilespmem:s8+$0x50] =	vst v11  }
0x262: {  	v11 =	vld [tilespmem:s14+$0x60];
	_ =	sdelay $0x2  }
0x263: {  	v63 =	vperm.xlane v10, v8;
	_ =	sdelay $0x1  }
0x264: {  	v11 =	vmul.f32 v63, v11;
	_ =	sdelay $0x1  }
0x265: {  	[tilespmem:s8+$0x60] =	vst v11  }
0x266: {  	v11 =	vld [tilespmem:s14+$0x70];
	_ =	sdelay $0x2  }
0x267: {  	v10 =	vperm.xlane v10, v9;
	_ =	sdelay $0x1  }
0x268: {  	p0 =	seq.s32 s11, $0x3D;
	v10 =	vmul.f32 v10, v11  }
.Ltmp2:
0x269: {  	_ = 	snop;
	(pc) =	sbr.rel @p0 .LBB2_8-.Ltmp2, $4  }
0x26a: {  	s20 =	sadd.s32 $0xDB60, s13;
	[tilespmem:s8+$0x70] =	vst v10  }
0x26b: {  	[spmem:s3] =	stream.indirect.scatter.add.f32 [tilespmem:s4], [sflag:$0x4], $0x8, s20, s21, $0xb8;
	[tilespmem:$0x16120] =	vst v63  }
0x26c: {  	_ = 	snop  }
0x26d: {  	[spmem:s2] =	stream.indirect.scatter.add.f32 [tilespmem:s17], [sflag:$0x4], $0x40, s20, s21, $0xb8;
	[tilespmem:$0x16120] =	vst v63  }
0x26e: {  	s8 =	sadd.s32 $0xB4F0, s12  }
0x26f: {  	[tilespmem:s26], [sflag:$0x2] =	stream.indirect.gather [hbm4b:s5+s21], $0x8, s8, s21, $0xb8;
	[tilespmem:$0x16120] =	vst v63  }
.Ltmp3:
0x270: {  	_ = 	snop;
	(pc) =	sbr.rel .LBB2_2-.Ltmp3, $4  }
0x271: {  	s9 =	sadd.s32 $0xDC00, s12  }
0x272: {  	[tilespmem:s29], [sflag:$0x2] =	stream.indirect.gather [hbm4b:s6+s21], $0x8, s9, s21, $0xb8;
	[tilespmem:$0x16120] =	vst v63  }
0x273: {  	s11 =	sadd.s32 $0x1, s11  }
0x274: {  	[tilespmem:s30], [sflag:$0x2] =	stream.indirect.gather [hbm4b:s7+s21], $0x40, s8, s21, $0xb8;
	[tilespmem:$0x16120] =	vst v63  }
.LBB2_8:
0x275: {  	_ =	swait.ge [sflag:s31], $0x280  }
0x276: {  	[sflag:s31] =	ssyncset.done $0x0  }
0x277: {  	[sflag:s31] =	ssyncadd.s32 $0xFFFFFD80  }
0x278: {  	_ =	swait.ge [sflag:s31], $0x280  }
0x279: {  	[sflag:s31] =	ssyncset.done $0x0  }
0x27a: {  	[sflag:s31] =	ssyncadd.s32 $0xFFFFFD80  }
0x27b: {  	s8 =	simm.s32 $0x0;
	_ =	swait.ge [sflag:s31], $0x1400  }
0x27c: {  	v10 =	vmov s8;
	[sflag:s31] =	ssyncset.done $0x0  }
0x27d: {  	v10 =	vshll.u32 v10, $0x3;
	[sflag:s31] =	ssyncadd.s32 $0xFFFFEC00  }
0x27e: {  	v10 =	vor.u32 v1, v10;
	_ =	swait.ge [sflag:s25], $0x280  }
0x27f: {  	v10 =	vor.u32 v2, v10;
	[sflag:s25] =	ssyncset.done $0x0  }
0x280: {  	[sflag:s25] =	ssyncadd.s32 $0xFFFFFD80  }
0x281: {  	_ =	swait.ge [sflag:s25], $0x1400  }
0x282: {  	[sflag:s25] =	ssyncset.done $0x0  }
0x283: {  	[sflag:s25] =	ssyncadd.s32 $0xFFFFEC00  }
0x284: {  	v11 =	vld.idx.msk [tilespmem:v10+s22+$0x0], $0xffff  }
0x285: {  	v12 =	vld.idx.msk [tilespmem:v10+s23+$0x0], $0xffff;
	_ =	sdelay $0x4  }
0x286: {  	v11 =	vadd.f32 v12, v11;
	_ =	sdelay $0x1  }
0x287: {  	v12 =	vmul.f32 $2.000000030e-01, v11;
	_ =	sdelay $0x1  }
0x288: {  	v11 =	vmax.f32 v11, v12  }
0x289: {  	v11 =	vmul.f32 $1.442695020e+00, v11;
	_ =	sdelay $0x1  }
0x28a: {  	(erf) = vpow2.f32 v11;
	_ =	sdelay $0x8  }
0x28b: {  	v11 =	vpop (erf)  }
0x28c: {  	s8 =	simm.s32 $0x107A0;
	[tilespmem:v10+s1+$0x0] =	vst.idx.msk $0xffff, v11  }
0x28d: {  	v10 =	vld [tilespmem:s8+$0xFFFFFF80];
	_ =	sdelay $0x2  }
0x28e: {  	v12 =	vperm.xlane v11, v0;
	_ =	sdelay $0x1  }
0x28f: {  	v10 =	vmul.f32 v12, v10  }
0x290: {  	s11 =	simm.s32 $0x11E20  }
0x291: {  	[tilespmem:s11+$0xFFFFFF80] =	vst v10  }
0x292: {  	v10 =	vld [tilespmem:s8+$0xFFFFFF90];
	_ =	sdelay $0x2  }
0x293: {  	v12 =	vperm.xlane v11, v3;
	_ =	sdelay $0x1  }
0x294: {  	v10 =	vmul.f32 v12, v10;
	_ =	sdelay $0x1  }
0x295: {  	[tilespmem:s11+$0xFFFFFF90] =	vst v10  }
0x296: {  	v10 =	vld [tilespmem:s8+$0xFFFFFFA0];
	_ =	sdelay $0x2  }
0x297: {  	v12 =	vperm.xlane v11, v4;
	_ =	sdelay $0x1  }
0x298: {  	v10 =	vmul.f32 v12, v10;
	_ =	sdelay $0x1  }
0x299: {  	[tilespmem:s11+$0xFFFFFFA0] =	vst v10  }
0x29a: {  	v10 =	vld [tilespmem:s8+$0xFFFFFFB0];
	_ =	sdelay $0x2  }
0x29b: {  	v12 =	vperm.xlane v11, v5;
	_ =	sdelay $0x1  }
0x29c: {  	v10 =	vmul.f32 v12, v10;
	_ =	sdelay $0x1  }
0x29d: {  	[tilespmem:s11+$0xFFFFFFB0] =	vst v10  }
0x29e: {  	v10 =	vld [tilespmem:s8+$0xFFFFFFC0];
	_ =	sdelay $0x2  }
0x29f: {  	v12 =	vperm.xlane v11, v6;
	_ =	sdelay $0x1  }
0x2a0: {  	v10 =	vmul.f32 v12, v10;
	_ =	sdelay $0x1  }
0x2a1: {  	[tilespmem:s11+$0xFFFFFFC0] =	vst v10  }
0x2a2: {  	v10 =	vld [tilespmem:s8+$0xFFFFFFD0];
	_ =	sdelay $0x2  }
0x2a3: {  	v12 =	vperm.xlane v11, v7;
	_ =	sdelay $0x1  }
0x2a4: {  	v10 =	vmul.f32 v12, v10;
	_ =	sdelay $0x1  }
0x2a5: {  	[tilespmem:s11+$0xFFFFFFD0] =	vst v10  }
0x2a6: {  	v10 =	vld [tilespmem:s8+$0xFFFFFFE0];
	_ =	sdelay $0x2  }
0x2a7: {  	v12 =	vperm.xlane v11, v8;
	_ =	sdelay $0x1  }
0x2a8: {  	v10 =	vmul.f32 v12, v10;
	_ =	sdelay $0x1  }
0x2a9: {  	s9 =	simm.s32 $0x2;
	[tilespmem:s11+$0xFFFFFFE0] =	vst v10  }
0x2aa: {  	v12 =	vmov s9;
	v10 =	vld [tilespmem:s8+$0xFFFFFFF0]  }
0x2ab: {  	v12 =	vshll.u32 v12, $0x3  }
0x2ac: {  	v12 =	vor.u32 v1, v12  }
0x2ad: {  	v11 =	vperm.xlane v11, v9;
	v12 =	vor.u32 v2, v12;
	_ =	sdelay $0x1  }
0x2ae: {  	v10 =	vmul.f32 v11, v10;
	_ =	sdelay $0x1  }
0x2af: {  	[tilespmem:s11+$0xFFFFFFF0] =	vst v10  }
0x2b0: {  	v10 =	vld.idx.msk [tilespmem:v12+s22+$0x0], $0xffff  }
0x2b1: {  	v11 =	vld.idx.msk [tilespmem:v12+s23+$0x0], $0xffff;
	_ =	sdelay $0x4  }
0x2b2: {  	v10 =	vadd.f32 v11, v10;
	_ =	sdelay $0x1  }
0x2b3: {  	v11 =	vmul.f32 $2.000000030e-01, v10;
	_ =	sdelay $0x1  }
0x2b4: {  	v10 =	vmax.f32 v10, v11  }
0x2b5: {  	v10 =	vmul.f32 $1.442695020e+00, v10;
	_ =	sdelay $0x1  }
0x2b6: {  	(erf) = vpow2.f32 v10;
	_ =	sdelay $0x8  }
0x2b7: {  	v10 =	vpop (erf)  }
0x2b8: {  	[tilespmem:v12+s1+$0x0] =	vst.idx.msk $0xffff, v10  }
0x2b9: {  	v11 =	vld [tilespmem:s8+$0x0];
	_ =	sdelay $0x2  }
0x2ba: {  	v12 =	vperm.xlane v10, v0;
	_ =	sdelay $0x1  }
0x2bb: {  	v11 =	vmul.f32 v12, v11;
	_ =	sdelay $0x1  }
0x2bc: {  	[tilespmem:s11+$0x0] =	vst v11  }
0x2bd: {  	v11 =	vld [tilespmem:s8+$0x10];
	_ =	sdelay $0x2  }
0x2be: {  	v12 =	vperm.xlane v10, v3;
	_ =	sdelay $0x1  }
0x2bf: {  	v11 =	vmul.f32 v12, v11;
	_ =	sdelay $0x1  }
0x2c0: {  	[tilespmem:s11+$0x10] =	vst v11  }
0x2c1: {  	v11 =	vld [tilespmem:s8+$0x20];
	_ =	sdelay $0x2  }
0x2c2: {  	v12 =	vperm.xlane v10, v4;
	_ =	sdelay $0x1  }
0x2c3: {  	v11 =	vmul.f32 v12, v11;
	_ =	sdelay $0x1  }
0x2c4: {  	[tilespmem:s11+$0x20] =	vst v11  }
0x2c5: {  	v11 =	vld [tilespmem:s8+$0x30];
	_ =	sdelay $0x2  }
0x2c6: {  	v12 =	vperm.xlane v10, v5;
	_ =	sdelay $0x1  }
0x2c7: {  	v11 =	vmul.f32 v12, v11;
	_ =	sdelay $0x1  }
0x2c8: {  	[tilespmem:s11+$0x30] =	vst v11  }
0x2c9: {  	v11 =	vld [tilespmem:s8+$0x40];
	_ =	sdelay $0x2  }
0x2ca: {  	v12 =	vperm.xlane v10, v6;
	_ =	sdelay $0x1  }
0x2cb: {  	v11 =	vmul.f32 v12, v11;
	_ =	sdelay $0x1  }
0x2cc: {  	[tilespmem:s11+$0x40] =	vst v11  }
0x2cd: {  	v11 =	vld [tilespmem:s8+$0x50];
	_ =	sdelay $0x2  }
0x2ce: {  	v12 =	vperm.xlane v10, v7;
	_ =	sdelay $0x1  }
0x2cf: {  	v11 =	vmul.f32 v12, v11;
	_ =	sdelay $0x1  }
0x2d0: {  	[tilespmem:s11+$0x50] =	vst v11  }
0x2d1: {  	v11 =	vld [tilespmem:s8+$0x60];
	_ =	sdelay $0x2  }
0x2d2: {  	v12 =	vperm.xlane v10, v8;
	_ =	sdelay $0x1  }
0x2d3: {  	v11 =	vmul.f32 v12, v11;
	_ =	sdelay $0x1  }
0x2d4: {  	s12 =	simm.s32 $0x4;
	[tilespmem:s11+$0x60] =	vst v11  }
0x2d5: {  	v12 =	vmov s12;
	v11 =	vld [tilespmem:s8+$0x70]  }
0x2d6: {  	v12 =	vshll.u32 v12, $0x3  }
0x2d7: {  	v13 =	vor.u32 v1, v12  }
0x2d8: {  	s13 =	simm.s32 $0x2;
	s14 =	simm.s32 $0x11E20;
	v12 =	vperm.xlane v10, v9;
	v10 =	vor.u32 v2, v13  }
.LBB2_9:
0x2d9: {  	_ = 	snop  }
0x2da: {  	s13 =	sadd.s32 $0x2, s13;
	s8 =	sadd.s32 $0x100, s8;
	s11 =	sadd.s32 $0x100, s11;
	v11 =	vmul.f32 v12, v11  }
0x2db: {  	p0 =	slt.u32 s13, $0x26  }
0x2dc: {  	[tilespmem:s14+$0x70] =	vst v11;
	s14 =	smov.u32 s11  }
0x2dd: {  	v11 =	vld.idx.msk [tilespmem:v10+s22+$0x0], $0xffff  }
0x2de: {  	v12 =	vld.idx.msk [tilespmem:v10+s23+$0x0], $0xffff;
	_ =	sdelay $0x5  }
0x2df: {  	v11 =	vadd.f32 v12, v11;
	_ =	sdelay $0x1  }
0x2e0: {  	v12 =	vmul.f32 $2.000000030e-01, v11;
	_ =	sdelay $0x1  }
0x2e1: {  	v11 =	vmax.f32 v11, v12  }
0x2e2: {  	v11 =	vmul.f32 $1.442695020e+00, v11;
	_ =	sdelay $0x1  }
0x2e3: {  	(erf) = vpow2.f32 v11;
	_ =	sdelay $0x8  }
0x2e4: {  	v11 =	vpop (erf)  }
0x2e5: {  	[tilespmem:v10+s1+$0x0] =	vst.idx.msk $0xffff, v11  }
0x2e6: {  	v10 =	vld [tilespmem:s8+$0xFFFFFF80];
	_ =	sdelay $0x1  }
0x2e7: {  	v12 =	vperm.xlane v11, v0;
	_ =	sdelay $0x2  }
0x2e8: {  	v10 =	vmul.f32 v12, v10;
	_ =	sdelay $0x1  }
0x2e9: {  	[tilespmem:s11+$0xFFFFFF80] =	vst v10  }
0x2ea: {  	v10 =	vld [tilespmem:s8+$0xFFFFFF90];
	_ =	sdelay $0x1  }
0x2eb: {  	v12 =	vperm.xlane v11, v3;
	_ =	sdelay $0x2  }
0x2ec: {  	v10 =	vmul.f32 v12, v10;
	_ =	sdelay $0x1  }
0x2ed: {  	[tilespmem:s11+$0xFFFFFF90] =	vst v10  }
0x2ee: {  	v10 =	vld [tilespmem:s8+$0xFFFFFFA0];
	_ =	sdelay $0x1  }
0x2ef: {  	v12 =	vperm.xlane v11, v4;
	_ =	sdelay $0x2  }
0x2f0: {  	v10 =	vmul.f32 v12, v10;
	_ =	sdelay $0x1  }
0x2f1: {  	[tilespmem:s11+$0xFFFFFFA0] =	vst v10  }
0x2f2: {  	v10 =	vld [tilespmem:s8+$0xFFFFFFB0];
	_ =	sdelay $0x1  }
0x2f3: {  	v12 =	vperm.xlane v11, v5;
	_ =	sdelay $0x2  }
0x2f4: {  	v10 =	vmul.f32 v12, v10;
	_ =	sdelay $0x1  }
0x2f5: {  	[tilespmem:s11+$0xFFFFFFB0] =	vst v10  }
0x2f6: {  	v10 =	vld [tilespmem:s8+$0xFFFFFFC0];
	_ =	sdelay $0x1  }
0x2f7: {  	v12 =	vperm.xlane v11, v6;
	_ =	sdelay $0x2  }
0x2f8: {  	v10 =	vmul.f32 v12, v10;
	_ =	sdelay $0x1  }
0x2f9: {  	[tilespmem:s11+$0xFFFFFFC0] =	vst v10  }
0x2fa: {  	v10 =	vld [tilespmem:s8+$0xFFFFFFD0];
	_ =	sdelay $0x1  }
0x2fb: {  	v12 =	vperm.xlane v11, v7;
	_ =	sdelay $0x2  }
0x2fc: {  	v10 =	vmul.f32 v12, v10;
	_ =	sdelay $0x1  }
0x2fd: {  	[tilespmem:s11+$0xFFFFFFD0] =	vst v10  }
0x2fe: {  	v10 =	vld [tilespmem:s8+$0xFFFFFFE0];
	_ =	sdelay $0x1  }
0x2ff: {  	v12 =	vperm.xlane v11, v8;
	_ =	sdelay $0x2  }
0x300: {  	v10 =	vmul.f32 v12, v10;
	_ =	sdelay $0x1  }
0x301: {  	s9 =	sadd.s32 $0x2, s12;
	[tilespmem:s11+$0xFFFFFFE0] =	vst v10  }
0x302: {  	v12 =	vmov s9;
	v10 =	vld [tilespmem:s8+$0xFFFFFFF0]  }
0x303: {  	v12 =	vshll.u32 v12, $0x3  }
0x304: {  	v11 =	vperm.xlane v11, v9;
	v12 =	vor.u32 v1, v12  }
0x305: {  	v12 =	vor.u32 v2, v12;
	_ =	sdelay $0x1  }
0x306: {  	v10 =	vmul.f32 v11, v10;
	_ =	sdelay $0x1  }
0x307: {  	[tilespmem:s11+$0xFFFFFFF0] =	vst v10  }
0x308: {  	v10 =	vld.idx.msk [tilespmem:v12+s22+$0x0], $0xffff  }
0x309: {  	v11 =	vld.idx.msk [tilespmem:v12+s23+$0x0], $0xffff;
	_ =	sdelay $0x5  }
0x30a: {  	v10 =	vadd.f32 v11, v10;
	_ =	sdelay $0x1  }
0x30b: {  	v11 =	vmul.f32 $2.000000030e-01, v10;
	_ =	sdelay $0x1  }
0x30c: {  	v10 =	vmax.f32 v10, v11  }
0x30d: {  	v10 =	vmul.f32 $1.442695020e+00, v10;
	_ =	sdelay $0x1  }
0x30e: {  	(erf) = vpow2.f32 v10;
	_ =	sdelay $0x8  }
0x30f: {  	v10 =	vpop (erf)  }
0x310: {  	[tilespmem:v12+s1+$0x0] =	vst.idx.msk $0xffff, v10  }
0x311: {  	v11 =	vld [tilespmem:s8+$0x0]  }
0x312: {  	v12 =	vperm.xlane v10, v0;
	_ =	sdelay $0x3  }
0x313: {  	v11 =	vmul.f32 v12, v11;
	_ =	sdelay $0x1  }
0x314: {  	[tilespmem:s11+$0x0] =	vst v11  }
0x315: {  	v11 =	vld [tilespmem:s8+$0x10]  }
0x316: {  	v12 =	vperm.xlane v10, v3;
	_ =	sdelay $0x3  }
0x317: {  	v11 =	vmul.f32 v12, v11;
	_ =	sdelay $0x1  }
0x318: {  	[tilespmem:s11+$0x10] =	vst v11  }
0x319: {  	v11 =	vld [tilespmem:s8+$0x20]  }
0x31a: {  	v12 =	vperm.xlane v10, v4;
	_ =	sdelay $0x3  }
0x31b: {  	v11 =	vmul.f32 v12, v11;
	_ =	sdelay $0x1  }
0x31c: {  	[tilespmem:s11+$0x20] =	vst v11  }
0x31d: {  	v11 =	vld [tilespmem:s8+$0x30]  }
0x31e: {  	v12 =	vperm.xlane v10, v5;
	_ =	sdelay $0x3  }
0x31f: {  	v11 =	vmul.f32 v12, v11;
	_ =	sdelay $0x1  }
0x320: {  	[tilespmem:s11+$0x30] =	vst v11  }
0x321: {  	v11 =	vld [tilespmem:s8+$0x40]  }
0x322: {  	v12 =	vperm.xlane v10, v6;
	_ =	sdelay $0x3  }
0x323: {  	v11 =	vmul.f32 v12, v11;
	_ =	sdelay $0x1  }
0x324: {  	[tilespmem:s11+$0x40] =	vst v11  }
0x325: {  	v11 =	vld [tilespmem:s8+$0x50]  }
0x326: {  	v12 =	vperm.xlane v10, v7;
	_ =	sdelay $0x3  }
0x327: {  	v11 =	vmul.f32 v12, v11;
	_ =	sdelay $0x1  }
0x328: {  	[tilespmem:s11+$0x50] =	vst v11  }
0x329: {  	v11 =	vld [tilespmem:s8+$0x60]  }
0x32a: {  	v12 =	vperm.xlane v10, v8;
	_ =	sdelay $0x3  }
0x32b: {  	v11 =	vmul.f32 v12, v11;
	_ =	sdelay $0x1  }
.Ltmp4:
0x32c: {  	s12 =	sadd.s32 $0x4, s12;
	[tilespmem:s11+$0x60] =	vst v11;
	(pc) =	sbr.rel @p0 .LBB2_9-.Ltmp4, $4  }
0x32d: {  	v12 =	vmov s12;
	v11 =	vld [tilespmem:s8+$0x70]  }
0x32e: {  	v13 =	vshll.u32 v12, $0x3;
	v12 =	vperm.xlane v10, v9  }
0x32f: {  	v10 =	vor.u32 v1, v13  }
0x330: {  	v10 =	vor.u32 v2, v10  }
0x331: {  	_ = 	snop  }
0x332: {  	v11 =	vmul.f32 v12, v11;
	_ =	sdelay $0x1  }
0x333: {  	[tilespmem:s14+$0x70] =	vst v11  }
0x334: {  	v11 =	vld.idx.msk [tilespmem:v10+s22+$0x0], $0xffff  }
0x335: {  	v48 =	vld.idx.msk [tilespmem:v10+s23+$0x0], $0xffff;
	_ =	sdelay $0x4  }
0x336: {  	v11 =	vadd.f32 v48, v11;
	_ =	sdelay $0x1  }
0x337: {  	v12 =	vmul.f32 $2.000000030e-01, v11;
	_ =	sdelay $0x1  }
0x338: {  	v11 =	vmax.f32 v11, v12  }
0x339: {  	v11 =	vmul.f32 $1.442695020e+00, v11;
	_ =	sdelay $0x1  }
0x33a: {  	(erf) = vpow2.f32 v11;
	_ =	sdelay $0x8  }
0x33b: {  	v11 =	vpop (erf)  }
0x33c: {  	s8 =	sadd.s32 $0x100, s8;
	[tilespmem:v10+s1+$0x0] =	vst.idx.msk $0xffff, v11  }
0x33d: {  	v10 =	vld [tilespmem:s8+$0xFFFFFF80];
	_ =	sdelay $0x2  }
0x33e: {  	v49 =	vperm.xlane v11, v0;
	_ =	sdelay $0x1  }
0x33f: {  	v10 =	vmul.f32 v49, v10  }
0x340: {  	s11 =	sadd.s32 $0x100, s11  }
0x341: {  	[tilespmem:s11+$0xFFFFFF80] =	vst v10  }
0x342: {  	v10 =	vld [tilespmem:s8+$0xFFFFFF90];
	_ =	sdelay $0x2  }
0x343: {  	v50 =	vperm.xlane v11, v3;
	_ =	sdelay $0x1  }
0x344: {  	v10 =	vmul.f32 v50, v10;
	_ =	sdelay $0x1  }
0x345: {  	[tilespmem:s11+$0xFFFFFF90] =	vst v10  }
0x346: {  	v10 =	vld [tilespmem:s8+$0xFFFFFFA0];
	_ =	sdelay $0x2  }
0x347: {  	v51 =	vperm.xlane v11, v4;
	_ =	sdelay $0x1  }
0x348: {  	v10 =	vmul.f32 v51, v10;
	_ =	sdelay $0x1  }
0x349: {  	[tilespmem:s11+$0xFFFFFFA0] =	vst v10  }
0x34a: {  	v10 =	vld [tilespmem:s8+$0xFFFFFFB0];
	_ =	sdelay $0x2  }
0x34b: {  	v52 =	vperm.xlane v11, v5;
	_ =	sdelay $0x1  }
0x34c: {  	v10 =	vmul.f32 v52, v10;
	_ =	sdelay $0x1  }
0x34d: {  	[tilespmem:s11+$0xFFFFFFB0] =	vst v10  }
0x34e: {  	v10 =	vld [tilespmem:s8+$0xFFFFFFC0];
	_ =	sdelay $0x2  }
0x34f: {  	v53 =	vperm.xlane v11, v6;
	_ =	sdelay $0x1  }
0x350: {  	v10 =	vmul.f32 v53, v10;
	_ =	sdelay $0x1  }
0x351: {  	[tilespmem:s11+$0xFFFFFFC0] =	vst v10  }
0x352: {  	v10 =	vld [tilespmem:s8+$0xFFFFFFD0];
	_ =	sdelay $0x2  }
0x353: {  	v54 =	vperm.xlane v11, v7;
	_ =	sdelay $0x1  }
0x354: {  	v10 =	vmul.f32 v54, v10;
	_ =	sdelay $0x1  }
0x355: {  	[tilespmem:s11+$0xFFFFFFD0] =	vst v10  }
0x356: {  	v10 =	vld [tilespmem:s8+$0xFFFFFFE0];
	_ =	sdelay $0x2  }
0x357: {  	v55 =	vperm.xlane v11, v8;
	_ =	sdelay $0x1  }
0x358: {  	v10 =	vmul.f32 v55, v10;
	_ =	sdelay $0x1  }
0x359: {  	s9 =	sadd.s32 $0x2, s12;
	[tilespmem:s11+$0xFFFFFFE0] =	vst v10  }
0x35a: {  	v56 =	vmov s9;
	v10 =	vld [tilespmem:s8+$0xFFFFFFF0]  }
0x35b: {  	v12 =	vshll.u32 v56, $0x3  }
0x35c: {  	v12 =	vor.u32 v1, v12  }
0x35d: {  	v12 =	vor.u32 v2, v12;
	v11 =	vperm.xlane v11, v9;
	_ =	sdelay $0x1  }
0x35e: {  	v10 =	vmul.f32 v11, v10;
	_ =	sdelay $0x1  }
0x35f: {  	[tilespmem:s11+$0xFFFFFFF0] =	vst v10  }
0x360: {  	v10 =	vld.idx.msk [tilespmem:v12+s22+$0x0], $0xffff  }
0x361: {  	v11 =	vld.idx.msk [tilespmem:v12+s23+$0x0], $0xffff;
	_ =	sdelay $0x4  }
0x362: {  	v10 =	vadd.f32 v11, v10;
	_ =	sdelay $0x1  }
0x363: {  	v11 =	vmul.f32 $2.000000030e-01, v10;
	_ =	sdelay $0x1  }
0x364: {  	v10 =	vmax.f32 v10, v11  }
0x365: {  	v10 =	vmul.f32 $1.442695020e+00, v10;
	_ =	sdelay $0x1  }
0x366: {  	(erf) = vpow2.f32 v10;
	_ =	sdelay $0x8  }
0x367: {  	v10 =	vpop (erf)  }
0x368: {  	[tilespmem:v12+s1+$0x0] =	vst.idx.msk $0xffff, v10  }
0x369: {  	v11 =	vld [tilespmem:s8+$0x0];
	_ =	sdelay $0x2  }
0x36a: {  	v57 =	vperm.xlane v10, v0;
	_ =	sdelay $0x1  }
0x36b: {  	v11 =	vmul.f32 v57, v11;
	_ =	sdelay $0x1  }
0x36c: {  	[tilespmem:s11+$0x0] =	vst v11  }
0x36d: {  	v11 =	vld [tilespmem:s8+$0x10];
	_ =	sdelay $0x2  }
0x36e: {  	v58 =	vperm.xlane v10, v3;
	_ =	sdelay $0x1  }
0x36f: {  	v11 =	vmul.f32 v58, v11;
	_ =	sdelay $0x1  }
0x370: {  	[tilespmem:s11+$0x10] =	vst v11  }
0x371: {  	v11 =	vld [tilespmem:s8+$0x20];
	_ =	sdelay $0x2  }
0x372: {  	v59 =	vperm.xlane v10, v4;
	_ =	sdelay $0x1  }
0x373: {  	v11 =	vmul.f32 v59, v11;
	_ =	sdelay $0x1  }
0x374: {  	[tilespmem:s11+$0x20] =	vst v11  }
0x375: {  	v11 =	vld [tilespmem:s8+$0x30];
	_ =	sdelay $0x2  }
0x376: {  	v60 =	vperm.xlane v10, v5;
	_ =	sdelay $0x1  }
0x377: {  	v11 =	vmul.f32 v60, v11;
	_ =	sdelay $0x1  }
0x378: {  	[tilespmem:s11+$0x30] =	vst v11  }
0x379: {  	v11 =	vld [tilespmem:s8+$0x40];
	_ =	sdelay $0x2  }
0x37a: {  	v61 =	vperm.xlane v10, v6;
	_ =	sdelay $0x1  }
0x37b: {  	v11 =	vmul.f32 v61, v11;
	_ =	sdelay $0x1  }
0x37c: {  	[tilespmem:s11+$0x40] =	vst v11  }
0x37d: {  	v11 =	vld [tilespmem:s8+$0x50];
	_ =	sdelay $0x2  }
0x37e: {  	v62 =	vperm.xlane v10, v7;
	_ =	sdelay $0x1  }
0x37f: {  	v11 =	vmul.f32 v62, v11;
	_ =	sdelay $0x1  }
0x380: {  	[tilespmem:s11+$0x50] =	vst v11  }
0x381: {  	v11 =	vld [tilespmem:s8+$0x60];
	_ =	sdelay $0x2  }
0x382: {  	v63 =	vperm.xlane v10, v8;
	_ =	sdelay $0x1  }
0x383: {  	v11 =	vmul.f32 v63, v11;
	_ =	sdelay $0x1  }
0x384: {  	[tilespmem:s11+$0x60] =	vst v11  }
0x385: {  	v11 =	vld [tilespmem:s8+$0x70];
	_ =	sdelay $0x2  }
0x386: {  	v10 =	vperm.xlane v10, v9;
	_ =	sdelay $0x1  }
0x387: {  	v10 =	vmul.f32 v10, v11;
	_ =	sdelay $0x1  }
0x388: {  	s13 =	simm.s32 $0x101D0;
	[tilespmem:s11+$0x70] =	vst v10  }
0x389: {  	[spmem:s3] =	stream.indirect.scatter.add.f32 [tilespmem:s1], [sflag:$0x3], $0x8, s13, s21, $0xb8;
	[tilespmem:$0x16120] =	vst v63  }
0x38a: {  	_ = 	snop  }
0x38b: {  	[spmem:s2] =	stream.indirect.scatter.add.f32 [tilespmem:s0], [sflag:$0x3], $0x40, s13, s21, $0xb8;
	[tilespmem:$0x16120] =	vst v63  }
0x38c: {  	_ =	swait.ge [sflag:s25], $0x280  }
0x38d: {  	[sflag:s25] =	ssyncset.done $0x0  }
0x38e: {  	[sflag:s25] =	ssyncadd.s32 $0xFFFFFD80  }
0x38f: {  	_ =	swait.ge [sflag:s25], $0x1400  }
0x390: {  	[sflag:s25] =	ssyncset.done $0x0  }
0x391: {  	s14 =	simm.s32 $0x4;
	[sflag:s25] =	ssyncadd.s32 $0xFFFFEC00  }
0x392: {  	_ =	swait.ge [sflag:s14], $0x280  }
0x393: {  	[sflag:s14] =	ssyncset.done $0x0  }
0x394: {  	[sflag:s14] =	ssyncadd.s32 $0xFFFFFD80  }
0x395: {  	_ =	swait.ge [sflag:s14], $0x1400  }
0x396: {  	[sflag:s14] =	ssyncset.done $0x0  }
0x397: {  	[sflag:s14] =	ssyncadd.s32 $0xFFFFEC00  }
0x398: {  	[bflag:$0x0] =	sbarrier.arrive $0xFFFF  }
0x399: {  	s15 =	rddreg [dreg:$0x8]  }
0x39a: {  	s13 =	rddreg [dreg:$0xb]  }
0x39b: {  	[hbm:s15], [sflag:s18] =	dma.local [spmem:s13], $0x1400  }
0x39c: {  	_ =	swait.ge [sflag:s16], $0x1400  }
0x39d: {  	[sflag:s16] =	ssyncset.done $0x0;
	s19 =	rddreg [dreg:$0x9]  }
0x39e: {  	s14 =	rddreg [dreg:$0xc];
	[sflag:s16] =	ssyncadd.s32 $0xFFFFEC00  }
0x39f: {  	[hbm:s19], [sflag:s18] =	dma.local [spmem:s14], $0x280  }
0x3a0: {  	_ =	swait.ge [sflag:s16], $0x280  }
0x3a1: {  	s10 =	sadd.s32 $0x1, s10;
	s20 =	rddreg [dreg:$0xa]  }
0x3a2: {  	p0 =	sne.s32 s10, s20  }
.Ltmp5:
0x3a3: {  	_ = 	snop;
	(pc) =	sbr.rel @p0 .LBB2_1-.Ltmp5, $3  }
0x3a4: {  	_ =	sdelay $0x1  }
0x3a5: {  	[sflag:s16] =	ssyncset.done $0x0  }
0x3a6: {  	[sflag:s16] =	ssyncadd.s32 $0xFFFFFD80  }
0x3a7: {  	_ =	sfence.sel $0x180000  }
0x3a8: {  	[bflag:$0x0] =	sbarrier.arrive $0xFFFF  }
0x3a9: {  	_ =	strace $0x90000047  }
0x3aa: {  	s0 =	stileid.u32;
	[bflag:$0x2] =	sbarrier.arrive $0xFFFF  }
0x3ab: {  	p0 =	sne.s32 s0, $0x0;
	s0 =	rddreg [dreg:$0x3]  }
0x3ac: {  	s0 =	sadd.s32 @!p0 $0x100000, s0  }
0x3ad: {  	[sflag:s0] =	ssyncadd.tile.s32 @!p0 $0x1;
	_ =	shalt  }
.Lfunc_end2:
_tile_overlayer_lowered:
.L_overlay_start_2:
0x3ae: {  	(tag) =	ssettag $0x2  }
0x3af: {  	s0 =	rddreg [dreg:$0x0];
	s2 =	stileid.u32  }
0x3b0: {  	s1 =	rddreg [dreg:$0x1];
	p0 =	sne.s32 s2, $0x0  }
0x3b1: {  	s3 =	rddreg [dreg:$0x2];
	[bflag:$0x3] =	sbarrier.arrive $0xFFFF;
	s2 =	simm.s32 @!p0 $0x1C05  }
0x3b2: {  	[timem:s3], [sflag:s2] =	dma.local @!p0 [hbm:s0], s1  }
0x3b3: {  	s0 =	simm.s32 @!p0 $0x5  }
0x3b4: {  	_ =	swait.ge @!p0 [sflag:s0], s1  }
0x3b5: {  	s1 =	ssub.s32 @!p0 $0x0, s1;
	[sflag:s0] =	ssyncset.done @!p0 $0x0  }
0x3b6: {  	[sflag:s0] =	ssyncadd.s32 @!p0 s1  }
0x3b7: {  	[bflag:$0x3] =	sbarrier.arrive $0xFFFF  }
0x3b8: {  	_ =	shalt  }

</sc_bundles>
